<compile_context>
chip_gen: v7x
topology: tpu7x:2x2x1
jax: 0.10.2.dev20260603
libtpu: 0.0.44.dev20260713+nightly
codegen_flags: <defaults>
</compile_context>

<pallas_src>
import functools

import jax
import jax.numpy as jnp
import numpy as np
from jax import lax
from jax.experimental import pallas as pl
from jax.experimental.pallas import tpu as pltpu
from jax.experimental.pallas import tpu_sc as plsc

B, L, D = 4096, 200, 128
VOCAB = 100000
N = B * L
SUPV = 1024
POSW = 256
CW = SUPV + POSW

NC, NS = 2, 16
NW = NC * NS
GCH = 128
CPW = N // (NW * GCH)

@functools.cache
def _build_sc_gather(n_tok, chunk):
    cpw = n_tok // (NW * GCH)
    mesh = plsc.VectorSubcoreMesh(core_axis_name="c", subcore_axis_name="s")

    @functools.partial(
        pl.kernel,
        mesh=mesh,
        out_type=jax.ShapeDtypeStruct((n_tok, D), jnp.float32),
        scratch_types=[
            pltpu.VMEM((cpw, GCH), jnp.int32),
            pltpu.VMEM((GCH, D), jnp.float32),
            pltpu.VMEM((GCH, D), jnp.float32),
            pltpu.SemaphoreType.DMA,
            pltpu.SemaphoreType.DMA,
        ],
    )
    def _sc_gather_words(ids_hbm, table_hbm, out_hbm, idx_v, rows_a, rows_b, sem_a, sem_b):
        wid = lax.axis_index("s") * NC + lax.axis_index("c")
        base = wid * cpw
        pltpu.sync_copy(ids_hbm.at[chunk, wid], idx_v)

        pltpu.async_copy(table_hbm.at[idx_v.at[0]], rows_a, sem_a)

        def body(j2, _):
            j = 2 * j2
            pltpu.make_async_copy(table_hbm.at[idx_v.at[j]], rows_a, sem_a).wait()
            pltpu.async_copy(table_hbm.at[idx_v.at[j + 1]], rows_b, sem_b)
            pltpu.sync_copy(rows_a, out_hbm.at[pl.ds((base + j) * GCH, GCH), :])
            pltpu.make_async_copy(table_hbm.at[idx_v.at[j + 1]], rows_b, sem_b).wait()

            @pl.when(j + 2 < cpw)
            def _():
                pltpu.async_copy(table_hbm.at[idx_v.at[j + 2]], rows_a, sem_a)

            pltpu.sync_copy(rows_b, out_hbm.at[pl.ds((base + j + 1) * GCH, GCH), :])
            return 0

        lax.fori_loop(0, cpw // 2, body, 0)

    return _sc_gather_words


TT = 6400
TH = 800
GRID = N // TT
NCHUNK = 4
EPS = 1e-12


def _tri_const():
    idx = np.arange(TH)
    tri = ((idx[:, None] // L == idx[None, :] // L)
           & (idx[:, None] <= idx[None, :]))
    return jnp.asarray(tri.astype(np.float32), dtype=jnp.bfloat16)


def _tc_body(ids_ref, sup_ref, wsum_ref, tri_ref, stab_ref, ptab_ref, g_ref, b_ref, out_ref, scra_ref, scrb_ref):
    i = pl.program_id(0)
    p = lax.rem(i, 2)

    def phase_a(dst_ref):
        ids = ids_ref[0]
        sup = sup_ref[0]
        mask = ids != 0
        mf = mask.astype(jnp.bfloat16)
        tri = tri_ref[...]
        cums = jnp.concatenate(
            [jnp.dot(mf[:, k * TH:(k + 1) * TH], tri,
                     preferred_element_type=jnp.float32)
             for k in range(TT // TH)], axis=1)
        pos = cums.astype(jnp.int32) * mask.astype(jnp.int32)

        iota_s = lax.broadcasted_iota(jnp.int32, (SUPV, 1), 0)
        iota_p = lax.broadcasted_iota(jnp.int32, (POSW, 1), 0)
        oh_s = (iota_s == sup).astype(jnp.bfloat16)
        oh_p = (iota_p == pos).astype(jnp.bfloat16)
        embT = (jnp.dot(stab_ref[...], oh_s, preferred_element_type=jnp.float32)
                + jnp.dot(ptab_ref[...], oh_p, preferred_element_type=jnp.float32))
        dst_ref[...] = wsum_ref[...] + embT.T

    def phase_b(src_ref):
        xb = src_ref[...]
        mean = jnp.mean(xb, axis=-1, keepdims=True)
        xc = xb - mean
        var = jnp.mean(xc * xc, axis=-1, keepdims=True)
        y = xc * lax.rsqrt(var + EPS) * g_ref[...] + b_ref[...]
        out_ref[...] = y

    @pl.when(p == 0)
    def _():
        phase_a(scra_ref)
        phase_b(scrb_ref)

    @pl.when(p == 1)
    def _():
        phase_a(scrb_ref)
        phase_b(scra_ref)


def _tc_body_acc(ids_ref, sup_ref, wsum_ref, tri_ref, stab_ref, ptab_ref, g_ref,
                 b_ref, acc_ref, out_ref, scra_ref, scrb_ref):
    del acc_ref
    _tc_body(ids_ref, sup_ref, wsum_ref, tri_ref, stab_ref, ptab_ref, g_ref,
             b_ref, out_ref, scra_ref, scrb_ref)


def _tc_finish(ids3, sup3, wsum, tri, stabT, ptabT, gamma, beta, acc, chunk):
    grid_h = wsum.shape[0] // TT
    base = chunk * grid_h

    base_tc = chunk * grid_h

    def clamped3(i):
        return (base_tc + jnp.minimum(i, grid_h - 1), 0, 0)

    def clamped2(i):
        return (jnp.minimum(i, grid_h - 1), 0)

    in_specs = [
        pl.BlockSpec((1, 1, TT), clamped3),
        pl.BlockSpec((1, 1, TT), clamped3),
        pl.BlockSpec((TT, D), clamped2),
        pl.BlockSpec((TH, TH), lambda i: (0, 0)),
        pl.BlockSpec((D, SUPV), lambda i: (0, 0)),
        pl.BlockSpec((D, POSW), lambda i: (0, 0)),
        pl.BlockSpec((1, D), lambda i: (0, 0)),
        pl.BlockSpec((1, D), lambda i: (0, 0)),
    ]
    args = (ids3, sup3, wsum, tri, stabT, ptabT, gamma, beta)
    if acc is None:
        body, aliases = _tc_body, {}
    else:
        body, aliases = _tc_body_acc, {8: 0}
        in_specs.append(pl.BlockSpec(memory_space=pl.ANY))
        args = args + (acc,)
    return pl.pallas_call(
        body,
        grid=(grid_h + 1,),
        in_specs=in_specs,
        out_specs=pl.BlockSpec((TT, D), lambda i: (base + jnp.maximum(i - 1, 0), 0)),
        out_shape=jax.ShapeDtypeStruct((N, D), jnp.float32),
        input_output_aliases=aliases,
        scratch_shapes=[pltpu.VMEM((TT, D), jnp.float32),
                        pltpu.VMEM((TT, D), jnp.float32)],
    )(*args)


def kernel(input_ids, sup_phoneme_ids, word_embeddings, sup_phoneme_embeddings,
           position_embeddings, ln_gamma, ln_beta):
    ids32 = input_ids.astype(jnp.int32)
    sup32 = sup_phoneme_ids.astype(jnp.int32)

    stabT = sup_phoneme_embeddings.astype(jnp.bfloat16).T
    ptabT = position_embeddings[:POSW].astype(jnp.bfloat16).T
    tri = _tri_const()
    gam = ln_gamma.reshape(1, D)
    bet = ln_beta.reshape(1, D)

    nh = N // NCHUNK
    ids_sc = ids32.reshape(NCHUNK, NW, nh // (NW * GCH), GCH)
    ids_tc = ids32.reshape(GRID, 1, TT)
    sup_tc = sup32.reshape(GRID, 1, TT)
    wsums = [_build_sc_gather(nh, c)(ids_sc, word_embeddings)
             for c in range(NCHUNK)]
    acc = None
    for c in range(NCHUNK):
        acc = _tc_finish(ids_tc, sup_tc, wsums[c], tri, stabT, ptabT,
                         gam, bet, acc, c)
    return acc.reshape(B, L, D)

# --- scband reference (transcript-rebuilt; emitter-appended) ---
"""Pipeline reference for scband-phoneme-bert-embeddings-37580963840525 (READ-ONLY COPY).

The authoritative reference and input builder live on the scoring server;
editing this copy changes nothing except your own understanding.
"""

import jax, jax.numpy as jnp
import numpy as np

VOCAB = 100000
SUP_VOCAB = 1024
D = 128
MAXPOS = 512
PAD = 0
EPS = 1e-12
B, L = 4096, 200


def setup_inputs(seed: int = 0) -> dict:
    key = jax.random.key(seed)
    k1, k2, k3, k4, k5 = jax.random.split(key, 5)
    input_ids = jax.random.randint(k1, (B, L), 0, VOCAB, dtype=jnp.int64) if jax.config.jax_enable_x64 else jax.random.randint(k1, (B, L), 0, VOCAB)
    sup_phoneme_ids = jax.random.randint(k2, (B, L), 0, SUP_VOCAB)
    word_embeddings = jax.random.normal(k3, (VOCAB, D), dtype=jnp.float32) * 0.02
    word_embeddings = word_embeddings.at[PAD].set(0.0)  # padding_idx row is zero
    sup_phoneme_embeddings = jax.random.normal(k4, (SUP_VOCAB, D), dtype=jnp.float32) * 0.02
    sup_phoneme_embeddings = sup_phoneme_embeddings.at[PAD].set(0.0)
    position_embeddings = jax.random.normal(k5, (MAXPOS, D), dtype=jnp.float32) * 0.02
    ln_gamma = jnp.ones((D,), dtype=jnp.float32)
    ln_beta = jnp.zeros((D,), dtype=jnp.float32)
    return {
        "input_ids": input_ids,
        "sup_phoneme_ids": sup_phoneme_ids,
        "word_embeddings": word_embeddings,
        "sup_phoneme_embeddings": sup_phoneme_embeddings,
        "position_embeddings": position_embeddings,
        "ln_gamma": ln_gamma,
        "ln_beta": ln_beta,
    }


def reference(input_ids, sup_phoneme_ids, word_embeddings, sup_phoneme_embeddings,
              position_embeddings, ln_gamma, ln_beta):
    # create_position_ids_from_input_ids
    mask = (input_ids != PAD).astype(jnp.int32)
    incremental_indices = jnp.cumsum(mask, axis=1).astype(jnp.int32) * mask
    position_ids = incremental_indices + PAD

    inputs_embeds = jnp.take(word_embeddings, input_ids, axis=0)
    pos_emb = jnp.take(position_embeddings, position_ids, axis=0)
    sup_emb = jnp.take(sup_phoneme_embeddings, sup_phoneme_ids, axis=0)

    embeddings = inputs_embeds + sup_emb  # use_sup_phoneme=True
    embeddings = embeddings + pos_emb     # position_biased_input=True

    # LayerNorm(eps=1e-12)
    mean = jnp.mean(embeddings, axis=-1, keepdims=True)
    var = jnp.mean(jnp.square(embeddings - mean), axis=-1, keepdims=True)
    embeddings = (embeddings - mean) / jnp.sqrt(var + EPS) * ln_gamma + ln_beta
    # dropout p=0.0 -> identity
    return embeddings

if __name__ == "__main__":
    import jax
    _d = setup_inputs()
    print(jax.jit(kernel)(*tuple(_d.values())))

</pallas_src>

<mosaic_0001>
#map = affine_map<(d0, d1) -> (0, 0, 0, 0)>
#map1 = affine_map<(d0, d1) -> (0, 0)>
module attributes {stable_mosaic.version = 14 : i64} {
  func.func @_sc_gather_words(%arg0: i32, %arg1: i32, %arg2: memref<4x32x50x128xi32, #tpu.memory_space<hbm>>, %arg3: memref<100000x128xf32, #tpu.memory_space<hbm>>, %arg4: memref<204800x128xf32, #tpu.memory_space<hbm>>, %arg5: memref<50x128xi32, #tpu.memory_space<vmem>>, %arg6: memref<128x128xf32, #tpu.memory_space<vmem>>, %arg7: memref<128x128xf32, #tpu.memory_space<vmem>>, %arg8: memref<!tpu.dma_semaphore, #tpu.memory_space<semaphore_mem>>, %arg9: memref<!tpu.dma_semaphore, #tpu.memory_space<semaphore_mem>>) attributes {dimension_semantics = [#tpu.dimension_semantics<core_parallel>, #tpu.dimension_semantics<subcore_parallel>], iteration_bounds = array<i64: 2, 16>, scalar_prefetch = 0 : i64, scratch_operands = 5 : i64, tpu.core_type = #tpu.core_type<sc_vector_subcore>, window_params = [{transform_indices = #map}, {transform_indices = #map1}, {transform_indices = #map1}]} {
    %mul3A = arith.constant 2 : i32
    %mul3A_0 = arith.muli %arg1, %mul3A : i32
    %add3A = arith.addi %mul3A_0, %arg0 : i32
    %mul3A_1 = arith.constant 50 : i32
    %mul3A_2 = arith.muli %add3A, %mul3A_1 : i32
    %run_scoped3A = arith.constant 3 : i32
    "tpu.region"() ({
      %run_scoped3A_15 = tpu.sem_alloc : memref<!tpu.dma_semaphore, #tpu.memory_space<semaphore_mem>>
      %dma_start3A_16 = arith.constant 0 : i32
      %dma_start3A_17 = arith.constant 0 : i32
      %dma_start3A_18 = tpu.memref_slice %arg2[%run_scoped3A, %add3A, %dma_start3A_16, %dma_start3A_17] : memref<4x32x50x128xi32, #tpu.memory_space<hbm>> -> memref<1x1x50x128xi32, #tpu.memory_space<hbm>>
      %dma_start3A_19 = tpu.memref_squeeze %dma_start3A_18 : memref<1x1x50x128xi32, #tpu.memory_space<hbm>> -> memref<50x128xi32, #tpu.memory_space<hbm>>
      %dma_start3A_20 = arith.constant 0 : i32
      %dma_start3A_21 = arith.constant 0 : i32
      %dma_start3A_22 = tpu.memref_slice %arg2[%run_scoped3A, %add3A, %dma_start3A_20, %dma_start3A_21] : memref<4x32x50x128xi32, #tpu.memory_space<hbm>> -> memref<1x1x50x128xi32, #tpu.memory_space<hbm>>
      %dma_start3A_23 = tpu.memref_squeeze %dma_start3A_22 : memref<1x1x50x128xi32, #tpu.memory_space<hbm>> -> memref<50x128xi32, #tpu.memory_space<hbm>>
      tpu.enqueue_dma source(%dma_start3A_23 : memref<50x128xi32, #tpu.memory_space<hbm>>) target(%arg5 : memref<50x128xi32, #tpu.memory_space<vmem>>) target_semaphore(%run_scoped3A_15 : memref<!tpu.dma_semaphore, #tpu.memory_space<semaphore_mem>>)
      %dma_wait3A = arith.constant 0 : i32
      %dma_wait3A_24 = arith.constant 0 : i32
      %dma_wait3A_25 = tpu.memref_slice %arg2[%run_scoped3A, %add3A, %dma_wait3A, %dma_wait3A_24] : memref<4x32x50x128xi32, #tpu.memory_space<hbm>> -> memref<1x1x50x128xi32, #tpu.memory_space<hbm>>
      %dma_wait3A_26 = tpu.memref_squeeze %dma_wait3A_25 : memref<1x1x50x128xi32, #tpu.memory_space<hbm>> -> memref<50x128xi32, #tpu.memory_space<hbm>>
      %dma_wait3A_27 = arith.constant 0 : i32
      %dma_wait3A_28 = arith.constant 0 : i32
      %dma_wait3A_29 = tpu.memref_slice %arg2[%run_scoped3A, %add3A, %dma_wait3A_27, %dma_wait3A_28] : memref<4x32x50x128xi32, #tpu.memory_space<hbm>> -> memref<1x1x50x128xi32, #tpu.memory_space<hbm>>
      %dma_wait3A_30 = tpu.memref_squeeze %dma_wait3A_29 : memref<1x1x50x128xi32, #tpu.memory_space<hbm>> -> memref<50x128xi32, #tpu.memory_space<hbm>>
      tpu.wait_dma2 semaphore(%run_scoped3A_15 : memref<!tpu.dma_semaphore, #tpu.memory_space<semaphore_mem>>) src(%dma_wait3A_30 : memref<50x128xi32, #tpu.memory_space<hbm>>) dst(%arg5 : memref<50x128xi32, #tpu.memory_space<vmem>>)
      tpu.yield
    }) : () -> ()
    %dma_start3A = arith.constant 0 : i32
    %dma_start3A_3 = arith.constant 0 : i32
    %dma_start3A_4 = tpu.memref_slice %arg5[%dma_start3A, %dma_start3A_3] : memref<50x128xi32, #tpu.memory_space<vmem>> -> memref<1x128xi32, #tpu.memory_space<vmem>>
    %dma_start3A_5 = tpu.memref_squeeze %dma_start3A_4 : memref<1x128xi32, #tpu.memory_space<vmem>> -> memref<128xi32, #tpu.memory_space<vmem>>
    %dma_start3A_6 = arith.constant 0 : i32
    %dma_start3A_7 = arith.constant 0 : i32
    %dma_start3A_8 = tpu.memref_slice %arg3[%dma_start3A_6, %dma_start3A_7] : memref<100000x128xf32, #tpu.memory_space<hbm>> -> memref<100000x128xf32, #tpu.memory_space<hbm>>
    tpu.enqueue_indirect_dma source(%dma_start3A_8 : memref<100000x128xf32, #tpu.memory_space<hbm>>) target(%arg6 : memref<128x128xf32, #tpu.memory_space<vmem>>) offsets(%dma_start3A_5 : memref<128xi32, #tpu.memory_space<vmem>>) semaphore(%arg8 : memref<!tpu.dma_semaphore, #tpu.memory_space<semaphore_mem>>)
    %scan3A = arith.constant 0 : i32
    %scan3A_9 = arith.constant 0 : i32
    %scan3A_10 = arith.constant 25 : i32
    %scan3A_11 = arith.addi %scan3A_9, %scan3A_10 : i32
    %scan3A_12 = arith.constant 1 : i32
    %scan3A_13 = scf.for %scan3A_15 = %scan3A_9 to %scan3A_11 step %scan3A_12 iter_args(%scan3A_16 = %scan3A) -> (i32)  : i32 {
      %mul3A_17 = arith.constant 2 : i32
      %mul3A_18 = arith.muli %mul3A_17, %scan3A_15 : i32
      %dma_wait3A = arith.constant 0 : i32
      %dma_wait3A_19 = tpu.memref_slice %arg5[%mul3A_18, %dma_wait3A] : memref<50x128xi32, #tpu.memory_space<vmem>> -> memref<1x128xi32, #tpu.memory_space<vmem>>
      %dma_wait3A_20 = tpu.memref_squeeze %dma_wait3A_19 : memref<1x128xi32, #tpu.memory_space<vmem>> -> memref<128xi32, #tpu.memory_space<vmem>>
      %dma_wait3A_21 = arith.constant 0 : i32
      %dma_wait3A_22 = arith.constant 0 : i32
      %dma_wait3A_23 = tpu.memref_slice %arg3[%dma_wait3A_21, %dma_wait3A_22] : memref<100000x128xf32, #tpu.memory_space<hbm>> -> memref<100000x128xf32, #tpu.memory_space<hbm>>
      tpu.wait_indirect_dma semaphore(%arg8 : memref<!tpu.dma_semaphore, #tpu.memory_space<semaphore_mem>>) src(%dma_wait3A_23 : memref<100000x128xf32, #tpu.memory_space<hbm>>) dst(%arg6 : memref<128x128xf32, #tpu.memory_space<vmem>>)
      %add3A_24 = arith.constant 1 : i32
      %add3A_25 = arith.addi %mul3A_18, %add3A_24 : i32
      %dma_start3A_26 = arith.constant 0 : i32
      %dma_start3A_27 = tpu.memref_slice %arg5[%add3A_25, %dma_start3A_26] : memref<50x128xi32, #tpu.memory_space<vmem>> -> memref<1x128xi32, #tpu.memory_space<vmem>>
      %dma_start3A_28 = tpu.memref_squeeze %dma_start3A_27 : memref<1x128xi32, #tpu.memory_space<vmem>> -> memref<128xi32, #tpu.memory_space<vmem>>
      %dma_start3A_29 = arith.constant 0 : i32
      %dma_start3A_30 = arith.constant 0 : i32
      %dma_start3A_31 = tpu.memref_slice %arg3[%dma_start3A_29, %dma_start3A_30] : memref<100000x128xf32, #tpu.memory_space<hbm>> -> memref<100000x128xf32, #tpu.memory_space<hbm>>
      tpu.enqueue_indirect_dma source(%dma_start3A_31 : memref<100000x128xf32, #tpu.memory_space<hbm>>) target(%arg7 : memref<128x128xf32, #tpu.memory_space<vmem>>) offsets(%dma_start3A_28 : memref<128xi32, #tpu.memory_space<vmem>>) semaphore(%arg9 : memref<!tpu.dma_semaphore, #tpu.memory_space<semaphore_mem>>)
      %add3A_32 = arith.addi %mul3A_2, %mul3A_18 : i32
      %mul3A_33 = arith.constant 128 : i32
      %mul3A_34 = arith.muli %add3A_32, %mul3A_33 : i32
      "tpu.region"() ({
        %run_scoped3A_53 = tpu.sem_alloc : memref<!tpu.dma_semaphore, #tpu.memory_space<semaphore_mem>>
        %dma_start3A_54 = arith.constant 0 : i32
        %dma_start3A_55 = tpu.memref_slice %arg4[%mul3A_34, %dma_start3A_54] : memref<204800x128xf32, #tpu.memory_space<hbm>> -> memref<128x128xf32, #tpu.memory_space<hbm>>
        %dma_start3A_56 = arith.constant 0 : i32
        %dma_start3A_57 = tpu.memref_slice %arg4[%mul3A_34, %dma_start3A_56] : memref<204800x128xf32, #tpu.memory_space<hbm>> -> memref<128x128xf32, #tpu.memory_space<hbm>>
        tpu.enqueue_dma source(%arg6 : memref<128x128xf32, #tpu.memory_space<vmem>>) target(%dma_start3A_57 : memref<128x128xf32, #tpu.memory_space<hbm>>) target_semaphore(%run_scoped3A_53 : memref<!tpu.dma_semaphore, #tpu.memory_space<semaphore_mem>>)
        %dma_wait3A_58 = arith.constant 0 : i32
        %dma_wait3A_59 = tpu.memref_slice %arg4[%mul3A_34, %dma_wait3A_58] : memref<204800x128xf32, #tpu.memory_space<hbm>> -> memref<128x128xf32, #tpu.memory_space<hbm>>
        %dma_wait3A_60 = arith.constant 0 : i32
        %dma_wait3A_61 = tpu.memref_slice %arg4[%mul3A_34, %dma_wait3A_60] : memref<204800x128xf32, #tpu.memory_space<hbm>> -> memref<128x128xf32, #tpu.memory_space<hbm>>
        tpu.wait_dma2 semaphore(%run_scoped3A_53 : memref<!tpu.dma_semaphore, #tpu.memory_space<semaphore_mem>>) src(%arg6 : memref<128x128xf32, #tpu.memory_space<vmem>>) dst(%dma_wait3A_61 : memref<128x128xf32, #tpu.memory_space<hbm>>)
        tpu.yield
      }) : () -> ()
      %add3A_35 = arith.constant 1 : i32
      %add3A_36 = arith.addi %mul3A_18, %add3A_35 : i32
      %dma_wait3A_37 = arith.constant 0 : i32
      %dma_wait3A_38 = tpu.memref_slice %arg5[%add3A_36, %dma_wait3A_37] : memref<50x128xi32, #tpu.memory_space<vmem>> -> memref<1x128xi32, #tpu.memory_space<vmem>>
      %dma_wait3A_39 = tpu.memref_squeeze %dma_wait3A_38 : memref<1x128xi32, #tpu.memory_space<vmem>> -> memref<128xi32, #tpu.memory_space<vmem>>
      %dma_wait3A_40 = arith.constant 0 : i32
      %dma_wait3A_41 = arith.constant 0 : i32
      %dma_wait3A_42 = tpu.memref_slice %arg3[%dma_wait3A_40, %dma_wait3A_41] : memref<100000x128xf32, #tpu.memory_space<hbm>> -> memref<100000x128xf32, #tpu.memory_space<hbm>>
      tpu.wait_indirect_dma semaphore(%arg9 : memref<!tpu.dma_semaphore, #tpu.memory_space<semaphore_mem>>) src(%dma_wait3A_42 : memref<100000x128xf32, #tpu.memory_space<hbm>>) dst(%arg7 : memref<128x128xf32, #tpu.memory_space<vmem>>)
      %add3A_43 = arith.constant 2 : i32
      %add3A_44 = arith.addi %mul3A_18, %add3A_43 : i32
      %lt3A = arith.constant 50 : i32
      %lt3A_45 = arith.cmpi slt, %add3A_44, %lt3A : i32
      %convert_element_type3A = arith.extui %lt3A_45 : i1 to i32
      %cond3A = arith.constant 0 : i32
      %cond3A_46 = arith.cmpi ne, %convert_element_type3A, %cond3A : i32
      scf.if %cond3A_46 {
        %add3A_53 = arith.constant 2 : i32
        %add3A_54 = arith.addi %mul3A_18, %add3A_53 : i32
        %dma_start3A_55 = arith.constant 0 : i32
        %dma_start3A_56 = tpu.memref_slice %arg5[%add3A_54, %dma_start3A_55] : memref<50x128xi32, #tpu.memory_space<vmem>> -> memref<1x128xi32, #tpu.memory_space<vmem>>
        %dma_start3A_57 = tpu.memref_squeeze %dma_start3A_56 : memref<1x128xi32, #tpu.memory_space<vmem>> -> memref<128xi32, #tpu.memory_space<vmem>>
        %dma_start3A_58 = arith.constant 0 : i32
        %dma_start3A_59 = arith.constant 0 : i32
        %dma_start3A_60 = tpu.memref_slice %arg3[%dma_start3A_58, %dma_start3A_59] : memref<100000x128xf32, #tpu.memory_space<hbm>> -> memref<100000x128xf32, #tpu.memory_space<hbm>>
        tpu.enqueue_indirect_dma source(%dma_start3A_60 : memref<100000x128xf32, #tpu.memory_space<hbm>>) target(%arg6 : memref<128x128xf32, #tpu.memory_space<vmem>>) offsets(%dma_start3A_57 : memref<128xi32, #tpu.memory_space<vmem>>) semaphore(%arg8 : memref<!tpu.dma_semaphore, #tpu.memory_space<semaphore_mem>>)
      } else {
      }
      %add3A_47 = arith.addi %mul3A_2, %mul3A_18 : i32
      %add3A_48 = arith.constant 1 : i32
      %add3A_49 = arith.addi %add3A_47, %add3A_48 : i32
      %mul3A_50 = arith.constant 128 : i32
      %mul3A_51 = arith.muli %add3A_49, %mul3A_50 : i32
      "tpu.region"() ({
        %run_scoped3A_53 = tpu.sem_alloc : memref<!tpu.dma_semaphore, #tpu.memory_space<semaphore_mem>>
        %dma_start3A_54 = arith.constant 0 : i32
        %dma_start3A_55 = tpu.memref_slice %arg4[%mul3A_51, %dma_start3A_54] : memref<204800x128xf32, #tpu.memory_space<hbm>> -> memref<128x128xf32, #tpu.memory_space<hbm>>
        %dma_start3A_56 = arith.constant 0 : i32
        %dma_start3A_57 = tpu.memref_slice %arg4[%mul3A_51, %dma_start3A_56] : memref<204800x128xf32, #tpu.memory_space<hbm>> -> memref<128x128xf32, #tpu.memory_space<hbm>>
        tpu.enqueue_dma source(%arg7 : memref<128x128xf32, #tpu.memory_space<vmem>>) target(%dma_start3A_57 : memref<128x128xf32, #tpu.memory_space<hbm>>) target_semaphore(%run_scoped3A_53 : memref<!tpu.dma_semaphore, #tpu.memory_space<semaphore_mem>>)
        %dma_wait3A_58 = arith.constant 0 : i32
        %dma_wait3A_59 = tpu.memref_slice %arg4[%mul3A_51, %dma_wait3A_58] : memref<204800x128xf32, #tpu.memory_space<hbm>> -> memref<128x128xf32, #tpu.memory_space<hbm>>
        %dma_wait3A_60 = arith.constant 0 : i32
        %dma_wait3A_61 = tpu.memref_slice %arg4[%mul3A_51, %dma_wait3A_60] : memref<204800x128xf32, #tpu.memory_space<hbm>> -> memref<128x128xf32, #tpu.memory_space<hbm>>
        tpu.wait_dma2 semaphore(%run_scoped3A_53 : memref<!tpu.dma_semaphore, #tpu.memory_space<semaphore_mem>>) src(%arg7 : memref<128x128xf32, #tpu.memory_space<vmem>>) dst(%dma_wait3A_61 : memref<128x128xf32, #tpu.memory_space<hbm>>)
        tpu.yield
      }) : () -> ()
      %scan3A_52 = arith.constant 0 : i32
      scf.yield %scan3A_52 : i32
    }
    %scan3A_14 = arith.constant 25 : i32
    return
  }
}

#map = affine_map<(d0, d1) -> (0, 0, 0, 0)>
#map1 = affine_map<(d0, d1) -> (0, 0)>
module attributes {stable_mosaic.version = 14 : i64} {
  func.func @_sc_gather_words(%arg0: i32, %arg1: i32, %arg2: memref<4x32x50x128xi32, #tpu.memory_space<hbm>>, %arg3: memref<100000x128xf32, #tpu.memory_space<hbm>>, %arg4: memref<204800x128xf32, #tpu.memory_space<hbm>>, %arg5: memref<50x128xi32, #tpu.memory_space<vmem>>, %arg6: memref<128x128xf32, #tpu.memory_space<vmem>>, %arg7: memref<128x128xf32, #tpu.memory_space<vmem>>, %arg8: memref<!tpu.dma_semaphore, #tpu.memory_space<semaphore_mem>>, %arg9: memref<!tpu.dma_semaphore, #tpu.memory_space<semaphore_mem>>) attributes {dimension_semantics = [#tpu.dimension_semantics<core_parallel>, #tpu.dimension_semantics<subcore_parallel>], iteration_bounds = array<i64: 2, 16>, scalar_prefetch = 0 : i64, scratch_operands = 5 : i64, tpu.core_type = #tpu.core_type<sc_vector_subcore>, window_params = [{transform_indices = #map}, {transform_indices = #map1}, {transform_indices = #map1}]} {
    %mul3A = arith.constant 2 : i32
    %mul3A_0 = arith.muli %arg1, %mul3A : i32
    %add3A = arith.addi %mul3A_0, %arg0 : i32
    %mul3A_1 = arith.constant 50 : i32
    %mul3A_2 = arith.muli %add3A, %mul3A_1 : i32
    %run_scoped3A = arith.constant 1 : i32
    "tpu.region"() ({
      %run_scoped3A_15 = tpu.sem_alloc : memref<!tpu.dma_semaphore, #tpu.memory_space<semaphore_mem>>
      %dma_start3A_16 = arith.constant 0 : i32
      %dma_start3A_17 = arith.constant 0 : i32
      %dma_start3A_18 = tpu.memref_slice %arg2[%run_scoped3A, %add3A, %dma_start3A_16, %dma_start3A_17] : memref<4x32x50x128xi32, #tpu.memory_space<hbm>> -> memref<1x1x50x128xi32, #tpu.memory_space<hbm>>
      %dma_start3A_19 = tpu.memref_squeeze %dma_start3A_18 : memref<1x1x50x128xi32, #tpu.memory_space<hbm>> -> memref<50x128xi32, #tpu.memory_space<hbm>>
      %dma_start3A_20 = arith.constant 0 : i32
      %dma_start3A_21 = arith.constant 0 : i32
      %dma_start3A_22 = tpu.memref_slice %arg2[%run_scoped3A, %add3A, %dma_start3A_20, %dma_start3A_21] : memref<4x32x50x128xi32, #tpu.memory_space<hbm>> -> memref<1x1x50x128xi32, #tpu.memory_space<hbm>>
      %dma_start3A_23 = tpu.memref_squeeze %dma_start3A_22 : memref<1x1x50x128xi32, #tpu.memory_space<hbm>> -> memref<50x128xi32, #tpu.memory_space<hbm>>
      tpu.enqueue_dma source(%dma_start3A_23 : memref<50x128xi32, #tpu.memory_space<hbm>>) target(%arg5 : memref<50x128xi32, #tpu.memory_space<vmem>>) target_semaphore(%run_scoped3A_15 : memref<!tpu.dma_semaphore, #tpu.memory_space<semaphore_mem>>)
      %dma_wait3A = arith.constant 0 : i32
      %dma_wait3A_24 = arith.constant 0 : i32
      %dma_wait3A_25 = tpu.memref_slice %arg2[%run_scoped3A, %add3A, %dma_wait3A, %dma_wait3A_24] : memref<4x32x50x128xi32, #tpu.memory_space<hbm>> -> memref<1x1x50x128xi32, #tpu.memory_space<hbm>>
      %dma_wait3A_26 = tpu.memref_squeeze %dma_wait3A_25 : memref<1x1x50x128xi32, #tpu.memory_space<hbm>> -> memref<50x128xi32, #tpu.memory_space<hbm>>
      %dma_wait3A_27 = arith.constant 0 : i32
      %dma_wait3A_28 = arith.constant 0 : i32
      %dma_wait3A_29 = tpu.memref_slice %arg2[%run_scoped3A, %add3A, %dma_wait3A_27, %dma_wait3A_28] : memref<4x32x50x128xi32, #tpu.memory_space<hbm>> -> memref<1x1x50x128xi32, #tpu.memory_space<hbm>>
      %dma_wait3A_30 = tpu.memref_squeeze %dma_wait3A_29 : memref<1x1x50x128xi32, #tpu.memory_space<hbm>> -> memref<50x128xi32, #tpu.memory_space<hbm>>
      tpu.wait_dma2 semaphore(%run_scoped3A_15 : memref<!tpu.dma_semaphore, #tpu.memory_space<semaphore_mem>>) src(%dma_wait3A_30 : memref<50x128xi32, #tpu.memory_space<hbm>>) dst(%arg5 : memref<50x128xi32, #tpu.memory_space<vmem>>)
      tpu.yield
    }) : () -> ()
    %dma_start3A = arith.constant 0 : i32
    %dma_start3A_3 = arith.constant 0 : i32
    %dma_start3A_4 = tpu.memref_slice %arg5[%dma_start3A, %dma_start3A_3] : memref<50x128xi32, #tpu.memory_space<vmem>> -> memref<1x128xi32, #tpu.memory_space<vmem>>
    %dma_start3A_5 = tpu.memref_squeeze %dma_start3A_4 : memref<1x128xi32, #tpu.memory_space<vmem>> -> memref<128xi32, #tpu.memory_space<vmem>>
    %dma_start3A_6 = arith.constant 0 : i32
    %dma_start3A_7 = arith.constant 0 : i32
    %dma_start3A_8 = tpu.memref_slice %arg3[%dma_start3A_6, %dma_start3A_7] : memref<100000x128xf32, #tpu.memory_space<hbm>> -> memref<100000x128xf32, #tpu.memory_space<hbm>>
    tpu.enqueue_indirect_dma source(%dma_start3A_8 : memref<100000x128xf32, #tpu.memory_space<hbm>>) target(%arg6 : memref<128x128xf32, #tpu.memory_space<vmem>>) offsets(%dma_start3A_5 : memref<128xi32, #tpu.memory_space<vmem>>) semaphore(%arg8 : memref<!tpu.dma_semaphore, #tpu.memory_space<semaphore_mem>>)
    %scan3A = arith.constant 0 : i32
    %scan3A_9 = arith.constant 0 : i32
    %scan3A_10 = arith.constant 25 : i32
    %scan3A_11 = arith.addi %scan3A_9, %scan3A_10 : i32
    %scan3A_12 = arith.constant 1 : i32
    %scan3A_13 = scf.for %scan3A_15 = %scan3A_9 to %scan3A_11 step %scan3A_12 iter_args(%scan3A_16 = %scan3A) -> (i32)  : i32 {
      %mul3A_17 = arith.constant 2 : i32
      %mul3A_18 = arith.muli %mul3A_17, %scan3A_15 : i32
      %dma_wait3A = arith.constant 0 : i32
      %dma_wait3A_19 = tpu.memref_slice %arg5[%mul3A_18, %dma_wait3A] : memref<50x128xi32, #tpu.memory_space<vmem>> -> memref<1x128xi32, #tpu.memory_space<vmem>>
      %dma_wait3A_20 = tpu.memref_squeeze %dma_wait3A_19 : memref<1x128xi32, #tpu.memory_space<vmem>> -> memref<128xi32, #tpu.memory_space<vmem>>
      %dma_wait3A_21 = arith.constant 0 : i32
      %dma_wait3A_22 = arith.constant 0 : i32
      %dma_wait3A_23 = tpu.memref_slice %arg3[%dma_wait3A_21, %dma_wait3A_22] : memref<100000x128xf32, #tpu.memory_space<hbm>> -> memref<100000x128xf32, #tpu.memory_space<hbm>>
      tpu.wait_indirect_dma semaphore(%arg8 : memref<!tpu.dma_semaphore, #tpu.memory_space<semaphore_mem>>) src(%dma_wait3A_23 : memref<100000x128xf32, #tpu.memory_space<hbm>>) dst(%arg6 : memref<128x128xf32, #tpu.memory_space<vmem>>)
      %add3A_24 = arith.constant 1 : i32
      %add3A_25 = arith.addi %mul3A_18, %add3A_24 : i32
      %dma_start3A_26 = arith.constant 0 : i32
      %dma_start3A_27 = tpu.memref_slice %arg5[%add3A_25, %dma_start3A_26] : memref<50x128xi32, #tpu.memory_space<vmem>> -> memref<1x128xi32, #tpu.memory_space<vmem>>
      %dma_start3A_28 = tpu.memref_squeeze %dma_start3A_27 : memref<1x128xi32, #tpu.memory_space<vmem>> -> memref<128xi32, #tpu.memory_space<vmem>>
      %dma_start3A_29 = arith.constant 0 : i32
      %dma_start3A_30 = arith.constant 0 : i32
      %dma_start3A_31 = tpu.memref_slice %arg3[%dma_start3A_29, %dma_start3A_30] : memref<100000x128xf32, #tpu.memory_space<hbm>> -> memref<100000x128xf32, #tpu.memory_space<hbm>>
      tpu.enqueue_indirect_dma source(%dma_start3A_31 : memref<100000x128xf32, #tpu.memory_space<hbm>>) target(%arg7 : memref<128x128xf32, #tpu.memory_space<vmem>>) offsets(%dma_start3A_28 : memref<128xi32, #tpu.memory_space<vmem>>) semaphore(%arg9 : memref<!tpu.dma_semaphore, #tpu.memory_space<semaphore_mem>>)
      %add3A_32 = arith.addi %mul3A_2, %mul3A_18 : i32
      %mul3A_33 = arith.constant 128 : i32
      %mul3A_34 = arith.muli %add3A_32, %mul3A_33 : i32
      "tpu.region"() ({
        %run_scoped3A_53 = tpu.sem_alloc : memref<!tpu.dma_semaphore, #tpu.memory_space<semaphore_mem>>
        %dma_start3A_54 = arith.constant 0 : i32
        %dma_start3A_55 = tpu.memref_slice %arg4[%mul3A_34, %dma_start3A_54] : memref<204800x128xf32, #tpu.memory_space<hbm>> -> memref<128x128xf32, #tpu.memory_space<hbm>>
        %dma_start3A_56 = arith.constant 0 : i32
        %dma_start3A_57 = tpu.memref_slice %arg4[%mul3A_34, %dma_start3A_56] : memref<204800x128xf32, #tpu.memory_space<hbm>> -> memref<128x128xf32, #tpu.memory_space<hbm>>
        tpu.enqueue_dma source(%arg6 : memref<128x128xf32, #tpu.memory_space<vmem>>) target(%dma_start3A_57 : memref<128x128xf32, #tpu.memory_space<hbm>>) target_semaphore(%run_scoped3A_53 : memref<!tpu.dma_semaphore, #tpu.memory_space<semaphore_mem>>)
        %dma_wait3A_58 = arith.constant 0 : i32
        %dma_wait3A_59 = tpu.memref_slice %arg4[%mul3A_34, %dma_wait3A_58] : memref<204800x128xf32, #tpu.memory_space<hbm>> -> memref<128x128xf32, #tpu.memory_space<hbm>>
        %dma_wait3A_60 = arith.constant 0 : i32
        %dma_wait3A_61 = tpu.memref_slice %arg4[%mul3A_34, %dma_wait3A_60] : memref<204800x128xf32, #tpu.memory_space<hbm>> -> memref<128x128xf32, #tpu.memory_space<hbm>>
        tpu.wait_dma2 semaphore(%run_scoped3A_53 : memref<!tpu.dma_semaphore, #tpu.memory_space<semaphore_mem>>) src(%arg6 : memref<128x128xf32, #tpu.memory_space<vmem>>) dst(%dma_wait3A_61 : memref<128x128xf32, #tpu.memory_space<hbm>>)
        tpu.yield
      }) : () -> ()
      %add3A_35 = arith.constant 1 : i32
      %add3A_36 = arith.addi %mul3A_18, %add3A_35 : i32
      %dma_wait3A_37 = arith.constant 0 : i32
      %dma_wait3A_38 = tpu.memref_slice %arg5[%add3A_36, %dma_wait3A_37] : memref<50x128xi32, #tpu.memory_space<vmem>> -> memref<1x128xi32, #tpu.memory_space<vmem>>
      %dma_wait3A_39 = tpu.memref_squeeze %dma_wait3A_38 : memref<1x128xi32, #tpu.memory_space<vmem>> -> memref<128xi32, #tpu.memory_space<vmem>>
      %dma_wait3A_40 = arith.constant 0 : i32
      %dma_wait3A_41 = arith.constant 0 : i32
      %dma_wait3A_42 = tpu.memref_slice %arg3[%dma_wait3A_40, %dma_wait3A_41] : memref<100000x128xf32, #tpu.memory_space<hbm>> -> memref<100000x128xf32, #tpu.memory_space<hbm>>
      tpu.wait_indirect_dma semaphore(%arg9 : memref<!tpu.dma_semaphore, #tpu.memory_space<semaphore_mem>>) src(%dma_wait3A_42 : memref<100000x128xf32, #tpu.memory_space<hbm>>) dst(%arg7 : memref<128x128xf32, #tpu.memory_space<vmem>>)
      %add3A_43 = arith.constant 2 : i32
      %add3A_44 = arith.addi %mul3A_18, %add3A_43 : i32
      %lt3A = arith.constant 50 : i32
      %lt3A_45 = arith.cmpi slt, %add3A_44, %lt3A : i32
      %convert_element_type3A = arith.extui %lt3A_45 : i1 to i32
      %cond3A = arith.constant 0 : i32
      %cond3A_46 = arith.cmpi ne, %convert_element_type3A, %cond3A : i32
      scf.if %cond3A_46 {
        %add3A_53 = arith.constant 2 : i32
        %add3A_54 = arith.addi %mul3A_18, %add3A_53 : i32
        %dma_start3A_55 = arith.constant 0 : i32
        %dma_start3A_56 = tpu.memref_slice %arg5[%add3A_54, %dma_start3A_55] : memref<50x128xi32, #tpu.memory_space<vmem>> -> memref<1x128xi32, #tpu.memory_space<vmem>>
        %dma_start3A_57 = tpu.memref_squeeze %dma_start3A_56 : memref<1x128xi32, #tpu.memory_space<vmem>> -> memref<128xi32, #tpu.memory_space<vmem>>
        %dma_start3A_58 = arith.constant 0 : i32
        %dma_start3A_59 = arith.constant 0 : i32
        %dma_start3A_60 = tpu.memref_slice %arg3[%dma_start3A_58, %dma_start3A_59] : memref<100000x128xf32, #tpu.memory_space<hbm>> -> memref<100000x128xf32, #tpu.memory_space<hbm>>
        tpu.enqueue_indirect_dma source(%dma_start3A_60 : memref<100000x128xf32, #tpu.memory_space<hbm>>) target(%arg6 : memref<128x128xf32, #tpu.memory_space<vmem>>) offsets(%dma_start3A_57 : memref<128xi32, #tpu.memory_space<vmem>>) semaphore(%arg8 : memref<!tpu.dma_semaphore, #tpu.memory_space<semaphore_mem>>)
      } else {
      }
      %add3A_47 = arith.addi %mul3A_2, %mul3A_18 : i32
      %add3A_48 = arith.constant 1 : i32
      %add3A_49 = arith.addi %add3A_47, %add3A_48 : i32
      %mul3A_50 = arith.constant 128 : i32
      %mul3A_51 = arith.muli %add3A_49, %mul3A_50 : i32
      "tpu.region"() ({
        %run_scoped3A_53 = tpu.sem_alloc : memref<!tpu.dma_semaphore, #tpu.memory_space<semaphore_mem>>
        %dma_start3A_54 = arith.constant 0 : i32
        %dma_start3A_55 = tpu.memref_slice %arg4[%mul3A_51, %dma_start3A_54] : memref<204800x128xf32, #tpu.memory_space<hbm>> -> memref<128x128xf32, #tpu.memory_space<hbm>>
        %dma_start3A_56 = arith.constant 0 : i32
        %dma_start3A_57 = tpu.memref_slice %arg4[%mul3A_51, %dma_start3A_56] : memref<204800x128xf32, #tpu.memory_space<hbm>> -> memref<128x128xf32, #tpu.memory_space<hbm>>
        tpu.enqueue_dma source(%arg7 : memref<128x128xf32, #tpu.memory_space<vmem>>) target(%dma_start3A_57 : memref<128x128xf32, #tpu.memory_space<hbm>>) target_semaphore(%run_scoped3A_53 : memref<!tpu.dma_semaphore, #tpu.memory_space<semaphore_mem>>)
        %dma_wait3A_58 = arith.constant 0 : i32
        %dma_wait3A_59 = tpu.memref_slice %arg4[%mul3A_51, %dma_wait3A_58] : memref<204800x128xf32, #tpu.memory_space<hbm>> -> memref<128x128xf32, #tpu.memory_space<hbm>>
        %dma_wait3A_60 = arith.constant 0 : i32
        %dma_wait3A_61 = tpu.memref_slice %arg4[%mul3A_51, %dma_wait3A_60] : memref<204800x128xf32, #tpu.memory_space<hbm>> -> memref<128x128xf32, #tpu.memory_space<hbm>>
        tpu.wait_dma2 semaphore(%run_scoped3A_53 : memref<!tpu.dma_semaphore, #tpu.memory_space<semaphore_mem>>) src(%arg7 : memref<128x128xf32, #tpu.memory_space<vmem>>) dst(%dma_wait3A_61 : memref<128x128xf32, #tpu.memory_space<hbm>>)
        tpu.yield
      }) : () -> ()
      %scan3A_52 = arith.constant 0 : i32
      scf.yield %scan3A_52 : i32
    }
    %scan3A_14 = arith.constant 25 : i32
    return
  }
}

#map = affine_map<(d0, d1) -> (0, 0, 0, 0)>
#map1 = affine_map<(d0, d1) -> (0, 0)>
module attributes {stable_mosaic.version = 14 : i64} {
  func.func @_sc_gather_words(%arg0: i32, %arg1: i32, %arg2: memref<4x32x50x128xi32, #tpu.memory_space<hbm>>, %arg3: memref<100000x128xf32, #tpu.memory_space<hbm>>, %arg4: memref<204800x128xf32, #tpu.memory_space<hbm>>, %arg5: memref<50x128xi32, #tpu.memory_space<vmem>>, %arg6: memref<128x128xf32, #tpu.memory_space<vmem>>, %arg7: memref<128x128xf32, #tpu.memory_space<vmem>>, %arg8: memref<!tpu.dma_semaphore, #tpu.memory_space<semaphore_mem>>, %arg9: memref<!tpu.dma_semaphore, #tpu.memory_space<semaphore_mem>>) attributes {dimension_semantics = [#tpu.dimension_semantics<core_parallel>, #tpu.dimension_semantics<subcore_parallel>], iteration_bounds = array<i64: 2, 16>, scalar_prefetch = 0 : i64, scratch_operands = 5 : i64, tpu.core_type = #tpu.core_type<sc_vector_subcore>, window_params = [{transform_indices = #map}, {transform_indices = #map1}, {transform_indices = #map1}]} {
    %mul3A = arith.constant 2 : i32
    %mul3A_0 = arith.muli %arg1, %mul3A : i32
    %add3A = arith.addi %mul3A_0, %arg0 : i32
    %mul3A_1 = arith.constant 50 : i32
    %mul3A_2 = arith.muli %add3A, %mul3A_1 : i32
    %run_scoped3A = arith.constant 2 : i32
    "tpu.region"() ({
      %run_scoped3A_15 = tpu.sem_alloc : memref<!tpu.dma_semaphore, #tpu.memory_space<semaphore_mem>>
      %dma_start3A_16 = arith.constant 0 : i32
      %dma_start3A_17 = arith.constant 0 : i32
      %dma_start3A_18 = tpu.memref_slice %arg2[%run_scoped3A, %add3A, %dma_start3A_16, %dma_start3A_17] : memref<4x32x50x128xi32, #tpu.memory_space<hbm>> -> memref<1x1x50x128xi32, #tpu.memory_space<hbm>>
      %dma_start3A_19 = tpu.memref_squeeze %dma_start3A_18 : memref<1x1x50x128xi32, #tpu.memory_space<hbm>> -> memref<50x128xi32, #tpu.memory_space<hbm>>
      %dma_start3A_20 = arith.constant 0 : i32
      %dma_start3A_21 = arith.constant 0 : i32
      %dma_start3A_22 = tpu.memref_slice %arg2[%run_scoped3A, %add3A, %dma_start3A_20, %dma_start3A_21] : memref<4x32x50x128xi32, #tpu.memory_space<hbm>> -> memref<1x1x50x128xi32, #tpu.memory_space<hbm>>
      %dma_start3A_23 = tpu.memref_squeeze %dma_start3A_22 : memref<1x1x50x128xi32, #tpu.memory_space<hbm>> -> memref<50x128xi32, #tpu.memory_space<hbm>>
      tpu.enqueue_dma source(%dma_start3A_23 : memref<50x128xi32, #tpu.memory_space<hbm>>) target(%arg5 : memref<50x128xi32, #tpu.memory_space<vmem>>) target_semaphore(%run_scoped3A_15 : memref<!tpu.dma_semaphore, #tpu.memory_space<semaphore_mem>>)
      %dma_wait3A = arith.constant 0 : i32
      %dma_wait3A_24 = arith.constant 0 : i32
      %dma_wait3A_25 = tpu.memref_slice %arg2[%run_scoped3A, %add3A, %dma_wait3A, %dma_wait3A_24] : memref<4x32x50x128xi32, #tpu.memory_space<hbm>> -> memref<1x1x50x128xi32, #tpu.memory_space<hbm>>
      %dma_wait3A_26 = tpu.memref_squeeze %dma_wait3A_25 : memref<1x1x50x128xi32, #tpu.memory_space<hbm>> -> memref<50x128xi32, #tpu.memory_space<hbm>>
      %dma_wait3A_27 = arith.constant 0 : i32
      %dma_wait3A_28 = arith.constant 0 : i32
      %dma_wait3A_29 = tpu.memref_slice %arg2[%run_scoped3A, %add3A, %dma_wait3A_27, %dma_wait3A_28] : memref<4x32x50x128xi32, #tpu.memory_space<hbm>> -> memref<1x1x50x128xi32, #tpu.memory_space<hbm>>
      %dma_wait3A_30 = tpu.memref_squeeze %dma_wait3A_29 : memref<1x1x50x128xi32, #tpu.memory_space<hbm>> -> memref<50x128xi32, #tpu.memory_space<hbm>>
      tpu.wait_dma2 semaphore(%run_scoped3A_15 : memref<!tpu.dma_semaphore, #tpu.memory_space<semaphore_mem>>) src(%dma_wait3A_30 : memref<50x128xi32, #tpu.memory_space<hbm>>) dst(%arg5 : memref<50x128xi32, #tpu.memory_space<vmem>>)
      tpu.yield
    }) : () -> ()
    %dma_start3A = arith.constant 0 : i32
    %dma_start3A_3 = arith.constant 0 : i32
    %dma_start3A_4 = tpu.memref_slice %arg5[%dma_start3A, %dma_start3A_3] : memref<50x128xi32, #tpu.memory_space<vmem>> -> memref<1x128xi32, #tpu.memory_space<vmem>>
    %dma_start3A_5 = tpu.memref_squeeze %dma_start3A_4 : memref<1x128xi32, #tpu.memory_space<vmem>> -> memref<128xi32, #tpu.memory_space<vmem>>
    %dma_start3A_6 = arith.constant 0 : i32
    %dma_start3A_7 = arith.constant 0 : i32
    %dma_start3A_8 = tpu.memref_slice %arg3[%dma_start3A_6, %dma_start3A_7] : memref<100000x128xf32, #tpu.memory_space<hbm>> -> memref<100000x128xf32, #tpu.memory_space<hbm>>
    tpu.enqueue_indirect_dma source(%dma_start3A_8 : memref<100000x128xf32, #tpu.memory_space<hbm>>) target(%arg6 : memref<128x128xf32, #tpu.memory_space<vmem>>) offsets(%dma_start3A_5 : memref<128xi32, #tpu.memory_space<vmem>>) semaphore(%arg8 : memref<!tpu.dma_semaphore, #tpu.memory_space<semaphore_mem>>)
    %scan3A = arith.constant 0 : i32
    %scan3A_9 = arith.constant 0 : i32
    %scan3A_10 = arith.constant 25 : i32
    %scan3A_11 = arith.addi %scan3A_9, %scan3A_10 : i32
    %scan3A_12 = arith.constant 1 : i32
    %scan3A_13 = scf.for %scan3A_15 = %scan3A_9 to %scan3A_11 step %scan3A_12 iter_args(%scan3A_16 = %scan3A) -> (i32)  : i32 {
      %mul3A_17 = arith.constant 2 : i32
      %mul3A_18 = arith.muli %mul3A_17, %scan3A_15 : i32
      %dma_wait3A = arith.constant 0 : i32
      %dma_wait3A_19 = tpu.memref_slice %arg5[%mul3A_18, %dma_wait3A] : memref<50x128xi32, #tpu.memory_space<vmem>> -> memref<1x128xi32, #tpu.memory_space<vmem>>
      %dma_wait3A_20 = tpu.memref_squeeze %dma_wait3A_19 : memref<1x128xi32, #tpu.memory_space<vmem>> -> memref<128xi32, #tpu.memory_space<vmem>>
      %dma_wait3A_21 = arith.constant 0 : i32
      %dma_wait3A_22 = arith.constant 0 : i32
      %dma_wait3A_23 = tpu.memref_slice %arg3[%dma_wait3A_21, %dma_wait3A_22] : memref<100000x128xf32, #tpu.memory_space<hbm>> -> memref<100000x128xf32, #tpu.memory_space<hbm>>
      tpu.wait_indirect_dma semaphore(%arg8 : memref<!tpu.dma_semaphore, #tpu.memory_space<semaphore_mem>>) src(%dma_wait3A_23 : memref<100000x128xf32, #tpu.memory_space<hbm>>) dst(%arg6 : memref<128x128xf32, #tpu.memory_space<vmem>>)
      %add3A_24 = arith.constant 1 : i32
      %add3A_25 = arith.addi %mul3A_18, %add3A_24 : i32
      %dma_start3A_26 = arith.constant 0 : i32
      %dma_start3A_27 = tpu.memref_slice %arg5[%add3A_25, %dma_start3A_26] : memref<50x128xi32, #tpu.memory_space<vmem>> -> memref<1x128xi32, #tpu.memory_space<vmem>>
      %dma_start3A_28 = tpu.memref_squeeze %dma_start3A_27 : memref<1x128xi32, #tpu.memory_space<vmem>> -> memref<128xi32, #tpu.memory_space<vmem>>
      %dma_start3A_29 = arith.constant 0 : i32
      %dma_start3A_30 = arith.constant 0 : i32
      %dma_start3A_31 = tpu.memref_slice %arg3[%dma_start3A_29, %dma_start3A_30] : memref<100000x128xf32, #tpu.memory_space<hbm>> -> memref<100000x128xf32, #tpu.memory_space<hbm>>
      tpu.enqueue_indirect_dma source(%dma_start3A_31 : memref<100000x128xf32, #tpu.memory_space<hbm>>) target(%arg7 : memref<128x128xf32, #tpu.memory_space<vmem>>) offsets(%dma_start3A_28 : memref<128xi32, #tpu.memory_space<vmem>>) semaphore(%arg9 : memref<!tpu.dma_semaphore, #tpu.memory_space<semaphore_mem>>)
      %add3A_32 = arith.addi %mul3A_2, %mul3A_18 : i32
      %mul3A_33 = arith.constant 128 : i32
      %mul3A_34 = arith.muli %add3A_32, %mul3A_33 : i32
      "tpu.region"() ({
        %run_scoped3A_53 = tpu.sem_alloc : memref<!tpu.dma_semaphore, #tpu.memory_space<semaphore_mem>>
        %dma_start3A_54 = arith.constant 0 : i32
        %dma_start3A_55 = tpu.memref_slice %arg4[%mul3A_34, %dma_start3A_54] : memref<204800x128xf32, #tpu.memory_space<hbm>> -> memref<128x128xf32, #tpu.memory_space<hbm>>
        %dma_start3A_56 = arith.constant 0 : i32
        %dma_start3A_57 = tpu.memref_slice %arg4[%mul3A_34, %dma_start3A_56] : memref<204800x128xf32, #tpu.memory_space<hbm>> -> memref<128x128xf32, #tpu.memory_space<hbm>>
        tpu.enqueue_dma source(%arg6 : memref<128x128xf32, #tpu.memory_space<vmem>>) target(%dma_start3A_57 : memref<128x128xf32, #tpu.memory_space<hbm>>) target_semaphore(%run_scoped3A_53 : memref<!tpu.dma_semaphore, #tpu.memory_space<semaphore_mem>>)
        %dma_wait3A_58 = arith.constant 0 : i32
        %dma_wait3A_59 = tpu.memref_slice %arg4[%mul3A_34, %dma_wait3A_58] : memref<204800x128xf32, #tpu.memory_space<hbm>> -> memref<128x128xf32, #tpu.memory_space<hbm>>
        %dma_wait3A_60 = arith.constant 0 : i32
        %dma_wait3A_61 = tpu.memref_slice %arg4[%mul3A_34, %dma_wait3A_60] : memref<204800x128xf32, #tpu.memory_space<hbm>> -> memref<128x128xf32, #tpu.memory_space<hbm>>
        tpu.wait_dma2 semaphore(%run_scoped3A_53 : memref<!tpu.dma_semaphore, #tpu.memory_space<semaphore_mem>>) src(%arg6 : memref<128x128xf32, #tpu.memory_space<vmem>>) dst(%dma_wait3A_61 : memref<128x128xf32, #tpu.memory_space<hbm>>)
        tpu.yield
      }) : () -> ()
      %add3A_35 = arith.constant 1 : i32
      %add3A_36 = arith.addi %mul3A_18, %add3A_35 : i32
      %dma_wait3A_37 = arith.constant 0 : i32
      %dma_wait3A_38 = tpu.memref_slice %arg5[%add3A_36, %dma_wait3A_37] : memref<50x128xi32, #tpu.memory_space<vmem>> -> memref<1x128xi32, #tpu.memory_space<vmem>>
      %dma_wait3A_39 = tpu.memref_squeeze %dma_wait3A_38 : memref<1x128xi32, #tpu.memory_space<vmem>> -> memref<128xi32, #tpu.memory_space<vmem>>
      %dma_wait3A_40 = arith.constant 0 : i32
      %dma_wait3A_41 = arith.constant 0 : i32
      %dma_wait3A_42 = tpu.memref_slice %arg3[%dma_wait3A_40, %dma_wait3A_41] : memref<100000x128xf32, #tpu.memory_space<hbm>> -> memref<100000x128xf32, #tpu.memory_space<hbm>>
      tpu.wait_indirect_dma semaphore(%arg9 : memref<!tpu.dma_semaphore, #tpu.memory_space<semaphore_mem>>) src(%dma_wait3A_42 : memref<100000x128xf32, #tpu.memory_space<hbm>>) dst(%arg7 : memref<128x128xf32, #tpu.memory_space<vmem>>)
      %add3A_43 = arith.constant 2 : i32
      %add3A_44 = arith.addi %mul3A_18, %add3A_43 : i32
      %lt3A = arith.constant 50 : i32
      %lt3A_45 = arith.cmpi slt, %add3A_44, %lt3A : i32
      %convert_element_type3A = arith.extui %lt3A_45 : i1 to i32
      %cond3A = arith.constant 0 : i32
      %cond3A_46 = arith.cmpi ne, %convert_element_type3A, %cond3A : i32
      scf.if %cond3A_46 {
        %add3A_53 = arith.constant 2 : i32
        %add3A_54 = arith.addi %mul3A_18, %add3A_53 : i32
        %dma_start3A_55 = arith.constant 0 : i32
        %dma_start3A_56 = tpu.memref_slice %arg5[%add3A_54, %dma_start3A_55] : memref<50x128xi32, #tpu.memory_space<vmem>> -> memref<1x128xi32, #tpu.memory_space<vmem>>
        %dma_start3A_57 = tpu.memref_squeeze %dma_start3A_56 : memref<1x128xi32, #tpu.memory_space<vmem>> -> memref<128xi32, #tpu.memory_space<vmem>>
        %dma_start3A_58 = arith.constant 0 : i32
        %dma_start3A_59 = arith.constant 0 : i32
        %dma_start3A_60 = tpu.memref_slice %arg3[%dma_start3A_58, %dma_start3A_59] : memref<100000x128xf32, #tpu.memory_space<hbm>> -> memref<100000x128xf32, #tpu.memory_space<hbm>>
        tpu.enqueue_indirect_dma source(%dma_start3A_60 : memref<100000x128xf32, #tpu.memory_space<hbm>>) target(%arg6 : memref<128x128xf32, #tpu.memory_space<vmem>>) offsets(%dma_start3A_57 : memref<128xi32, #tpu.memory_space<vmem>>) semaphore(%arg8 : memref<!tpu.dma_semaphore, #tpu.memory_space<semaphore_mem>>)
      } else {
      }
      %add3A_47 = arith.addi %mul3A_2, %mul3A_18 : i32
      %add3A_48 = arith.constant 1 : i32
      %add3A_49 = arith.addi %add3A_47, %add3A_48 : i32
      %mul3A_50 = arith.constant 128 : i32
      %mul3A_51 = arith.muli %add3A_49, %mul3A_50 : i32
      "tpu.region"() ({
        %run_scoped3A_53 = tpu.sem_alloc : memref<!tpu.dma_semaphore, #tpu.memory_space<semaphore_mem>>
        %dma_start3A_54 = arith.constant 0 : i32
        %dma_start3A_55 = tpu.memref_slice %arg4[%mul3A_51, %dma_start3A_54] : memref<204800x128xf32, #tpu.memory_space<hbm>> -> memref<128x128xf32, #tpu.memory_space<hbm>>
        %dma_start3A_56 = arith.constant 0 : i32
        %dma_start3A_57 = tpu.memref_slice %arg4[%mul3A_51, %dma_start3A_56] : memref<204800x128xf32, #tpu.memory_space<hbm>> -> memref<128x128xf32, #tpu.memory_space<hbm>>
        tpu.enqueue_dma source(%arg7 : memref<128x128xf32, #tpu.memory_space<vmem>>) target(%dma_start3A_57 : memref<128x128xf32, #tpu.memory_space<hbm>>) target_semaphore(%run_scoped3A_53 : memref<!tpu.dma_semaphore, #tpu.memory_space<semaphore_mem>>)
        %dma_wait3A_58 = arith.constant 0 : i32
        %dma_wait3A_59 = tpu.memref_slice %arg4[%mul3A_51, %dma_wait3A_58] : memref<204800x128xf32, #tpu.memory_space<hbm>> -> memref<128x128xf32, #tpu.memory_space<hbm>>
        %dma_wait3A_60 = arith.constant 0 : i32
        %dma_wait3A_61 = tpu.memref_slice %arg4[%mul3A_51, %dma_wait3A_60] : memref<204800x128xf32, #tpu.memory_space<hbm>> -> memref<128x128xf32, #tpu.memory_space<hbm>>
        tpu.wait_dma2 semaphore(%run_scoped3A_53 : memref<!tpu.dma_semaphore, #tpu.memory_space<semaphore_mem>>) src(%arg7 : memref<128x128xf32, #tpu.memory_space<vmem>>) dst(%dma_wait3A_61 : memref<128x128xf32, #tpu.memory_space<hbm>>)
        tpu.yield
      }) : () -> ()
      %scan3A_52 = arith.constant 0 : i32
      scf.yield %scan3A_52 : i32
    }
    %scan3A_14 = arith.constant 25 : i32
    return
  }
}

#map = affine_map<(d0, d1) -> (0, 0, 0, 0)>
#map1 = affine_map<(d0, d1) -> (0, 0)>
module attributes {stable_mosaic.version = 14 : i64} {
  func.func @_sc_gather_words(%arg0: i32, %arg1: i32, %arg2: memref<4x32x50x128xi32, #tpu.memory_space<hbm>>, %arg3: memref<100000x128xf32, #tpu.memory_space<hbm>>, %arg4: memref<204800x128xf32, #tpu.memory_space<hbm>>, %arg5: memref<50x128xi32, #tpu.memory_space<vmem>>, %arg6: memref<128x128xf32, #tpu.memory_space<vmem>>, %arg7: memref<128x128xf32, #tpu.memory_space<vmem>>, %arg8: memref<!tpu.dma_semaphore, #tpu.memory_space<semaphore_mem>>, %arg9: memref<!tpu.dma_semaphore, #tpu.memory_space<semaphore_mem>>) attributes {dimension_semantics = [#tpu.dimension_semantics<core_parallel>, #tpu.dimension_semantics<subcore_parallel>], iteration_bounds = array<i64: 2, 16>, scalar_prefetch = 0 : i64, scratch_operands = 5 : i64, tpu.core_type = #tpu.core_type<sc_vector_subcore>, window_params = [{transform_indices = #map}, {transform_indices = #map1}, {transform_indices = #map1}]} {
    %mul3A = arith.constant 2 : i32
    %mul3A_0 = arith.muli %arg1, %mul3A : i32
    %add3A = arith.addi %mul3A_0, %arg0 : i32
    %mul3A_1 = arith.constant 50 : i32
    %mul3A_2 = arith.muli %add3A, %mul3A_1 : i32
    %run_scoped3A = arith.constant 0 : i32
    "tpu.region"() ({
      %run_scoped3A_15 = tpu.sem_alloc : memref<!tpu.dma_semaphore, #tpu.memory_space<semaphore_mem>>
      %dma_start3A_16 = arith.constant 0 : i32
      %dma_start3A_17 = arith.constant 0 : i32
      %dma_start3A_18 = tpu.memref_slice %arg2[%run_scoped3A, %add3A, %dma_start3A_16, %dma_start3A_17] : memref<4x32x50x128xi32, #tpu.memory_space<hbm>> -> memref<1x1x50x128xi32, #tpu.memory_space<hbm>>
      %dma_start3A_19 = tpu.memref_squeeze %dma_start3A_18 : memref<1x1x50x128xi32, #tpu.memory_space<hbm>> -> memref<50x128xi32, #tpu.memory_space<hbm>>
      %dma_start3A_20 = arith.constant 0 : i32
      %dma_start3A_21 = arith.constant 0 : i32
      %dma_start3A_22 = tpu.memref_slice %arg2[%run_scoped3A, %add3A, %dma_start3A_20, %dma_start3A_21] : memref<4x32x50x128xi32, #tpu.memory_space<hbm>> -> memref<1x1x50x128xi32, #tpu.memory_space<hbm>>
      %dma_start3A_23 = tpu.memref_squeeze %dma_start3A_22 : memref<1x1x50x128xi32, #tpu.memory_space<hbm>> -> memref<50x128xi32, #tpu.memory_space<hbm>>
      tpu.enqueue_dma source(%dma_start3A_23 : memref<50x128xi32, #tpu.memory_space<hbm>>) target(%arg5 : memref<50x128xi32, #tpu.memory_space<vmem>>) target_semaphore(%run_scoped3A_15 : memref<!tpu.dma_semaphore, #tpu.memory_space<semaphore_mem>>)
      %dma_wait3A = arith.constant 0 : i32
      %dma_wait3A_24 = arith.constant 0 : i32
      %dma_wait3A_25 = tpu.memref_slice %arg2[%run_scoped3A, %add3A, %dma_wait3A, %dma_wait3A_24] : memref<4x32x50x128xi32, #tpu.memory_space<hbm>> -> memref<1x1x50x128xi32, #tpu.memory_space<hbm>>
      %dma_wait3A_26 = tpu.memref_squeeze %dma_wait3A_25 : memref<1x1x50x128xi32, #tpu.memory_space<hbm>> -> memref<50x128xi32, #tpu.memory_space<hbm>>
      %dma_wait3A_27 = arith.constant 0 : i32
      %dma_wait3A_28 = arith.constant 0 : i32
      %dma_wait3A_29 = tpu.memref_slice %arg2[%run_scoped3A, %add3A, %dma_wait3A_27, %dma_wait3A_28] : memref<4x32x50x128xi32, #tpu.memory_space<hbm>> -> memref<1x1x50x128xi32, #tpu.memory_space<hbm>>
      %dma_wait3A_30 = tpu.memref_squeeze %dma_wait3A_29 : memref<1x1x50x128xi32, #tpu.memory_space<hbm>> -> memref<50x128xi32, #tpu.memory_space<hbm>>
      tpu.wait_dma2 semaphore(%run_scoped3A_15 : memref<!tpu.dma_semaphore, #tpu.memory_space<semaphore_mem>>) src(%dma_wait3A_30 : memref<50x128xi32, #tpu.memory_space<hbm>>) dst(%arg5 : memref<50x128xi32, #tpu.memory_space<vmem>>)
      tpu.yield
    }) : () -> ()
    %dma_start3A = arith.constant 0 : i32
    %dma_start3A_3 = arith.constant 0 : i32
    %dma_start3A_4 = tpu.memref_slice %arg5[%dma_start3A, %dma_start3A_3] : memref<50x128xi32, #tpu.memory_space<vmem>> -> memref<1x128xi32, #tpu.memory_space<vmem>>
    %dma_start3A_5 = tpu.memref_squeeze %dma_start3A_4 : memref<1x128xi32, #tpu.memory_space<vmem>> -> memref<128xi32, #tpu.memory_space<vmem>>
    %dma_start3A_6 = arith.constant 0 : i32
    %dma_start3A_7 = arith.constant 0 : i32
    %dma_start3A_8 = tpu.memref_slice %arg3[%dma_start3A_6, %dma_start3A_7] : memref<100000x128xf32, #tpu.memory_space<hbm>> -> memref<100000x128xf32, #tpu.memory_space<hbm>>
    tpu.enqueue_indirect_dma source(%dma_start3A_8 : memref<100000x128xf32, #tpu.memory_space<hbm>>) target(%arg6 : memref<128x128xf32, #tpu.memory_space<vmem>>) offsets(%dma_start3A_5 : memref<128xi32, #tpu.memory_space<vmem>>) semaphore(%arg8 : memref<!tpu.dma_semaphore, #tpu.memory_space<semaphore_mem>>)
    %scan3A = arith.constant 0 : i32
    %scan3A_9 = arith.constant 0 : i32
    %scan3A_10 = arith.constant 25 : i32
    %scan3A_11 = arith.addi %scan3A_9, %scan3A_10 : i32
    %scan3A_12 = arith.constant 1 : i32
    %scan3A_13 = scf.for %scan3A_15 = %scan3A_9 to %scan3A_11 step %scan3A_12 iter_args(%scan3A_16 = %scan3A) -> (i32)  : i32 {
      %mul3A_17 = arith.constant 2 : i32
      %mul3A_18 = arith.muli %mul3A_17, %scan3A_15 : i32
      %dma_wait3A = arith.constant 0 : i32
      %dma_wait3A_19 = tpu.memref_slice %arg5[%mul3A_18, %dma_wait3A] : memref<50x128xi32, #tpu.memory_space<vmem>> -> memref<1x128xi32, #tpu.memory_space<vmem>>
      %dma_wait3A_20 = tpu.memref_squeeze %dma_wait3A_19 : memref<1x128xi32, #tpu.memory_space<vmem>> -> memref<128xi32, #tpu.memory_space<vmem>>
      %dma_wait3A_21 = arith.constant 0 : i32
      %dma_wait3A_22 = arith.constant 0 : i32
      %dma_wait3A_23 = tpu.memref_slice %arg3[%dma_wait3A_21, %dma_wait3A_22] : memref<100000x128xf32, #tpu.memory_space<hbm>> -> memref<100000x128xf32, #tpu.memory_space<hbm>>
      tpu.wait_indirect_dma semaphore(%arg8 : memref<!tpu.dma_semaphore, #tpu.memory_space<semaphore_mem>>) src(%dma_wait3A_23 : memref<100000x128xf32, #tpu.memory_space<hbm>>) dst(%arg6 : memref<128x128xf32, #tpu.memory_space<vmem>>)
      %add3A_24 = arith.constant 1 : i32
      %add3A_25 = arith.addi %mul3A_18, %add3A_24 : i32
      %dma_start3A_26 = arith.constant 0 : i32
      %dma_start3A_27 = tpu.memref_slice %arg5[%add3A_25, %dma_start3A_26] : memref<50x128xi32, #tpu.memory_space<vmem>> -> memref<1x128xi32, #tpu.memory_space<vmem>>
      %dma_start3A_28 = tpu.memref_squeeze %dma_start3A_27 : memref<1x128xi32, #tpu.memory_space<vmem>> -> memref<128xi32, #tpu.memory_space<vmem>>
      %dma_start3A_29 = arith.constant 0 : i32
      %dma_start3A_30 = arith.constant 0 : i32
      %dma_start3A_31 = tpu.memref_slice %arg3[%dma_start3A_29, %dma_start3A_30] : memref<100000x128xf32, #tpu.memory_space<hbm>> -> memref<100000x128xf32, #tpu.memory_space<hbm>>
      tpu.enqueue_indirect_dma source(%dma_start3A_31 : memref<100000x128xf32, #tpu.memory_space<hbm>>) target(%arg7 : memref<128x128xf32, #tpu.memory_space<vmem>>) offsets(%dma_start3A_28 : memref<128xi32, #tpu.memory_space<vmem>>) semaphore(%arg9 : memref<!tpu.dma_semaphore, #tpu.memory_space<semaphore_mem>>)
      %add3A_32 = arith.addi %mul3A_2, %mul3A_18 : i32
      %mul3A_33 = arith.constant 128 : i32
      %mul3A_34 = arith.muli %add3A_32, %mul3A_33 : i32
      "tpu.region"() ({
        %run_scoped3A_53 = tpu.sem_alloc : memref<!tpu.dma_semaphore, #tpu.memory_space<semaphore_mem>>
        %dma_start3A_54 = arith.constant 0 : i32
        %dma_start3A_55 = tpu.memref_slice %arg4[%mul3A_34, %dma_start3A_54] : memref<204800x128xf32, #tpu.memory_space<hbm>> -> memref<128x128xf32, #tpu.memory_space<hbm>>
        %dma_start3A_56 = arith.constant 0 : i32
        %dma_start3A_57 = tpu.memref_slice %arg4[%mul3A_34, %dma_start3A_56] : memref<204800x128xf32, #tpu.memory_space<hbm>> -> memref<128x128xf32, #tpu.memory_space<hbm>>
        tpu.enqueue_dma source(%arg6 : memref<128x128xf32, #tpu.memory_space<vmem>>) target(%dma_start3A_57 : memref<128x128xf32, #tpu.memory_space<hbm>>) target_semaphore(%run_scoped3A_53 : memref<!tpu.dma_semaphore, #tpu.memory_space<semaphore_mem>>)
        %dma_wait3A_58 = arith.constant 0 : i32
        %dma_wait3A_59 = tpu.memref_slice %arg4[%mul3A_34, %dma_wait3A_58] : memref<204800x128xf32, #tpu.memory_space<hbm>> -> memref<128x128xf32, #tpu.memory_space<hbm>>
        %dma_wait3A_60 = arith.constant 0 : i32
        %dma_wait3A_61 = tpu.memref_slice %arg4[%mul3A_34, %dma_wait3A_60] : memref<204800x128xf32, #tpu.memory_space<hbm>> -> memref<128x128xf32, #tpu.memory_space<hbm>>
        tpu.wait_dma2 semaphore(%run_scoped3A_53 : memref<!tpu.dma_semaphore, #tpu.memory_space<semaphore_mem>>) src(%arg6 : memref<128x128xf32, #tpu.memory_space<vmem>>) dst(%dma_wait3A_61 : memref<128x128xf32, #tpu.memory_space<hbm>>)
        tpu.yield
      }) : () -> ()
      %add3A_35 = arith.constant 1 : i32
      %add3A_36 = arith.addi %mul3A_18, %add3A_35 : i32
      %dma_wait3A_37 = arith.constant 0 : i32
      %dma_wait3A_38 = tpu.memref_slice %arg5[%add3A_36, %dma_wait3A_37] : memref<50x128xi32, #tpu.memory_space<vmem>> -> memref<1x128xi32, #tpu.memory_space<vmem>>
      %dma_wait3A_39 = tpu.memref_squeeze %dma_wait3A_38 : memref<1x128xi32, #tpu.memory_space<vmem>> -> memref<128xi32, #tpu.memory_space<vmem>>
      %dma_wait3A_40 = arith.constant 0 : i32
      %dma_wait3A_41 = arith.constant 0 : i32
      %dma_wait3A_42 = tpu.memref_slice %arg3[%dma_wait3A_40, %dma_wait3A_41] : memref<100000x128xf32, #tpu.memory_space<hbm>> -> memref<100000x128xf32, #tpu.memory_space<hbm>>
      tpu.wait_indirect_dma semaphore(%arg9 : memref<!tpu.dma_semaphore, #tpu.memory_space<semaphore_mem>>) src(%dma_wait3A_42 : memref<100000x128xf32, #tpu.memory_space<hbm>>) dst(%arg7 : memref<128x128xf32, #tpu.memory_space<vmem>>)
      %add3A_43 = arith.constant 2 : i32
      %add3A_44 = arith.addi %mul3A_18, %add3A_43 : i32
      %lt3A = arith.constant 50 : i32
      %lt3A_45 = arith.cmpi slt, %add3A_44, %lt3A : i32
      %convert_element_type3A = arith.extui %lt3A_45 : i1 to i32
      %cond3A = arith.constant 0 : i32
      %cond3A_46 = arith.cmpi ne, %convert_element_type3A, %cond3A : i32
      scf.if %cond3A_46 {
        %add3A_53 = arith.constant 2 : i32
        %add3A_54 = arith.addi %mul3A_18, %add3A_53 : i32
        %dma_start3A_55 = arith.constant 0 : i32
        %dma_start3A_56 = tpu.memref_slice %arg5[%add3A_54, %dma_start3A_55] : memref<50x128xi32, #tpu.memory_space<vmem>> -> memref<1x128xi32, #tpu.memory_space<vmem>>
        %dma_start3A_57 = tpu.memref_squeeze %dma_start3A_56 : memref<1x128xi32, #tpu.memory_space<vmem>> -> memref<128xi32, #tpu.memory_space<vmem>>
        %dma_start3A_58 = arith.constant 0 : i32
        %dma_start3A_59 = arith.constant 0 : i32
        %dma_start3A_60 = tpu.memref_slice %arg3[%dma_start3A_58, %dma_start3A_59] : memref<100000x128xf32, #tpu.memory_space<hbm>> -> memref<100000x128xf32, #tpu.memory_space<hbm>>
        tpu.enqueue_indirect_dma source(%dma_start3A_60 : memref<100000x128xf32, #tpu.memory_space<hbm>>) target(%arg6 : memref<128x128xf32, #tpu.memory_space<vmem>>) offsets(%dma_start3A_57 : memref<128xi32, #tpu.memory_space<vmem>>) semaphore(%arg8 : memref<!tpu.dma_semaphore, #tpu.memory_space<semaphore_mem>>)
      } else {
      }
      %add3A_47 = arith.addi %mul3A_2, %mul3A_18 : i32
      %add3A_48 = arith.constant 1 : i32
      %add3A_49 = arith.addi %add3A_47, %add3A_48 : i32
      %mul3A_50 = arith.constant 128 : i32
      %mul3A_51 = arith.muli %add3A_49, %mul3A_50 : i32
      "tpu.region"() ({
        %run_scoped3A_53 = tpu.sem_alloc : memref<!tpu.dma_semaphore, #tpu.memory_space<semaphore_mem>>
        %dma_start3A_54 = arith.constant 0 : i32
        %dma_start3A_55 = tpu.memref_slice %arg4[%mul3A_51, %dma_start3A_54] : memref<204800x128xf32, #tpu.memory_space<hbm>> -> memref<128x128xf32, #tpu.memory_space<hbm>>
        %dma_start3A_56 = arith.constant 0 : i32
        %dma_start3A_57 = tpu.memref_slice %arg4[%mul3A_51, %dma_start3A_56] : memref<204800x128xf32, #tpu.memory_space<hbm>> -> memref<128x128xf32, #tpu.memory_space<hbm>>
        tpu.enqueue_dma source(%arg7 : memref<128x128xf32, #tpu.memory_space<vmem>>) target(%dma_start3A_57 : memref<128x128xf32, #tpu.memory_space<hbm>>) target_semaphore(%run_scoped3A_53 : memref<!tpu.dma_semaphore, #tpu.memory_space<semaphore_mem>>)
        %dma_wait3A_58 = arith.constant 0 : i32
        %dma_wait3A_59 = tpu.memref_slice %arg4[%mul3A_51, %dma_wait3A_58] : memref<204800x128xf32, #tpu.memory_space<hbm>> -> memref<128x128xf32, #tpu.memory_space<hbm>>
        %dma_wait3A_60 = arith.constant 0 : i32
        %dma_wait3A_61 = tpu.memref_slice %arg4[%mul3A_51, %dma_wait3A_60] : memref<204800x128xf32, #tpu.memory_space<hbm>> -> memref<128x128xf32, #tpu.memory_space<hbm>>
        tpu.wait_dma2 semaphore(%run_scoped3A_53 : memref<!tpu.dma_semaphore, #tpu.memory_space<semaphore_mem>>) src(%arg7 : memref<128x128xf32, #tpu.memory_space<vmem>>) dst(%dma_wait3A_61 : memref<128x128xf32, #tpu.memory_space<hbm>>)
        tpu.yield
      }) : () -> ()
      %scan3A_52 = arith.constant 0 : i32
      scf.yield %scan3A_52 : i32
    }
    %scan3A_14 = arith.constant 25 : i32
    return
  }
}

module attributes {stable_mosaic.version = 14 : i64} {
  func.func @_tc_body(%arg0: i32, %arg1: memref<1x1x6400xi32, #tpu.memory_space<vmem>>, %arg2: memref<1x1x6400xi32, #tpu.memory_space<vmem>>, %arg3: memref<6400x128xf32, #tpu.memory_space<vmem>>, %arg4: memref<800x800xbf16, #tpu.memory_space<vmem>>, %arg5: memref<128x1024xbf16, #tpu.memory_space<vmem>>, %arg6: memref<128x256xbf16, #tpu.memory_space<vmem>>, %arg7: memref<1x128xf32, #tpu.memory_space<vmem>>, %arg8: memref<1x128xf32, #tpu.memory_space<vmem>>, %arg9: memref<6400x128xf32, #tpu.memory_space<vmem>>, %arg10: memref<6400x128xf32, #tpu.memory_space<vmem>>, %arg11: memref<6400x128xf32, #tpu.memory_space<vmem>>) attributes {dimension_semantics = [#tpu.dimension_semantics<arbitrary>], iteration_bounds = array<i64: 33>, scalar_prefetch = 0 : i64, scratch_operands = 2 : i64, tpu.core_type = #tpu.core_type<tc>, window_params = [{transform_indices = @transform_0, window_bounds = array<i64: 1, 1, 6400>}, {transform_indices = @transform_1, window_bounds = array<i64: 1, 1, 6400>}, {transform_indices = @transform_2, window_bounds = array<i64: 6400, 128>}, {pipeline_mode = #tpu.pipeline_mode<synchronous>, transform_indices = @transform_3, window_bounds = array<i64: 800, 800>}, {pipeline_mode = #tpu.pipeline_mode<synchronous>, transform_indices = @transform_4, window_bounds = array<i64: 128, 1024>}, {pipeline_mode = #tpu.pipeline_mode<synchronous>, transform_indices = @transform_5, window_bounds = array<i64: 128, 256>}, {pipeline_mode = #tpu.pipeline_mode<synchronous>, transform_indices = @transform_6, window_bounds = array<i64: 1, 128>}, {pipeline_mode = #tpu.pipeline_mode<synchronous>, transform_indices = @transform_7, window_bounds = array<i64: 1, 128>}, {transform_indices = @transform_8, window_bounds = array<i64: 6400, 128>}]} {
    %rem3A = arith.constant 2 : i32
    %rem3A_0 = arith.remsi %arg0, %rem3A : i32
    %eq3A = arith.constant 0 : i32
    %eq3A_1 = arith.cmpi eq, %rem3A_0, %eq3A : i32
    %convert_element_type3A = arith.extui %eq3A_1 : i1 to i32
    %cond3A = arith.constant 0 : i32
    %cond3A_2 = arith.cmpi ne, %convert_element_type3A, %cond3A : i32
    scf.if %cond3A_2 {
      %get3A = arith.constant 0 : index
      %get3A_8 = arith.constant 0 : index
      %get3A_9 = arith.constant 0 : index
      %get3A_10 = vector.load %arg1[%get3A, %get3A_8, %get3A_9] : memref<1x1x6400xi32, #tpu.memory_space<vmem>>, vector<1x1x6400xi32>
      %get3A_11 = vector.shape_cast %get3A_10 : vector<1x1x6400xi32> to vector<1x6400xi32>
      %get3A_12 = arith.constant 0 : index
      %get3A_13 = arith.constant 0 : index
      %get3A_14 = arith.constant 0 : index
      %get3A_15 = vector.load %arg2[%get3A_12, %get3A_13, %get3A_14] : memref<1x1x6400xi32, #tpu.memory_space<vmem>>, vector<1x1x6400xi32>
      %get3A_16 = vector.shape_cast %get3A_15 : vector<1x1x6400xi32> to vector<1x6400xi32>
      %ne3A = arith.constant 0 : i32
      %ne3A_17 = vector.broadcast %ne3A : i32 to vector<1x6400xi32>
      %ne3A_18 = arith.cmpi ne, %get3A_11, %ne3A_17 : vector<1x6400xi32>
      %convert_element_type3A_19 = arith.extui %ne3A_18 : vector<1x6400xi1> to vector<1x6400xi32>
      %convert_element_type3A_20 = arith.sitofp %convert_element_type3A_19 : vector<1x6400xi32> to vector<1x6400xf32>
      %convert_element_type3A_21 = arith.truncf %convert_element_type3A_20 : vector<1x6400xf32> to vector<1x6400xbf16>
      %get3A_22 = arith.constant 0 : index
      %get3A_23 = arith.constant 0 : index
      %get3A_24 = vector.load %arg4[%get3A_22, %get3A_23] : memref<800x800xbf16, #tpu.memory_space<vmem>>, vector<800x800xbf16>
      %slice3A = vector.extract_strided_slice %convert_element_type3A_21 {offsets = [0, 0], sizes = [1, 800], strides = [1, 1]} : vector<1x6400xbf16> to vector<1x800xbf16>
      %dot_general3A = arith.constant dense<0.000000e+00> : vector<1x800xf32>
      %dot_general3A_25 = tpu.matmul %slice3A, %get3A_24, %dot_general3A {dimension_numbers = #tpu.dot_dimension_numbers<[1], [0], [0], [1], [0, 0, 1, 1], [], []>, transpose_lhs_hint = false} : vector<1x800xbf16>, vector<800x800xbf16>, vector<1x800xf32> -> vector<1x800xf32>
      %slice3A_26 = vector.extract_strided_slice %convert_element_type3A_21 {offsets = [0, 800], sizes = [1, 800], strides = [1, 1]} : vector<1x6400xbf16> to vector<1x800xbf16>
      %dot_general3A_27 = arith.constant dense<0.000000e+00> : vector<1x800xf32>
      %dot_general3A_28 = tpu.matmul %slice3A_26, %get3A_24, %dot_general3A_27 {dimension_numbers = #tpu.dot_dimension_numbers<[1], [0], [0], [1], [0, 0, 1, 1], [], []>, transpose_lhs_hint = false} : vector<1x800xbf16>, vector<800x800xbf16>, vector<1x800xf32> -> vector<1x800xf32>
      %slice3A_29 = vector.extract_strided_slice %convert_element_type3A_21 {offsets = [0, 1600], sizes = [1, 800], strides = [1, 1]} : vector<1x6400xbf16> to vector<1x800xbf16>
      %dot_general3A_30 = arith.constant dense<0.000000e+00> : vector<1x800xf32>
      %dot_general3A_31 = tpu.matmul %slice3A_29, %get3A_24, %dot_general3A_30 {dimension_numbers = #tpu.dot_dimension_numbers<[1], [0], [0], [1], [0, 0, 1, 1], [], []>, transpose_lhs_hint = false} : vector<1x800xbf16>, vector<800x800xbf16>, vector<1x800xf32> -> vector<1x800xf32>
      %slice3A_32 = vector.extract_strided_slice %convert_element_type3A_21 {offsets = [0, 2400], sizes = [1, 800], strides = [1, 1]} : vector<1x6400xbf16> to vector<1x800xbf16>
      %dot_general3A_33 = arith.constant dense<0.000000e+00> : vector<1x800xf32>
      %dot_general3A_34 = tpu.matmul %slice3A_32, %get3A_24, %dot_general3A_33 {dimension_numbers = #tpu.dot_dimension_numbers<[1], [0], [0], [1], [0, 0, 1, 1], [], []>, transpose_lhs_hint = false} : vector<1x800xbf16>, vector<800x800xbf16>, vector<1x800xf32> -> vector<1x800xf32>
      %slice3A_35 = vector.extract_strided_slice %convert_element_type3A_21 {offsets = [0, 3200], sizes = [1, 800], strides = [1, 1]} : vector<1x6400xbf16> to vector<1x800xbf16>
      %dot_general3A_36 = arith.constant dense<0.000000e+00> : vector<1x800xf32>
      %dot_general3A_37 = tpu.matmul %slice3A_35, %get3A_24, %dot_general3A_36 {dimension_numbers = #tpu.dot_dimension_numbers<[1], [0], [0], [1], [0, 0, 1, 1], [], []>, transpose_lhs_hint = false} : vector<1x800xbf16>, vector<800x800xbf16>, vector<1x800xf32> -> vector<1x800xf32>
      %slice3A_38 = vector.extract_strided_slice %convert_element_type3A_21 {offsets = [0, 4000], sizes = [1, 800], strides = [1, 1]} : vector<1x6400xbf16> to vector<1x800xbf16>
      %dot_general3A_39 = arith.constant dense<0.000000e+00> : vector<1x800xf32>
      %dot_general3A_40 = tpu.matmul %slice3A_38, %get3A_24, %dot_general3A_39 {dimension_numbers = #tpu.dot_dimension_numbers<[1], [0], [0], [1], [0, 0, 1, 1], [], []>, transpose_lhs_hint = false} : vector<1x800xbf16>, vector<800x800xbf16>, vector<1x800xf32> -> vector<1x800xf32>
      %slice3A_41 = vector.extract_strided_slice %convert_element_type3A_21 {offsets = [0, 4800], sizes = [1, 800], strides = [1, 1]} : vector<1x6400xbf16> to vector<1x800xbf16>
      %dot_general3A_42 = arith.constant dense<0.000000e+00> : vector<1x800xf32>
      %dot_general3A_43 = tpu.matmul %slice3A_41, %get3A_24, %dot_general3A_42 {dimension_numbers = #tpu.dot_dimension_numbers<[1], [0], [0], [1], [0, 0, 1, 1], [], []>, transpose_lhs_hint = false} : vector<1x800xbf16>, vector<800x800xbf16>, vector<1x800xf32> -> vector<1x800xf32>
      %slice3A_44 = vector.extract_strided_slice %convert_element_type3A_21 {offsets = [0, 5600], sizes = [1, 800], strides = [1, 1]} : vector<1x6400xbf16> to vector<1x800xbf16>
      %dot_general3A_45 = arith.constant dense<0.000000e+00> : vector<1x800xf32>
      %dot_general3A_46 = tpu.matmul %slice3A_44, %get3A_24, %dot_general3A_45 {dimension_numbers = #tpu.dot_dimension_numbers<[1], [0], [0], [1], [0, 0, 1, 1], [], []>, transpose_lhs_hint = false} : vector<1x800xbf16>, vector<800x800xbf16>, vector<1x800xf32> -> vector<1x800xf32>
      %concatenate3A = tpu.concatenate %dot_general3A_25, %dot_general3A_28, %dot_general3A_31, %dot_general3A_34, %dot_general3A_37, %dot_general3A_40, %dot_general3A_43, %dot_general3A_46 in 1 : vector<1x800xf32>, vector<1x800xf32>, vector<1x800xf32>, vector<1x800xf32>, vector<1x800xf32>, vector<1x800xf32>, vector<1x800xf32>, vector<1x800xf32> -> vector<1x6400xf32>
      %convert_element_type3A_47 = arith.fptosi %concatenate3A : vector<1x6400xf32> to vector<1x6400xi32>
      %convert_element_type3A_48 = arith.extui %ne3A_18 : vector<1x6400xi1> to vector<1x6400xi32>
      %mul3A = arith.muli %convert_element_type3A_47, %convert_element_type3A_48 : vector<1x6400xi32>
      %iota3A = tpu.iota {dimensions = array<i32: 0>} : vector<1024x1xi32>
      %iota3A_49 = tpu.iota {dimensions = array<i32: 0>} : vector<256x1xi32>
      %eq3A_50 = vector.broadcast %iota3A : vector<1024x1xi32> to vector<1024x6400xi32>
      %eq3A_51 = vector.broadcast %get3A_16 : vector<1x6400xi32> to vector<1024x6400xi32>
      %eq3A_52 = arith.cmpi eq, %eq3A_50, %eq3A_51 : vector<1024x6400xi32>
      %convert_element_type3A_53 = arith.extui %eq3A_52 : vector<1024x6400xi1> to vector<1024x6400xi32>
      %convert_element_type3A_54 = arith.sitofp %convert_element_type3A_53 : vector<1024x6400xi32> to vector<1024x6400xf32>
      %convert_element_type3A_55 = arith.truncf %convert_element_type3A_54 : vector<1024x6400xf32> to vector<1024x6400xbf16>
      %eq3A_56 = vector.broadcast %iota3A_49 : vector<256x1xi32> to vector<256x6400xi32>
      %eq3A_57 = vector.broadcast %mul3A : vector<1x6400xi32> to vector<256x6400xi32>
      %eq3A_58 = arith.cmpi eq, %eq3A_56, %eq3A_57 : vector<256x6400xi32>
      %convert_element_type3A_59 = arith.extui %eq3A_58 : vector<256x6400xi1> to vector<256x6400xi32>
      %convert_element_type3A_60 = arith.sitofp %convert_element_type3A_59 : vector<256x6400xi32> to vector<256x6400xf32>
      %convert_element_type3A_61 = arith.truncf %convert_element_type3A_60 : vector<256x6400xf32> to vector<256x6400xbf16>
      %get3A_62 = arith.constant 0 : index
      %get3A_63 = arith.constant 0 : index
      %get3A_64 = vector.load %arg5[%get3A_62, %get3A_63] : memref<128x1024xbf16, #tpu.memory_space<vmem>>, vector<128x1024xbf16>
      %dot_general3A_65 = arith.constant dense<0.000000e+00> : vector<128x6400xf32>
      %dot_general3A_66 = tpu.matmul %get3A_64, %convert_element_type3A_55, %dot_general3A_65 {dimension_numbers = #tpu.dot_dimension_numbers<[1], [0], [0], [1], [0, 0, 1, 1], [], []>, transpose_lhs_hint = false} : vector<128x1024xbf16>, vector<1024x6400xbf16>, vector<128x6400xf32> -> vector<128x6400xf32>
      %get3A_67 = arith.constant 0 : index
      %get3A_68 = arith.constant 0 : index
      %get3A_69 = vector.load %arg6[%get3A_67, %get3A_68] : memref<128x256xbf16, #tpu.memory_space<vmem>>, vector<128x256xbf16>
      %dot_general3A_70 = arith.constant dense<0.000000e+00> : vector<128x6400xf32>
      %dot_general3A_71 = tpu.matmul %get3A_69, %convert_element_type3A_61, %dot_general3A_70 {dimension_numbers = #tpu.dot_dimension_numbers<[1], [0], [0], [1], [0, 0, 1, 1], [], []>, transpose_lhs_hint = false} : vector<128x256xbf16>, vector<256x6400xbf16>, vector<128x6400xf32> -> vector<128x6400xf32>
      %add3A = arith.addf %dot_general3A_66, %dot_general3A_71 : vector<128x6400xf32>
      %get3A_72 = arith.constant 0 : index
      %get3A_73 = arith.constant 0 : index
      %get3A_74 = vector.load %arg3[%get3A_72, %get3A_73] : memref<6400x128xf32, #tpu.memory_space<vmem>>, vector<6400x128xf32>
      %transpose3A = tpu.transpose %add3A, [1, 0] : vector<128x6400xf32> -> vector<6400x128xf32>
      %add3A_75 = arith.addf %get3A_74, %transpose3A : vector<6400x128xf32>
      %swap3A = arith.constant 0 : index
      %swap3A_76 = arith.constant 0 : index
      %swap3A_77 = vector.load %arg10[%swap3A, %swap3A_76] : memref<6400x128xf32, #tpu.memory_space<vmem>>, vector<6400x128xf32>
      tpu.vector_store %arg10[%swap3A, %swap3A_76], %add3A_75 {strides = array<i32>} : memref<6400x128xf32, #tpu.memory_space<vmem>>, vector<6400x128xf32>,
      %get3A_78 = arith.constant 0 : index
      %get3A_79 = arith.constant 0 : index
      %get3A_80 = vector.load %arg11[%get3A_78, %get3A_79] : memref<6400x128xf32, #tpu.memory_space<vmem>>, vector<6400x128xf32>
      %reduce_sum3A = arith.constant dense<0.000000e+00> : vector<6400xf32>
      %reduce_sum3A_81 = vector.multi_reduction <add>, %get3A_80, %reduce_sum3A [1] : vector<6400x128xf32> to vector<6400xf32>
      %broadcast_in_dim3A = vector.shape_cast %reduce_sum3A_81 : vector<6400xf32> to vector<6400x1xf32>
      %div3A = arith.constant 1.280000e+02 : f32
      %div3A_82 = vector.broadcast %div3A : f32 to vector<6400x1xf32>
      %div3A_83 = arith.divf %broadcast_in_dim3A, %div3A_82 : vector<6400x1xf32>
      %sub3A = vector.broadcast %div3A_83 : vector<6400x1xf32> to vector<6400x128xf32>
      %sub3A_84 = arith.subf %get3A_80, %sub3A : vector<6400x128xf32>
      %mul3A_85 = arith.mulf %sub3A_84, %sub3A_84 : vector<6400x128xf32>
      %reduce_sum3A_86 = arith.constant dense<0.000000e+00> : vector<6400xf32>
      %reduce_sum3A_87 = vector.multi_reduction <add>, %mul3A_85, %reduce_sum3A_86 [1] : vector<6400x128xf32> to vector<6400xf32>
      %broadcast_in_dim3A_88 = vector.shape_cast %reduce_sum3A_87 : vector<6400xf32> to vector<6400x1xf32>
      %div3A_89 = arith.constant 1.280000e+02 : f32
      %div3A_90 = vector.broadcast %div3A_89 : f32 to vector<6400x1xf32>
      %div3A_91 = arith.divf %broadcast_in_dim3A_88, %div3A_90 : vector<6400x1xf32>
      %add3A_92 = arith.constant 9.99999996E-13 : f32
      %add3A_93 = vector.broadcast %add3A_92 : f32 to vector<6400x1xf32>
      %add3A_94 = arith.addf %div3A_91, %add3A_93 : vector<6400x1xf32>
      %rsqrt3A = math.rsqrt %add3A_94 : vector<6400x1xf32>
      %mul3A_95 = vector.broadcast %rsqrt3A : vector<6400x1xf32> to vector<6400x128xf32>
      %mul3A_96 = arith.mulf %sub3A_84, %mul3A_95 : vector<6400x128xf32>
      %get3A_97 = arith.constant 0 : index
      %get3A_98 = arith.constant 0 : index
      %get3A_99 = vector.load %arg7[%get3A_97, %get3A_98] : memref<1x128xf32, #tpu.memory_space<vmem>>, vector<1x128xf32>
      %mul3A_100 = vector.broadcast %get3A_99 : vector<1x128xf32> to vector<6400x128xf32>
      %mul3A_101 = arith.mulf %mul3A_96, %mul3A_100 : vector<6400x128xf32>
      %get3A_102 = arith.constant 0 : index
      %get3A_103 = arith.constant 0 : index
      %get3A_104 = vector.load %arg8[%get3A_102, %get3A_103] : memref<1x128xf32, #tpu.memory_space<vmem>>, vector<1x128xf32>
      %add3A_105 = vector.broadcast %get3A_104 : vector<1x128xf32> to vector<6400x128xf32>
      %add3A_106 = arith.addf %mul3A_101, %add3A_105 : vector<6400x128xf32>
      %swap3A_107 = arith.constant 0 : index
      %swap3A_108 = arith.constant 0 : index
      %swap3A_109 = vector.load %arg9[%swap3A_107, %swap3A_108] : memref<6400x128xf32, #tpu.memory_space<vmem>>, vector<6400x128xf32>
      tpu.vector_store %arg9[%swap3A_107, %swap3A_108], %add3A_106 {strides = array<i32>} : memref<6400x128xf32, #tpu.memory_space<vmem>>, vector<6400x128xf32>,
    } else {
    }
    %eq3A_3 = arith.constant 1 : i32
    %eq3A_4 = arith.cmpi eq, %rem3A_0, %eq3A_3 : i32
    %convert_element_type3A_5 = arith.extui %eq3A_4 : i1 to i32
    %cond3A_6 = arith.constant 0 : i32
    %cond3A_7 = arith.cmpi ne, %convert_element_type3A_5, %cond3A_6 : i32
    scf.if %cond3A_7 {
      %get3A = arith.constant 0 : index
      %get3A_8 = arith.constant 0 : index
      %get3A_9 = arith.constant 0 : index
      %get3A_10 = vector.load %arg1[%get3A, %get3A_8, %get3A_9] : memref<1x1x6400xi32, #tpu.memory_space<vmem>>, vector<1x1x6400xi32>
      %get3A_11 = vector.shape_cast %get3A_10 : vector<1x1x6400xi32> to vector<1x6400xi32>
      %get3A_12 = arith.constant 0 : index
      %get3A_13 = arith.constant 0 : index
      %get3A_14 = arith.constant 0 : index
      %get3A_15 = vector.load %arg2[%get3A_12, %get3A_13, %get3A_14] : memref<1x1x6400xi32, #tpu.memory_space<vmem>>, vector<1x1x6400xi32>
      %get3A_16 = vector.shape_cast %get3A_15 : vector<1x1x6400xi32> to vector<1x6400xi32>
      %ne3A = arith.constant 0 : i32
      %ne3A_17 = vector.broadcast %ne3A : i32 to vector<1x6400xi32>
      %ne3A_18 = arith.cmpi ne, %get3A_11, %ne3A_17 : vector<1x6400xi32>
      %convert_element_type3A_19 = arith.extui %ne3A_18 : vector<1x6400xi1> to vector<1x6400xi32>
      %convert_element_type3A_20 = arith.sitofp %convert_element_type3A_19 : vector<1x6400xi32> to vector<1x6400xf32>
      %convert_element_type3A_21 = arith.truncf %convert_element_type3A_20 : vector<1x6400xf32> to vector<1x6400xbf16>
      %get3A_22 = arith.constant 0 : index
      %get3A_23 = arith.constant 0 : index
      %get3A_24 = vector.load %arg4[%get3A_22, %get3A_23] : memref<800x800xbf16, #tpu.memory_space<vmem>>, vector<800x800xbf16>
      %slice3A = vector.extract_strided_slice %convert_element_type3A_21 {offsets = [0, 0], sizes = [1, 800], strides = [1, 1]} : vector<1x6400xbf16> to vector<1x800xbf16>
      %dot_general3A = arith.constant dense<0.000000e+00> : vector<1x800xf32>
      %dot_general3A_25 = tpu.matmul %slice3A, %get3A_24, %dot_general3A {dimension_numbers = #tpu.dot_dimension_numbers<[1], [0], [0], [1], [0, 0, 1, 1], [], []>, transpose_lhs_hint = false} : vector<1x800xbf16>, vector<800x800xbf16>, vector<1x800xf32> -> vector<1x800xf32>
      %slice3A_26 = vector.extract_strided_slice %convert_element_type3A_21 {offsets = [0, 800], sizes = [1, 800], strides = [1, 1]} : vector<1x6400xbf16> to vector<1x800xbf16>
      %dot_general3A_27 = arith.constant dense<0.000000e+00> : vector<1x800xf32>
      %dot_general3A_28 = tpu.matmul %slice3A_26, %get3A_24, %dot_general3A_27 {dimension_numbers = #tpu.dot_dimension_numbers<[1], [0], [0], [1], [0, 0, 1, 1], [], []>, transpose_lhs_hint = false} : vector<1x800xbf16>, vector<800x800xbf16>, vector<1x800xf32> -> vector<1x800xf32>
      %slice3A_29 = vector.extract_strided_slice %convert_element_type3A_21 {offsets = [0, 1600], sizes = [1, 800], strides = [1, 1]} : vector<1x6400xbf16> to vector<1x800xbf16>
      %dot_general3A_30 = arith.constant dense<0.000000e+00> : vector<1x800xf32>
      %dot_general3A_31 = tpu.matmul %slice3A_29, %get3A_24, %dot_general3A_30 {dimension_numbers = #tpu.dot_dimension_numbers<[1], [0], [0], [1], [0, 0, 1, 1], [], []>, transpose_lhs_hint = false} : vector<1x800xbf16>, vector<800x800xbf16>, vector<1x800xf32> -> vector<1x800xf32>
      %slice3A_32 = vector.extract_strided_slice %convert_element_type3A_21 {offsets = [0, 2400], sizes = [1, 800], strides = [1, 1]} : vector<1x6400xbf16> to vector<1x800xbf16>
      %dot_general3A_33 = arith.constant dense<0.000000e+00> : vector<1x800xf32>
      %dot_general3A_34 = tpu.matmul %slice3A_32, %get3A_24, %dot_general3A_33 {dimension_numbers = #tpu.dot_dimension_numbers<[1], [0], [0], [1], [0, 0, 1, 1], [], []>, transpose_lhs_hint = false} : vector<1x800xbf16>, vector<800x800xbf16>, vector<1x800xf32> -> vector<1x800xf32>
      %slice3A_35 = vector.extract_strided_slice %convert_element_type3A_21 {offsets = [0, 3200], sizes = [1, 800], strides = [1, 1]} : vector<1x6400xbf16> to vector<1x800xbf16>
      %dot_general3A_36 = arith.constant dense<0.000000e+00> : vector<1x800xf32>
      %dot_general3A_37 = tpu.matmul %slice3A_35, %get3A_24, %dot_general3A_36 {dimension_numbers = #tpu.dot_dimension_numbers<[1], [0], [0], [1], [0, 0, 1, 1], [], []>, transpose_lhs_hint = false} : vector<1x800xbf16>, vector<800x800xbf16>, vector<1x800xf32> -> vector<1x800xf32>
      %slice3A_38 = vector.extract_strided_slice %convert_element_type3A_21 {offsets = [0, 4000], sizes = [1, 800], strides = [1, 1]} : vector<1x6400xbf16> to vector<1x800xbf16>
      %dot_general3A_39 = arith.constant dense<0.000000e+00> : vector<1x800xf32>
      %dot_general3A_40 = tpu.matmul %slice3A_38, %get3A_24, %dot_general3A_39 {dimension_numbers = #tpu.dot_dimension_numbers<[1], [0], [0], [1], [0, 0, 1, 1], [], []>, transpose_lhs_hint = false} : vector<1x800xbf16>, vector<800x800xbf16>, vector<1x800xf32> -> vector<1x800xf32>
      %slice3A_41 = vector.extract_strided_slice %convert_element_type3A_21 {offsets = [0, 4800], sizes = [1, 800], strides = [1, 1]} : vector<1x6400xbf16> to vector<1x800xbf16>
      %dot_general3A_42 = arith.constant dense<0.000000e+00> : vector<1x800xf32>
      %dot_general3A_43 = tpu.matmul %slice3A_41, %get3A_24, %dot_general3A_42 {dimension_numbers = #tpu.dot_dimension_numbers<[1], [0], [0], [1], [0, 0, 1, 1], [], []>, transpose_lhs_hint = false} : vector<1x800xbf16>, vector<800x800xbf16>, vector<1x800xf32> -> vector<1x800xf32>
      %slice3A_44 = vector.extract_strided_slice %convert_element_type3A_21 {offsets = [0, 5600], sizes = [1, 800], strides = [1, 1]} : vector<1x6400xbf16> to vector<1x800xbf16>
      %dot_general3A_45 = arith.constant dense<0.000000e+00> : vector<1x800xf32>
      %dot_general3A_46 = tpu.matmul %slice3A_44, %get3A_24, %dot_general3A_45 {dimension_numbers = #tpu.dot_dimension_numbers<[1], [0], [0], [1], [0, 0, 1, 1], [], []>, transpose_lhs_hint = false} : vector<1x800xbf16>, vector<800x800xbf16>, vector<1x800xf32> -> vector<1x800xf32>
      %concatenate3A = tpu.concatenate %dot_general3A_25, %dot_general3A_28, %dot_general3A_31, %dot_general3A_34, %dot_general3A_37, %dot_general3A_40, %dot_general3A_43, %dot_general3A_46 in 1 : vector<1x800xf32>, vector<1x800xf32>, vector<1x800xf32>, vector<1x800xf32>, vector<1x800xf32>, vector<1x800xf32>, vector<1x800xf32>, vector<1x800xf32> -> vector<1x6400xf32>
      %convert_element_type3A_47 = arith.fptosi %concatenate3A : vector<1x6400xf32> to vector<1x6400xi32>
      %convert_element_type3A_48 = arith.extui %ne3A_18 : vector<1x6400xi1> to vector<1x6400xi32>
      %mul3A = arith.muli %convert_element_type3A_47, %convert_element_type3A_48 : vector<1x6400xi32>
      %iota3A = tpu.iota {dimensions = array<i32: 0>} : vector<1024x1xi32>
      %iota3A_49 = tpu.iota {dimensions = array<i32: 0>} : vector<256x1xi32>
      %eq3A_50 = vector.broadcast %iota3A : vector<1024x1xi32> to vector<1024x6400xi32>
      %eq3A_51 = vector.broadcast %get3A_16 : vector<1x6400xi32> to vector<1024x6400xi32>
      %eq3A_52 = arith.cmpi eq, %eq3A_50, %eq3A_51 : vector<1024x6400xi32>
      %convert_element_type3A_53 = arith.extui %eq3A_52 : vector<1024x6400xi1> to vector<1024x6400xi32>
      %convert_element_type3A_54 = arith.sitofp %convert_element_type3A_53 : vector<1024x6400xi32> to vector<1024x6400xf32>
      %convert_element_type3A_55 = arith.truncf %convert_element_type3A_54 : vector<1024x6400xf32> to vector<1024x6400xbf16>
      %eq3A_56 = vector.broadcast %iota3A_49 : vector<256x1xi32> to vector<256x6400xi32>
      %eq3A_57 = vector.broadcast %mul3A : vector<1x6400xi32> to vector<256x6400xi32>
      %eq3A_58 = arith.cmpi eq, %eq3A_56, %eq3A_57 : vector<256x6400xi32>
      %convert_element_type3A_59 = arith.extui %eq3A_58 : vector<256x6400xi1> to vector<256x6400xi32>
      %convert_element_type3A_60 = arith.sitofp %convert_element_type3A_59 : vector<256x6400xi32> to vector<256x6400xf32>
      %convert_element_type3A_61 = arith.truncf %convert_element_type3A_60 : vector<256x6400xf32> to vector<256x6400xbf16>
      %get3A_62 = arith.constant 0 : index
      %get3A_63 = arith.constant 0 : index
      %get3A_64 = vector.load %arg5[%get3A_62, %get3A_63] : memref<128x1024xbf16, #tpu.memory_space<vmem>>, vector<128x1024xbf16>
      %dot_general3A_65 = arith.constant dense<0.000000e+00> : vector<128x6400xf32>
      %dot_general3A_66 = tpu.matmul %get3A_64, %convert_element_type3A_55, %dot_general3A_65 {dimension_numbers = #tpu.dot_dimension_numbers<[1], [0], [0], [1], [0, 0, 1, 1], [], []>, transpose_lhs_hint = false} : vector<128x1024xbf16>, vector<1024x6400xbf16>, vector<128x6400xf32> -> vector<128x6400xf32>
      %get3A_67 = arith.constant 0 : index
      %get3A_68 = arith.constant 0 : index
      %get3A_69 = vector.load %arg6[%get3A_67, %get3A_68] : memref<128x256xbf16, #tpu.memory_space<vmem>>, vector<128x256xbf16>
      %dot_general3A_70 = arith.constant dense<0.000000e+00> : vector<128x6400xf32>
      %dot_general3A_71 = tpu.matmul %get3A_69, %convert_element_type3A_61, %dot_general3A_70 {dimension_numbers = #tpu.dot_dimension_numbers<[1], [0], [0], [1], [0, 0, 1, 1], [], []>, transpose_lhs_hint = false} : vector<128x256xbf16>, vector<256x6400xbf16>, vector<128x6400xf32> -> vector<128x6400xf32>
      %add3A = arith.addf %dot_general3A_66, %dot_general3A_71 : vector<128x6400xf32>
      %get3A_72 = arith.constant 0 : index
      %get3A_73 = arith.constant 0 : index
      %get3A_74 = vector.load %arg3[%get3A_72, %get3A_73] : memref<6400x128xf32, #tpu.memory_space<vmem>>, vector<6400x128xf32>
      %transpose3A = tpu.transpose %add3A, [1, 0] : vector<128x6400xf32> -> vector<6400x128xf32>
      %add3A_75 = arith.addf %get3A_74, %transpose3A : vector<6400x128xf32>
      %swap3A = arith.constant 0 : index
      %swap3A_76 = arith.constant 0 : index
      %swap3A_77 = vector.load %arg11[%swap3A, %swap3A_76] : memref<6400x128xf32, #tpu.memory_space<vmem>>, vector<6400x128xf32>
      tpu.vector_store %arg11[%swap3A, %swap3A_76], %add3A_75 {strides = array<i32>} : memref<6400x128xf32, #tpu.memory_space<vmem>>, vector<6400x128xf32>,
      %get3A_78 = arith.constant 0 : index
      %get3A_79 = arith.constant 0 : index
      %get3A_80 = vector.load %arg10[%get3A_78, %get3A_79] : memref<6400x128xf32, #tpu.memory_space<vmem>>, vector<6400x128xf32>
      %reduce_sum3A = arith.constant dense<0.000000e+00> : vector<6400xf32>
      %reduce_sum3A_81 = vector.multi_reduction <add>, %get3A_80, %reduce_sum3A [1] : vector<6400x128xf32> to vector<6400xf32>
      %broadcast_in_dim3A = vector.shape_cast %reduce_sum3A_81 : vector<6400xf32> to vector<6400x1xf32>
      %div3A = arith.constant 1.280000e+02 : f32
      %div3A_82 = vector.broadcast %div3A : f32 to vector<6400x1xf32>
      %div3A_83 = arith.divf %broadcast_in_dim3A, %div3A_82 : vector<6400x1xf32>
      %sub3A = vector.broadcast %div3A_83 : vector<6400x1xf32> to vector<6400x128xf32>
      %sub3A_84 = arith.subf %get3A_80, %sub3A : vector<6400x128xf32>
      %mul3A_85 = arith.mulf %sub3A_84, %sub3A_84 : vector<6400x128xf32>
      %reduce_sum3A_86 = arith.constant dense<0.000000e+00> : vector<6400xf32>
      %reduce_sum3A_87 = vector.multi_reduction <add>, %mul3A_85, %reduce_sum3A_86 [1] : vector<6400x128xf32> to vector<6400xf32>
      %broadcast_in_dim3A_88 = vector.shape_cast %reduce_sum3A_87 : vector<6400xf32> to vector<6400x1xf32>
      %div3A_89 = arith.constant 1.280000e+02 : f32
      %div3A_90 = vector.broadcast %div3A_89 : f32 to vector<6400x1xf32>
      %div3A_91 = arith.divf %broadcast_in_dim3A_88, %div3A_90 : vector<6400x1xf32>
      %add3A_92 = arith.constant 9.99999996E-13 : f32
      %add3A_93 = vector.broadcast %add3A_92 : f32 to vector<6400x1xf32>
      %add3A_94 = arith.addf %div3A_91, %add3A_93 : vector<6400x1xf32>
      %rsqrt3A = math.rsqrt %add3A_94 : vector<6400x1xf32>
      %mul3A_95 = vector.broadcast %rsqrt3A : vector<6400x1xf32> to vector<6400x128xf32>
      %mul3A_96 = arith.mulf %sub3A_84, %mul3A_95 : vector<6400x128xf32>
      %get3A_97 = arith.constant 0 : index
      %get3A_98 = arith.constant 0 : index
      %get3A_99 = vector.load %arg7[%get3A_97, %get3A_98] : memref<1x128xf32, #tpu.memory_space<vmem>>, vector<1x128xf32>
      %mul3A_100 = vector.broadcast %get3A_99 : vector<1x128xf32> to vector<6400x128xf32>
      %mul3A_101 = arith.mulf %mul3A_96, %mul3A_100 : vector<6400x128xf32>
      %get3A_102 = arith.constant 0 : index
      %get3A_103 = arith.constant 0 : index
      %get3A_104 = vector.load %arg8[%get3A_102, %get3A_103] : memref<1x128xf32, #tpu.memory_space<vmem>>, vector<1x128xf32>
      %add3A_105 = vector.broadcast %get3A_104 : vector<1x128xf32> to vector<6400x128xf32>
      %add3A_106 = arith.addf %mul3A_101, %add3A_105 : vector<6400x128xf32>
      %swap3A_107 = arith.constant 0 : index
      %swap3A_108 = arith.constant 0 : index
      %swap3A_109 = vector.load %arg9[%swap3A_107, %swap3A_108] : memref<6400x128xf32, #tpu.memory_space<vmem>>, vector<6400x128xf32>
      tpu.vector_store %arg9[%swap3A_107, %swap3A_108], %add3A_106 {strides = array<i32>} : memref<6400x128xf32, #tpu.memory_space<vmem>>, vector<6400x128xf32>,
    } else {
    }
    return
  }
  func.func @transform_0(%arg0: i32) -> (i32, i32, i32) {
    %min3A = arith.constant 31 : i32
    %min3A_0 = arith.minsi %arg0, %min3A : i32
    %add3A = arith.constant 0 : i32
    %add3A_1 = arith.addi %add3A, %min3A_0 : i32
    %c0_i32 = arith.constant 0 : i32
    %c0_i32_2 = arith.constant 0 : i32
    %c0_i32_3 = arith.constant 0 : i32
    return %add3A_1, %c0_i32, %c0_i32_2 : i32, i32, i32
  }
  func.func @transform_1(%arg0: i32) -> (i32, i32, i32) {
    %min3A = arith.constant 31 : i32
    %min3A_0 = arith.minsi %arg0, %min3A : i32
    %add3A = arith.constant 0 : i32
    %add3A_1 = arith.addi %add3A, %min3A_0 : i32
    %c0_i32 = arith.constant 0 : i32
    %c0_i32_2 = arith.constant 0 : i32
    %c0_i32_3 = arith.constant 0 : i32
    return %add3A_1, %c0_i32, %c0_i32_2 : i32, i32, i32
  }
  func.func @transform_2(%arg0: i32) -> (i32, i32) {
    %min3A = arith.constant 31 : i32
    %min3A_0 = arith.minsi %arg0, %min3A : i32
    %c0_i32 = arith.constant 0 : i32
    %c0_i32_1 = arith.constant 0 : i32
    return %min3A_0, %c0_i32 : i32, i32
  }
  func.func @transform_3(%arg0: i32) -> (i32, i32) {
    %c0_i32 = arith.constant 0 : i32
    %c0_i32_0 = arith.constant 0 : i32
    %c0_i32_1 = arith.constant 0 : i32
    return %c0_i32, %c0_i32_0 : i32, i32
  }
  func.func @transform_4(%arg0: i32) -> (i32, i32) {
    %c0_i32 = arith.constant 0 : i32
    %c0_i32_0 = arith.constant 0 : i32
    %c0_i32_1 = arith.constant 0 : i32
    return %c0_i32, %c0_i32_0 : i32, i32
  }
  func.func @transform_5(%arg0: i32) -> (i32, i32) {
    %c0_i32 = arith.constant 0 : i32
    %c0_i32_0 = arith.constant 0 : i32
    %c0_i32_1 = arith.constant 0 : i32
    return %c0_i32, %c0_i32_0 : i32, i32
  }
  func.func @transform_6(%arg0: i32) -> (i32, i32) {
    %c0_i32 = arith.constant 0 : i32
    %c0_i32_0 = arith.constant 0 : i32
    %c0_i32_1 = arith.constant 0 : i32
    return %c0_i32, %c0_i32_0 : i32, i32
  }
  func.func @transform_7(%arg0: i32) -> (i32, i32) {
    %c0_i32 = arith.constant 0 : i32
    %c0_i32_0 = arith.constant 0 : i32
    %c0_i32_1 = arith.constant 0 : i32
    return %c0_i32, %c0_i32_0 : i32, i32
  }
  func.func @transform_8(%arg0: i32) -> (i32, i32) {
    %sub3A = arith.constant 1 : i32
    %sub3A_0 = arith.subi %arg0, %sub3A : i32
    %max3A = arith.constant 0 : i32
    %max3A_1 = arith.maxsi %sub3A_0, %max3A : i32
    %add3A = arith.constant 0 : i32
    %add3A_2 = arith.addi %add3A, %max3A_1 : i32
    %c0_i32 = arith.constant 0 : i32
    %c0_i32_3 = arith.constant 0 : i32
    return %add3A_2, %c0_i32 : i32, i32
  }
}

module attributes {stable_mosaic.version = 14 : i64} {
  func.func @_tc_body_acc(%arg0: i32, %arg1: memref<1x1x6400xi32, #tpu.memory_space<vmem>>, %arg2: memref<1x1x6400xi32, #tpu.memory_space<vmem>>, %arg3: memref<6400x128xf32, #tpu.memory_space<vmem>>, %arg4: memref<800x800xbf16, #tpu.memory_space<vmem>>, %arg5: memref<128x1024xbf16, #tpu.memory_space<vmem>>, %arg6: memref<128x256xbf16, #tpu.memory_space<vmem>>, %arg7: memref<1x128xf32, #tpu.memory_space<vmem>>, %arg8: memref<1x128xf32, #tpu.memory_space<vmem>>, %arg9: memref<819200x128xf32, #tpu.memory_space<any>>, %arg10: memref<6400x128xf32, #tpu.memory_space<vmem>>, %arg11: memref<6400x128xf32, #tpu.memory_space<vmem>>, %arg12: memref<6400x128xf32, #tpu.memory_space<vmem>>) attributes {dimension_semantics = [#tpu.dimension_semantics<arbitrary>], iteration_bounds = array<i64: 33>, scalar_prefetch = 0 : i64, scratch_operands = 2 : i64, tpu.core_type = #tpu.core_type<tc>, window_params = [{transform_indices = @transform_0, window_bounds = array<i64: 1, 1, 6400>}, {transform_indices = @transform_1, window_bounds = array<i64: 1, 1, 6400>}, {transform_indices = @transform_2, window_bounds = array<i64: 6400, 128>}, {pipeline_mode = #tpu.pipeline_mode<synchronous>, transform_indices = @transform_3, window_bounds = array<i64: 800, 800>}, {pipeline_mode = #tpu.pipeline_mode<synchronous>, transform_indices = @transform_4, window_bounds = array<i64: 128, 1024>}, {pipeline_mode = #tpu.pipeline_mode<synchronous>, transform_indices = @transform_5, window_bounds = array<i64: 128, 256>}, {pipeline_mode = #tpu.pipeline_mode<synchronous>, transform_indices = @transform_6, window_bounds = array<i64: 1, 128>}, {pipeline_mode = #tpu.pipeline_mode<synchronous>, transform_indices = @transform_7, window_bounds = array<i64: 1, 128>}, {}, {transform_indices = @transform_9, window_bounds = array<i64: 6400, 128>}]} {
    %rem3A = arith.constant 2 : i32
    %rem3A_0 = arith.remsi %arg0, %rem3A : i32
    %eq3A = arith.constant 0 : i32
    %eq3A_1 = arith.cmpi eq, %rem3A_0, %eq3A : i32
    %convert_element_type3A = arith.extui %eq3A_1 : i1 to i32
    %cond3A = arith.constant 0 : i32
    %cond3A_2 = arith.cmpi ne, %convert_element_type3A, %cond3A : i32
    scf.if %cond3A_2 {
      %get3A = arith.constant 0 : index
      %get3A_8 = arith.constant 0 : index
      %get3A_9 = arith.constant 0 : index
      %get3A_10 = vector.load %arg1[%get3A, %get3A_8, %get3A_9] : memref<1x1x6400xi32, #tpu.memory_space<vmem>>, vector<1x1x6400xi32>
      %get3A_11 = vector.shape_cast %get3A_10 : vector<1x1x6400xi32> to vector<1x6400xi32>
      %get3A_12 = arith.constant 0 : index
      %get3A_13 = arith.constant 0 : index
      %get3A_14 = arith.constant 0 : index
      %get3A_15 = vector.load %arg2[%get3A_12, %get3A_13, %get3A_14] : memref<1x1x6400xi32, #tpu.memory_space<vmem>>, vector<1x1x6400xi32>
      %get3A_16 = vector.shape_cast %get3A_15 : vector<1x1x6400xi32> to vector<1x6400xi32>
      %ne3A = arith.constant 0 : i32
      %ne3A_17 = vector.broadcast %ne3A : i32 to vector<1x6400xi32>
      %ne3A_18 = arith.cmpi ne, %get3A_11, %ne3A_17 : vector<1x6400xi32>
      %convert_element_type3A_19 = arith.extui %ne3A_18 : vector<1x6400xi1> to vector<1x6400xi32>
      %convert_element_type3A_20 = arith.sitofp %convert_element_type3A_19 : vector<1x6400xi32> to vector<1x6400xf32>
      %convert_element_type3A_21 = arith.truncf %convert_element_type3A_20 : vector<1x6400xf32> to vector<1x6400xbf16>
      %get3A_22 = arith.constant 0 : index
      %get3A_23 = arith.constant 0 : index
      %get3A_24 = vector.load %arg4[%get3A_22, %get3A_23] : memref<800x800xbf16, #tpu.memory_space<vmem>>, vector<800x800xbf16>
      %slice3A = vector.extract_strided_slice %convert_element_type3A_21 {offsets = [0, 0], sizes = [1, 800], strides = [1, 1]} : vector<1x6400xbf16> to vector<1x800xbf16>
      %dot_general3A = arith.constant dense<0.000000e+00> : vector<1x800xf32>
      %dot_general3A_25 = tpu.matmul %slice3A, %get3A_24, %dot_general3A {dimension_numbers = #tpu.dot_dimension_numbers<[1], [0], [0], [1], [0, 0, 1, 1], [], []>, transpose_lhs_hint = false} : vector<1x800xbf16>, vector<800x800xbf16>, vector<1x800xf32> -> vector<1x800xf32>
      %slice3A_26 = vector.extract_strided_slice %convert_element_type3A_21 {offsets = [0, 800], sizes = [1, 800], strides = [1, 1]} : vector<1x6400xbf16> to vector<1x800xbf16>
      %dot_general3A_27 = arith.constant dense<0.000000e+00> : vector<1x800xf32>
      %dot_general3A_28 = tpu.matmul %slice3A_26, %get3A_24, %dot_general3A_27 {dimension_numbers = #tpu.dot_dimension_numbers<[1], [0], [0], [1], [0, 0, 1, 1], [], []>, transpose_lhs_hint = false} : vector<1x800xbf16>, vector<800x800xbf16>, vector<1x800xf32> -> vector<1x800xf32>
      %slice3A_29 = vector.extract_strided_slice %convert_element_type3A_21 {offsets = [0, 1600], sizes = [1, 800], strides = [1, 1]} : vector<1x6400xbf16> to vector<1x800xbf16>
      %dot_general3A_30 = arith.constant dense<0.000000e+00> : vector<1x800xf32>
      %dot_general3A_31 = tpu.matmul %slice3A_29, %get3A_24, %dot_general3A_30 {dimension_numbers = #tpu.dot_dimension_numbers<[1], [0], [0], [1], [0, 0, 1, 1], [], []>, transpose_lhs_hint = false} : vector<1x800xbf16>, vector<800x800xbf16>, vector<1x800xf32> -> vector<1x800xf32>
      %slice3A_32 = vector.extract_strided_slice %convert_element_type3A_21 {offsets = [0, 2400], sizes = [1, 800], strides = [1, 1]} : vector<1x6400xbf16> to vector<1x800xbf16>
      %dot_general3A_33 = arith.constant dense<0.000000e+00> : vector<1x800xf32>
      %dot_general3A_34 = tpu.matmul %slice3A_32, %get3A_24, %dot_general3A_33 {dimension_numbers = #tpu.dot_dimension_numbers<[1], [0], [0], [1], [0, 0, 1, 1], [], []>, transpose_lhs_hint = false} : vector<1x800xbf16>, vector<800x800xbf16>, vector<1x800xf32> -> vector<1x800xf32>
      %slice3A_35 = vector.extract_strided_slice %convert_element_type3A_21 {offsets = [0, 3200], sizes = [1, 800], strides = [1, 1]} : vector<1x6400xbf16> to vector<1x800xbf16>
      %dot_general3A_36 = arith.constant dense<0.000000e+00> : vector<1x800xf32>
      %dot_general3A_37 = tpu.matmul %slice3A_35, %get3A_24, %dot_general3A_36 {dimension_numbers = #tpu.dot_dimension_numbers<[1], [0], [0], [1], [0, 0, 1, 1], [], []>, transpose_lhs_hint = false} : vector<1x800xbf16>, vector<800x800xbf16>, vector<1x800xf32> -> vector<1x800xf32>
      %slice3A_38 = vector.extract_strided_slice %convert_element_type3A_21 {offsets = [0, 4000], sizes = [1, 800], strides = [1, 1]} : vector<1x6400xbf16> to vector<1x800xbf16>
      %dot_general3A_39 = arith.constant dense<0.000000e+00> : vector<1x800xf32>
      %dot_general3A_40 = tpu.matmul %slice3A_38, %get3A_24, %dot_general3A_39 {dimension_numbers = #tpu.dot_dimension_numbers<[1], [0], [0], [1], [0, 0, 1, 1], [], []>, transpose_lhs_hint = false} : vector<1x800xbf16>, vector<800x800xbf16>, vector<1x800xf32> -> vector<1x800xf32>
      %slice3A_41 = vector.extract_strided_slice %convert_element_type3A_21 {offsets = [0, 4800], sizes = [1, 800], strides = [1, 1]} : vector<1x6400xbf16> to vector<1x800xbf16>
      %dot_general3A_42 = arith.constant dense<0.000000e+00> : vector<1x800xf32>
      %dot_general3A_43 = tpu.matmul %slice3A_41, %get3A_24, %dot_general3A_42 {dimension_numbers = #tpu.dot_dimension_numbers<[1], [0], [0], [1], [0, 0, 1, 1], [], []>, transpose_lhs_hint = false} : vector<1x800xbf16>, vector<800x800xbf16>, vector<1x800xf32> -> vector<1x800xf32>
      %slice3A_44 = vector.extract_strided_slice %convert_element_type3A_21 {offsets = [0, 5600], sizes = [1, 800], strides = [1, 1]} : vector<1x6400xbf16> to vector<1x800xbf16>
      %dot_general3A_45 = arith.constant dense<0.000000e+00> : vector<1x800xf32>
      %dot_general3A_46 = tpu.matmul %slice3A_44, %get3A_24, %dot_general3A_45 {dimension_numbers = #tpu.dot_dimension_numbers<[1], [0], [0], [1], [0, 0, 1, 1], [], []>, transpose_lhs_hint = false} : vector<1x800xbf16>, vector<800x800xbf16>, vector<1x800xf32> -> vector<1x800xf32>
      %concatenate3A = tpu.concatenate %dot_general3A_25, %dot_general3A_28, %dot_general3A_31, %dot_general3A_34, %dot_general3A_37, %dot_general3A_40, %dot_general3A_43, %dot_general3A_46 in 1 : vector<1x800xf32>, vector<1x800xf32>, vector<1x800xf32>, vector<1x800xf32>, vector<1x800xf32>, vector<1x800xf32>, vector<1x800xf32>, vector<1x800xf32> -> vector<1x6400xf32>
      %convert_element_type3A_47 = arith.fptosi %concatenate3A : vector<1x6400xf32> to vector<1x6400xi32>
      %convert_element_type3A_48 = arith.extui %ne3A_18 : vector<1x6400xi1> to vector<1x6400xi32>
      %mul3A = arith.muli %convert_element_type3A_47, %convert_element_type3A_48 : vector<1x6400xi32>
      %iota3A = tpu.iota {dimensions = array<i32: 0>} : vector<1024x1xi32>
      %iota3A_49 = tpu.iota {dimensions = array<i32: 0>} : vector<256x1xi32>
      %eq3A_50 = vector.broadcast %iota3A : vector<1024x1xi32> to vector<1024x6400xi32>
      %eq3A_51 = vector.broadcast %get3A_16 : vector<1x6400xi32> to vector<1024x6400xi32>
      %eq3A_52 = arith.cmpi eq, %eq3A_50, %eq3A_51 : vector<1024x6400xi32>
      %convert_element_type3A_53 = arith.extui %eq3A_52 : vector<1024x6400xi1> to vector<1024x6400xi32>
      %convert_element_type3A_54 = arith.sitofp %convert_element_type3A_53 : vector<1024x6400xi32> to vector<1024x6400xf32>
      %convert_element_type3A_55 = arith.truncf %convert_element_type3A_54 : vector<1024x6400xf32> to vector<1024x6400xbf16>
      %eq3A_56 = vector.broadcast %iota3A_49 : vector<256x1xi32> to vector<256x6400xi32>
      %eq3A_57 = vector.broadcast %mul3A : vector<1x6400xi32> to vector<256x6400xi32>
      %eq3A_58 = arith.cmpi eq, %eq3A_56, %eq3A_57 : vector<256x6400xi32>
      %convert_element_type3A_59 = arith.extui %eq3A_58 : vector<256x6400xi1> to vector<256x6400xi32>
      %convert_element_type3A_60 = arith.sitofp %convert_element_type3A_59 : vector<256x6400xi32> to vector<256x6400xf32>
      %convert_element_type3A_61 = arith.truncf %convert_element_type3A_60 : vector<256x6400xf32> to vector<256x6400xbf16>
      %get3A_62 = arith.constant 0 : index
      %get3A_63 = arith.constant 0 : index
      %get3A_64 = vector.load %arg5[%get3A_62, %get3A_63] : memref<128x1024xbf16, #tpu.memory_space<vmem>>, vector<128x1024xbf16>
      %dot_general3A_65 = arith.constant dense<0.000000e+00> : vector<128x6400xf32>
      %dot_general3A_66 = tpu.matmul %get3A_64, %convert_element_type3A_55, %dot_general3A_65 {dimension_numbers = #tpu.dot_dimension_numbers<[1], [0], [0], [1], [0, 0, 1, 1], [], []>, transpose_lhs_hint = false} : vector<128x1024xbf16>, vector<1024x6400xbf16>, vector<128x6400xf32> -> vector<128x6400xf32>
      %get3A_67 = arith.constant 0 : index
      %get3A_68 = arith.constant 0 : index
      %get3A_69 = vector.load %arg6[%get3A_67, %get3A_68] : memref<128x256xbf16, #tpu.memory_space<vmem>>, vector<128x256xbf16>
      %dot_general3A_70 = arith.constant dense<0.000000e+00> : vector<128x6400xf32>
      %dot_general3A_71 = tpu.matmul %get3A_69, %convert_element_type3A_61, %dot_general3A_70 {dimension_numbers = #tpu.dot_dimension_numbers<[1], [0], [0], [1], [0, 0, 1, 1], [], []>, transpose_lhs_hint = false} : vector<128x256xbf16>, vector<256x6400xbf16>, vector<128x6400xf32> -> vector<128x6400xf32>
      %add3A = arith.addf %dot_general3A_66, %dot_general3A_71 : vector<128x6400xf32>
      %get3A_72 = arith.constant 0 : index
      %get3A_73 = arith.constant 0 : index
      %get3A_74 = vector.load %arg3[%get3A_72, %get3A_73] : memref<6400x128xf32, #tpu.memory_space<vmem>>, vector<6400x128xf32>
      %transpose3A = tpu.transpose %add3A, [1, 0] : vector<128x6400xf32> -> vector<6400x128xf32>
      %add3A_75 = arith.addf %get3A_74, %transpose3A : vector<6400x128xf32>
      %swap3A = arith.constant 0 : index
      %swap3A_76 = arith.constant 0 : index
      %swap3A_77 = vector.load %arg11[%swap3A, %swap3A_76] : memref<6400x128xf32, #tpu.memory_space<vmem>>, vector<6400x128xf32>
      tpu.vector_store %arg11[%swap3A, %swap3A_76], %add3A_75 {strides = array<i32>} : memref<6400x128xf32, #tpu.memory_space<vmem>>, vector<6400x128xf32>,
      %get3A_78 = arith.constant 0 : index
      %get3A_79 = arith.constant 0 : index
      %get3A_80 = vector.load %arg12[%get3A_78, %get3A_79] : memref<6400x128xf32, #tpu.memory_space<vmem>>, vector<6400x128xf32>
      %reduce_sum3A = arith.constant dense<0.000000e+00> : vector<6400xf32>
      %reduce_sum3A_81 = vector.multi_reduction <add>, %get3A_80, %reduce_sum3A [1] : vector<6400x128xf32> to vector<6400xf32>
      %broadcast_in_dim3A = vector.shape_cast %reduce_sum3A_81 : vector<6400xf32> to vector<6400x1xf32>
      %div3A = arith.constant 1.280000e+02 : f32
      %div3A_82 = vector.broadcast %div3A : f32 to vector<6400x1xf32>
      %div3A_83 = arith.divf %broadcast_in_dim3A, %div3A_82 : vector<6400x1xf32>
      %sub3A = vector.broadcast %div3A_83 : vector<6400x1xf32> to vector<6400x128xf32>
      %sub3A_84 = arith.subf %get3A_80, %sub3A : vector<6400x128xf32>
      %mul3A_85 = arith.mulf %sub3A_84, %sub3A_84 : vector<6400x128xf32>
      %reduce_sum3A_86 = arith.constant dense<0.000000e+00> : vector<6400xf32>
      %reduce_sum3A_87 = vector.multi_reduction <add>, %mul3A_85, %reduce_sum3A_86 [1] : vector<6400x128xf32> to vector<6400xf32>
      %broadcast_in_dim3A_88 = vector.shape_cast %reduce_sum3A_87 : vector<6400xf32> to vector<6400x1xf32>
      %div3A_89 = arith.constant 1.280000e+02 : f32
      %div3A_90 = vector.broadcast %div3A_89 : f32 to vector<6400x1xf32>
      %div3A_91 = arith.divf %broadcast_in_dim3A_88, %div3A_90 : vector<6400x1xf32>
      %add3A_92 = arith.constant 9.99999996E-13 : f32
      %add3A_93 = vector.broadcast %add3A_92 : f32 to vector<6400x1xf32>
      %add3A_94 = arith.addf %div3A_91, %add3A_93 : vector<6400x1xf32>
      %rsqrt3A = math.rsqrt %add3A_94 : vector<6400x1xf32>
      %mul3A_95 = vector.broadcast %rsqrt3A : vector<6400x1xf32> to vector<6400x128xf32>
      %mul3A_96 = arith.mulf %sub3A_84, %mul3A_95 : vector<6400x128xf32>
      %get3A_97 = arith.constant 0 : index
      %get3A_98 = arith.constant 0 : index
      %get3A_99 = vector.load %arg7[%get3A_97, %get3A_98] : memref<1x128xf32, #tpu.memory_space<vmem>>, vector<1x128xf32>
      %mul3A_100 = vector.broadcast %get3A_99 : vector<1x128xf32> to vector<6400x128xf32>
      %mul3A_101 = arith.mulf %mul3A_96, %mul3A_100 : vector<6400x128xf32>
      %get3A_102 = arith.constant 0 : index
      %get3A_103 = arith.constant 0 : index
      %get3A_104 = vector.load %arg8[%get3A_102, %get3A_103] : memref<1x128xf32, #tpu.memory_space<vmem>>, vector<1x128xf32>
      %add3A_105 = vector.broadcast %get3A_104 : vector<1x128xf32> to vector<6400x128xf32>
      %add3A_106 = arith.addf %mul3A_101, %add3A_105 : vector<6400x128xf32>
      %swap3A_107 = arith.constant 0 : index
      %swap3A_108 = arith.constant 0 : index
      %swap3A_109 = vector.load %arg10[%swap3A_107, %swap3A_108] : memref<6400x128xf32, #tpu.memory_space<vmem>>, vector<6400x128xf32>
      tpu.vector_store %arg10[%swap3A_107, %swap3A_108], %add3A_106 {strides = array<i32>} : memref<6400x128xf32, #tpu.memory_space<vmem>>, vector<6400x128xf32>,
    } else {
    }
    %eq3A_3 = arith.constant 1 : i32
    %eq3A_4 = arith.cmpi eq, %rem3A_0, %eq3A_3 : i32
    %convert_element_type3A_5 = arith.extui %eq3A_4 : i1 to i32
    %cond3A_6 = arith.constant 0 : i32
    %cond3A_7 = arith.cmpi ne, %convert_element_type3A_5, %cond3A_6 : i32
    scf.if %cond3A_7 {
      %get3A = arith.constant 0 : index
      %get3A_8 = arith.constant 0 : index
      %get3A_9 = arith.constant 0 : index
      %get3A_10 = vector.load %arg1[%get3A, %get3A_8, %get3A_9] : memref<1x1x6400xi32, #tpu.memory_space<vmem>>, vector<1x1x6400xi32>
      %get3A_11 = vector.shape_cast %get3A_10 : vector<1x1x6400xi32> to vector<1x6400xi32>
      %get3A_12 = arith.constant 0 : index
      %get3A_13 = arith.constant 0 : index
      %get3A_14 = arith.constant 0 : index
      %get3A_15 = vector.load %arg2[%get3A_12, %get3A_13, %get3A_14] : memref<1x1x6400xi32, #tpu.memory_space<vmem>>, vector<1x1x6400xi32>
      %get3A_16 = vector.shape_cast %get3A_15 : vector<1x1x6400xi32> to vector<1x6400xi32>
      %ne3A = arith.constant 0 : i32
      %ne3A_17 = vector.broadcast %ne3A : i32 to vector<1x6400xi32>
      %ne3A_18 = arith.cmpi ne, %get3A_11, %ne3A_17 : vector<1x6400xi32>
      %convert_element_type3A_19 = arith.extui %ne3A_18 : vector<1x6400xi1> to vector<1x6400xi32>
      %convert_element_type3A_20 = arith.sitofp %convert_element_type3A_19 : vector<1x6400xi32> to vector<1x6400xf32>
      %convert_element_type3A_21 = arith.truncf %convert_element_type3A_20 : vector<1x6400xf32> to vector<1x6400xbf16>
      %get3A_22 = arith.constant 0 : index
      %get3A_23 = arith.constant 0 : index
      %get3A_24 = vector.load %arg4[%get3A_22, %get3A_23] : memref<800x800xbf16, #tpu.memory_space<vmem>>, vector<800x800xbf16>
      %slice3A = vector.extract_strided_slice %convert_element_type3A_21 {offsets = [0, 0], sizes = [1, 800], strides = [1, 1]} : vector<1x6400xbf16> to vector<1x800xbf16>
      %dot_general3A = arith.constant dense<0.000000e+00> : vector<1x800xf32>
      %dot_general3A_25 = tpu.matmul %slice3A, %get3A_24, %dot_general3A {dimension_numbers = #tpu.dot_dimension_numbers<[1], [0], [0], [1], [0, 0, 1, 1], [], []>, transpose_lhs_hint = false} : vector<1x800xbf16>, vector<800x800xbf16>, vector<1x800xf32> -> vector<1x800xf32>
      %slice3A_26 = vector.extract_strided_slice %convert_element_type3A_21 {offsets = [0, 800], sizes = [1, 800], strides = [1, 1]} : vector<1x6400xbf16> to vector<1x800xbf16>
      %dot_general3A_27 = arith.constant dense<0.000000e+00> : vector<1x800xf32>
      %dot_general3A_28 = tpu.matmul %slice3A_26, %get3A_24, %dot_general3A_27 {dimension_numbers = #tpu.dot_dimension_numbers<[1], [0], [0], [1], [0, 0, 1, 1], [], []>, transpose_lhs_hint = false} : vector<1x800xbf16>, vector<800x800xbf16>, vector<1x800xf32> -> vector<1x800xf32>
      %slice3A_29 = vector.extract_strided_slice %convert_element_type3A_21 {offsets = [0, 1600], sizes = [1, 800], strides = [1, 1]} : vector<1x6400xbf16> to vector<1x800xbf16>
      %dot_general3A_30 = arith.constant dense<0.000000e+00> : vector<1x800xf32>
      %dot_general3A_31 = tpu.matmul %slice3A_29, %get3A_24, %dot_general3A_30 {dimension_numbers = #tpu.dot_dimension_numbers<[1], [0], [0], [1], [0, 0, 1, 1], [], []>, transpose_lhs_hint = false} : vector<1x800xbf16>, vector<800x800xbf16>, vector<1x800xf32> -> vector<1x800xf32>
      %slice3A_32 = vector.extract_strided_slice %convert_element_type3A_21 {offsets = [0, 2400], sizes = [1, 800], strides = [1, 1]} : vector<1x6400xbf16> to vector<1x800xbf16>
      %dot_general3A_33 = arith.constant dense<0.000000e+00> : vector<1x800xf32>
      %dot_general3A_34 = tpu.matmul %slice3A_32, %get3A_24, %dot_general3A_33 {dimension_numbers = #tpu.dot_dimension_numbers<[1], [0], [0], [1], [0, 0, 1, 1], [], []>, transpose_lhs_hint = false} : vector<1x800xbf16>, vector<800x800xbf16>, vector<1x800xf32> -> vector<1x800xf32>
      %slice3A_35 = vector.extract_strided_slice %convert_element_type3A_21 {offsets = [0, 3200], sizes = [1, 800], strides = [1, 1]} : vector<1x6400xbf16> to vector<1x800xbf16>
      %dot_general3A_36 = arith.constant dense<0.000000e+00> : vector<1x800xf32>
      %dot_general3A_37 = tpu.matmul %slice3A_35, %get3A_24, %dot_general3A_36 {dimension_numbers = #tpu.dot_dimension_numbers<[1], [0], [0], [1], [0, 0, 1, 1], [], []>, transpose_lhs_hint = false} : vector<1x800xbf16>, vector<800x800xbf16>, vector<1x800xf32> -> vector<1x800xf32>
      %slice3A_38 = vector.extract_strided_slice %convert_element_type3A_21 {offsets = [0, 4000], sizes = [1, 800], strides = [1, 1]} : vector<1x6400xbf16> to vector<1x800xbf16>
      %dot_general3A_39 = arith.constant dense<0.000000e+00> : vector<1x800xf32>
      %dot_general3A_40 = tpu.matmul %slice3A_38, %get3A_24, %dot_general3A_39 {dimension_numbers = #tpu.dot_dimension_numbers<[1], [0], [0], [1], [0, 0, 1, 1], [], []>, transpose_lhs_hint = false} : vector<1x800xbf16>, vector<800x800xbf16>, vector<1x800xf32> -> vector<1x800xf32>
      %slice3A_41 = vector.extract_strided_slice %convert_element_type3A_21 {offsets = [0, 4800], sizes = [1, 800], strides = [1, 1]} : vector<1x6400xbf16> to vector<1x800xbf16>
      %dot_general3A_42 = arith.constant dense<0.000000e+00> : vector<1x800xf32>
      %dot_general3A_43 = tpu.matmul %slice3A_41, %get3A_24, %dot_general3A_42 {dimension_numbers = #tpu.dot_dimension_numbers<[1], [0], [0], [1], [0, 0, 1, 1], [], []>, transpose_lhs_hint = false} : vector<1x800xbf16>, vector<800x800xbf16>, vector<1x800xf32> -> vector<1x800xf32>
      %slice3A_44 = vector.extract_strided_slice %convert_element_type3A_21 {offsets = [0, 5600], sizes = [1, 800], strides = [1, 1]} : vector<1x6400xbf16> to vector<1x800xbf16>
      %dot_general3A_45 = arith.constant dense<0.000000e+00> : vector<1x800xf32>
      %dot_general3A_46 = tpu.matmul %slice3A_44, %get3A_24, %dot_general3A_45 {dimension_numbers = #tpu.dot_dimension_numbers<[1], [0], [0], [1], [0, 0, 1, 1], [], []>, transpose_lhs_hint = false} : vector<1x800xbf16>, vector<800x800xbf16>, vector<1x800xf32> -> vector<1x800xf32>
      %concatenate3A = tpu.concatenate %dot_general3A_25, %dot_general3A_28, %dot_general3A_31, %dot_general3A_34, %dot_general3A_37, %dot_general3A_40, %dot_general3A_43, %dot_general3A_46 in 1 : vector<1x800xf32>, vector<1x800xf32>, vector<1x800xf32>, vector<1x800xf32>, vector<1x800xf32>, vector<1x800xf32>, vector<1x800xf32>, vector<1x800xf32> -> vector<1x6400xf32>
      %convert_element_type3A_47 = arith.fptosi %concatenate3A : vector<1x6400xf32> to vector<1x6400xi32>
      %convert_element_type3A_48 = arith.extui %ne3A_18 : vector<1x6400xi1> to vector<1x6400xi32>
      %mul3A = arith.muli %convert_element_type3A_47, %convert_element_type3A_48 : vector<1x6400xi32>
      %iota3A = tpu.iota {dimensions = array<i32: 0>} : vector<1024x1xi32>
      %iota3A_49 = tpu.iota {dimensions = array<i32: 0>} : vector<256x1xi32>
      %eq3A_50 = vector.broadcast %iota3A : vector<1024x1xi32> to vector<1024x6400xi32>
      %eq3A_51 = vector.broadcast %get3A_16 : vector<1x6400xi32> to vector<1024x6400xi32>
      %eq3A_52 = arith.cmpi eq, %eq3A_50, %eq3A_51 : vector<1024x6400xi32>
      %convert_element_type3A_53 = arith.extui %eq3A_52 : vector<1024x6400xi1> to vector<1024x6400xi32>
      %convert_element_type3A_54 = arith.sitofp %convert_element_type3A_53 : vector<1024x6400xi32> to vector<1024x6400xf32>
      %convert_element_type3A_55 = arith.truncf %convert_element_type3A_54 : vector<1024x6400xf32> to vector<1024x6400xbf16>
      %eq3A_56 = vector.broadcast %iota3A_49 : vector<256x1xi32> to vector<256x6400xi32>
      %eq3A_57 = vector.broadcast %mul3A : vector<1x6400xi32> to vector<256x6400xi32>
      %eq3A_58 = arith.cmpi eq, %eq3A_56, %eq3A_57 : vector<256x6400xi32>
      %convert_element_type3A_59 = arith.extui %eq3A_58 : vector<256x6400xi1> to vector<256x6400xi32>
      %convert_element_type3A_60 = arith.sitofp %convert_element_type3A_59 : vector<256x6400xi32> to vector<256x6400xf32>
      %convert_element_type3A_61 = arith.truncf %convert_element_type3A_60 : vector<256x6400xf32> to vector<256x6400xbf16>
      %get3A_62 = arith.constant 0 : index
      %get3A_63 = arith.constant 0 : index
      %get3A_64 = vector.load %arg5[%get3A_62, %get3A_63] : memref<128x1024xbf16, #tpu.memory_space<vmem>>, vector<128x1024xbf16>
      %dot_general3A_65 = arith.constant dense<0.000000e+00> : vector<128x6400xf32>
      %dot_general3A_66 = tpu.matmul %get3A_64, %convert_element_type3A_55, %dot_general3A_65 {dimension_numbers = #tpu.dot_dimension_numbers<[1], [0], [0], [1], [0, 0, 1, 1], [], []>, transpose_lhs_hint = false} : vector<128x1024xbf16>, vector<1024x6400xbf16>, vector<128x6400xf32> -> vector<128x6400xf32>
      %get3A_67 = arith.constant 0 : index
      %get3A_68 = arith.constant 0 : index
      %get3A_69 = vector.load %arg6[%get3A_67, %get3A_68] : memref<128x256xbf16, #tpu.memory_space<vmem>>, vector<128x256xbf16>
      %dot_general3A_70 = arith.constant dense<0.000000e+00> : vector<128x6400xf32>
      %dot_general3A_71 = tpu.matmul %get3A_69, %convert_element_type3A_61, %dot_general3A_70 {dimension_numbers = #tpu.dot_dimension_numbers<[1], [0], [0], [1], [0, 0, 1, 1], [], []>, transpose_lhs_hint = false} : vector<128x256xbf16>, vector<256x6400xbf16>, vector<128x6400xf32> -> vector<128x6400xf32>
      %add3A = arith.addf %dot_general3A_66, %dot_general3A_71 : vector<128x6400xf32>
      %get3A_72 = arith.constant 0 : index
      %get3A_73 = arith.constant 0 : index
      %get3A_74 = vector.load %arg3[%get3A_72, %get3A_73] : memref<6400x128xf32, #tpu.memory_space<vmem>>, vector<6400x128xf32>
      %transpose3A = tpu.transpose %add3A, [1, 0] : vector<128x6400xf32> -> vector<6400x128xf32>
      %add3A_75 = arith.addf %get3A_74, %transpose3A : vector<6400x128xf32>
      %swap3A = arith.constant 0 : index
      %swap3A_76 = arith.constant 0 : index
      %swap3A_77 = vector.load %arg12[%swap3A, %swap3A_76] : memref<6400x128xf32, #tpu.memory_space<vmem>>, vector<6400x128xf32>
      tpu.vector_store %arg12[%swap3A, %swap3A_76], %add3A_75 {strides = array<i32>} : memref<6400x128xf32, #tpu.memory_space<vmem>>, vector<6400x128xf32>,
      %get3A_78 = arith.constant 0 : index
      %get3A_79 = arith.constant 0 : index
      %get3A_80 = vector.load %arg11[%get3A_78, %get3A_79] : memref<6400x128xf32, #tpu.memory_space<vmem>>, vector<6400x128xf32>
      %reduce_sum3A = arith.constant dense<0.000000e+00> : vector<6400xf32>
      %reduce_sum3A_81 = vector.multi_reduction <add>, %get3A_80, %reduce_sum3A [1] : vector<6400x128xf32> to vector<6400xf32>
      %broadcast_in_dim3A = vector.shape_cast %reduce_sum3A_81 : vector<6400xf32> to vector<6400x1xf32>
      %div3A = arith.constant 1.280000e+02 : f32
      %div3A_82 = vector.broadcast %div3A : f32 to vector<6400x1xf32>
      %div3A_83 = arith.divf %broadcast_in_dim3A, %div3A_82 : vector<6400x1xf32>
      %sub3A = vector.broadcast %div3A_83 : vector<6400x1xf32> to vector<6400x128xf32>
      %sub3A_84 = arith.subf %get3A_80, %sub3A : vector<6400x128xf32>
      %mul3A_85 = arith.mulf %sub3A_84, %sub3A_84 : vector<6400x128xf32>
      %reduce_sum3A_86 = arith.constant dense<0.000000e+00> : vector<6400xf32>
      %reduce_sum3A_87 = vector.multi_reduction <add>, %mul3A_85, %reduce_sum3A_86 [1] : vector<6400x128xf32> to vector<6400xf32>
      %broadcast_in_dim3A_88 = vector.shape_cast %reduce_sum3A_87 : vector<6400xf32> to vector<6400x1xf32>
      %div3A_89 = arith.constant 1.280000e+02 : f32
      %div3A_90 = vector.broadcast %div3A_89 : f32 to vector<6400x1xf32>
      %div3A_91 = arith.divf %broadcast_in_dim3A_88, %div3A_90 : vector<6400x1xf32>
      %add3A_92 = arith.constant 9.99999996E-13 : f32
      %add3A_93 = vector.broadcast %add3A_92 : f32 to vector<6400x1xf32>
      %add3A_94 = arith.addf %div3A_91, %add3A_93 : vector<6400x1xf32>
      %rsqrt3A = math.rsqrt %add3A_94 : vector<6400x1xf32>
      %mul3A_95 = vector.broadcast %rsqrt3A : vector<6400x1xf32> to vector<6400x128xf32>
      %mul3A_96 = arith.mulf %sub3A_84, %mul3A_95 : vector<6400x128xf32>
      %get3A_97 = arith.constant 0 : index
      %get3A_98 = arith.constant 0 : index
      %get3A_99 = vector.load %arg7[%get3A_97, %get3A_98] : memref<1x128xf32, #tpu.memory_space<vmem>>, vector<1x128xf32>
      %mul3A_100 = vector.broadcast %get3A_99 : vector<1x128xf32> to vector<6400x128xf32>
      %mul3A_101 = arith.mulf %mul3A_96, %mul3A_100 : vector<6400x128xf32>
      %get3A_102 = arith.constant 0 : index
      %get3A_103 = arith.constant 0 : index
      %get3A_104 = vector.load %arg8[%get3A_102, %get3A_103] : memref<1x128xf32, #tpu.memory_space<vmem>>, vector<1x128xf32>
      %add3A_105 = vector.broadcast %get3A_104 : vector<1x128xf32> to vector<6400x128xf32>
      %add3A_106 = arith.addf %mul3A_101, %add3A_105 : vector<6400x128xf32>
      %swap3A_107 = arith.constant 0 : index
      %swap3A_108 = arith.constant 0 : index
      %swap3A_109 = vector.load %arg10[%swap3A_107, %swap3A_108] : memref<6400x128xf32, #tpu.memory_space<vmem>>, vector<6400x128xf32>
      tpu.vector_store %arg10[%swap3A_107, %swap3A_108], %add3A_106 {strides = array<i32>} : memref<6400x128xf32, #tpu.memory_space<vmem>>, vector<6400x128xf32>,
    } else {
    }
    return
  }
  func.func @transform_0(%arg0: i32) -> (i32, i32, i32) {
    %min3A = arith.constant 31 : i32
    %min3A_0 = arith.minsi %arg0, %min3A : i32
    %add3A = arith.constant 32 : i32
    %add3A_1 = arith.addi %add3A, %min3A_0 : i32
    %c0_i32 = arith.constant 0 : i32
    %c0_i32_2 = arith.constant 0 : i32
    %c0_i32_3 = arith.constant 0 : i32
    return %add3A_1, %c0_i32, %c0_i32_2 : i32, i32, i32
  }
  func.func @transform_1(%arg0: i32) -> (i32, i32, i32) {
    %min3A = arith.constant 31 : i32
    %min3A_0 = arith.minsi %arg0, %min3A : i32
    %add3A = arith.constant 32 : i32
    %add3A_1 = arith.addi %add3A, %min3A_0 : i32
    %c0_i32 = arith.constant 0 : i32
    %c0_i32_2 = arith.constant 0 : i32
    %c0_i32_3 = arith.constant 0 : i32
    return %add3A_1, %c0_i32, %c0_i32_2 : i32, i32, i32
  }
  func.func @transform_2(%arg0: i32) -> (i32, i32) {
    %min3A = arith.constant 31 : i32
    %min3A_0 = arith.minsi %arg0, %min3A : i32
    %c0_i32 = arith.constant 0 : i32
    %c0_i32_1 = arith.constant 0 : i32
    return %min3A_0, %c0_i32 : i32, i32
  }
  func.func @transform_3(%arg0: i32) -> (i32, i32) {
    %c0_i32 = arith.constant 0 : i32
    %c0_i32_0 = arith.constant 0 : i32
    %c0_i32_1 = arith.constant 0 : i32
    return %c0_i32, %c0_i32_0 : i32, i32
  }
  func.func @transform_4(%arg0: i32) -> (i32, i32) {
    %c0_i32 = arith.constant 0 : i32
    %c0_i32_0 = arith.constant 0 : i32
    %c0_i32_1 = arith.constant 0 : i32
    return %c0_i32, %c0_i32_0 : i32, i32
  }
  func.func @transform_5(%arg0: i32) -> (i32, i32) {
    %c0_i32 = arith.constant 0 : i32
    %c0_i32_0 = arith.constant 0 : i32
    %c0_i32_1 = arith.constant 0 : i32
    return %c0_i32, %c0_i32_0 : i32, i32
  }
  func.func @transform_6(%arg0: i32) -> (i32, i32) {
    %c0_i32 = arith.constant 0 : i32
    %c0_i32_0 = arith.constant 0 : i32
    %c0_i32_1 = arith.constant 0 : i32
    return %c0_i32, %c0_i32_0 : i32, i32
  }
  func.func @transform_7(%arg0: i32) -> (i32, i32) {
    %c0_i32 = arith.constant 0 : i32
    %c0_i32_0 = arith.constant 0 : i32
    %c0_i32_1 = arith.constant 0 : i32
    return %c0_i32, %c0_i32_0 : i32, i32
  }
  func.func @transform_9(%arg0: i32) -> (i32, i32) {
    %sub3A = arith.constant 1 : i32
    %sub3A_0 = arith.subi %arg0, %sub3A : i32
    %max3A = arith.constant 0 : i32
    %max3A_1 = arith.maxsi %sub3A_0, %max3A : i32
    %add3A = arith.constant 32 : i32
    %add3A_2 = arith.addi %add3A, %max3A_1 : i32
    %c0_i32 = arith.constant 0 : i32
    %c0_i32_3 = arith.constant 0 : i32
    return %add3A_2, %c0_i32 : i32, i32
  }
}

module attributes {stable_mosaic.version = 14 : i64} {
  func.func @_tc_body_acc(%arg0: i32, %arg1: memref<1x1x6400xi32, #tpu.memory_space<vmem>>, %arg2: memref<1x1x6400xi32, #tpu.memory_space<vmem>>, %arg3: memref<6400x128xf32, #tpu.memory_space<vmem>>, %arg4: memref<800x800xbf16, #tpu.memory_space<vmem>>, %arg5: memref<128x1024xbf16, #tpu.memory_space<vmem>>, %arg6: memref<128x256xbf16, #tpu.memory_space<vmem>>, %arg7: memref<1x128xf32, #tpu.memory_space<vmem>>, %arg8: memref<1x128xf32, #tpu.memory_space<vmem>>, %arg9: memref<819200x128xf32, #tpu.memory_space<any>>, %arg10: memref<6400x128xf32, #tpu.memory_space<vmem>>, %arg11: memref<6400x128xf32, #tpu.memory_space<vmem>>, %arg12: memref<6400x128xf32, #tpu.memory_space<vmem>>) attributes {dimension_semantics = [#tpu.dimension_semantics<arbitrary>], iteration_bounds = array<i64: 33>, scalar_prefetch = 0 : i64, scratch_operands = 2 : i64, tpu.core_type = #tpu.core_type<tc>, window_params = [{transform_indices = @transform_0, window_bounds = array<i64: 1, 1, 6400>}, {transform_indices = @transform_1, window_bounds = array<i64: 1, 1, 6400>}, {transform_indices = @transform_2, window_bounds = array<i64: 6400, 128>}, {pipeline_mode = #tpu.pipeline_mode<synchronous>, transform_indices = @transform_3, window_bounds = array<i64: 800, 800>}, {pipeline_mode = #tpu.pipeline_mode<synchronous>, transform_indices = @transform_4, window_bounds = array<i64: 128, 1024>}, {pipeline_mode = #tpu.pipeline_mode<synchronous>, transform_indices = @transform_5, window_bounds = array<i64: 128, 256>}, {pipeline_mode = #tpu.pipeline_mode<synchronous>, transform_indices = @transform_6, window_bounds = array<i64: 1, 128>}, {pipeline_mode = #tpu.pipeline_mode<synchronous>, transform_indices = @transform_7, window_bounds = array<i64: 1, 128>}, {}, {transform_indices = @transform_9, window_bounds = array<i64: 6400, 128>}]} {
    %rem3A = arith.constant 2 : i32
    %rem3A_0 = arith.remsi %arg0, %rem3A : i32
    %eq3A = arith.constant 0 : i32
    %eq3A_1 = arith.cmpi eq, %rem3A_0, %eq3A : i32
    %convert_element_type3A = arith.extui %eq3A_1 : i1 to i32
    %cond3A = arith.constant 0 : i32
    %cond3A_2 = arith.cmpi ne, %convert_element_type3A, %cond3A : i32
    scf.if %cond3A_2 {
      %get3A = arith.constant 0 : index
      %get3A_8 = arith.constant 0 : index
      %get3A_9 = arith.constant 0 : index
      %get3A_10 = vector.load %arg1[%get3A, %get3A_8, %get3A_9] : memref<1x1x6400xi32, #tpu.memory_space<vmem>>, vector<1x1x6400xi32>
      %get3A_11 = vector.shape_cast %get3A_10 : vector<1x1x6400xi32> to vector<1x6400xi32>
      %get3A_12 = arith.constant 0 : index
      %get3A_13 = arith.constant 0 : index
      %get3A_14 = arith.constant 0 : index
      %get3A_15 = vector.load %arg2[%get3A_12, %get3A_13, %get3A_14] : memref<1x1x6400xi32, #tpu.memory_space<vmem>>, vector<1x1x6400xi32>
      %get3A_16 = vector.shape_cast %get3A_15 : vector<1x1x6400xi32> to vector<1x6400xi32>
      %ne3A = arith.constant 0 : i32
      %ne3A_17 = vector.broadcast %ne3A : i32 to vector<1x6400xi32>
      %ne3A_18 = arith.cmpi ne, %get3A_11, %ne3A_17 : vector<1x6400xi32>
      %convert_element_type3A_19 = arith.extui %ne3A_18 : vector<1x6400xi1> to vector<1x6400xi32>
      %convert_element_type3A_20 = arith.sitofp %convert_element_type3A_19 : vector<1x6400xi32> to vector<1x6400xf32>
      %convert_element_type3A_21 = arith.truncf %convert_element_type3A_20 : vector<1x6400xf32> to vector<1x6400xbf16>
      %get3A_22 = arith.constant 0 : index
      %get3A_23 = arith.constant 0 : index
      %get3A_24 = vector.load %arg4[%get3A_22, %get3A_23] : memref<800x800xbf16, #tpu.memory_space<vmem>>, vector<800x800xbf16>
      %slice3A = vector.extract_strided_slice %convert_element_type3A_21 {offsets = [0, 0], sizes = [1, 800], strides = [1, 1]} : vector<1x6400xbf16> to vector<1x800xbf16>
      %dot_general3A = arith.constant dense<0.000000e+00> : vector<1x800xf32>
      %dot_general3A_25 = tpu.matmul %slice3A, %get3A_24, %dot_general3A {dimension_numbers = #tpu.dot_dimension_numbers<[1], [0], [0], [1], [0, 0, 1, 1], [], []>, transpose_lhs_hint = false} : vector<1x800xbf16>, vector<800x800xbf16>, vector<1x800xf32> -> vector<1x800xf32>
      %slice3A_26 = vector.extract_strided_slice %convert_element_type3A_21 {offsets = [0, 800], sizes = [1, 800], strides = [1, 1]} : vector<1x6400xbf16> to vector<1x800xbf16>
      %dot_general3A_27 = arith.constant dense<0.000000e+00> : vector<1x800xf32>
      %dot_general3A_28 = tpu.matmul %slice3A_26, %get3A_24, %dot_general3A_27 {dimension_numbers = #tpu.dot_dimension_numbers<[1], [0], [0], [1], [0, 0, 1, 1], [], []>, transpose_lhs_hint = false} : vector<1x800xbf16>, vector<800x800xbf16>, vector<1x800xf32> -> vector<1x800xf32>
      %slice3A_29 = vector.extract_strided_slice %convert_element_type3A_21 {offsets = [0, 1600], sizes = [1, 800], strides = [1, 1]} : vector<1x6400xbf16> to vector<1x800xbf16>
      %dot_general3A_30 = arith.constant dense<0.000000e+00> : vector<1x800xf32>
      %dot_general3A_31 = tpu.matmul %slice3A_29, %get3A_24, %dot_general3A_30 {dimension_numbers = #tpu.dot_dimension_numbers<[1], [0], [0], [1], [0, 0, 1, 1], [], []>, transpose_lhs_hint = false} : vector<1x800xbf16>, vector<800x800xbf16>, vector<1x800xf32> -> vector<1x800xf32>
      %slice3A_32 = vector.extract_strided_slice %convert_element_type3A_21 {offsets = [0, 2400], sizes = [1, 800], strides = [1, 1]} : vector<1x6400xbf16> to vector<1x800xbf16>
      %dot_general3A_33 = arith.constant dense<0.000000e+00> : vector<1x800xf32>
      %dot_general3A_34 = tpu.matmul %slice3A_32, %get3A_24, %dot_general3A_33 {dimension_numbers = #tpu.dot_dimension_numbers<[1], [0], [0], [1], [0, 0, 1, 1], [], []>, transpose_lhs_hint = false} : vector<1x800xbf16>, vector<800x800xbf16>, vector<1x800xf32> -> vector<1x800xf32>
      %slice3A_35 = vector.extract_strided_slice %convert_element_type3A_21 {offsets = [0, 3200], sizes = [1, 800], strides = [1, 1]} : vector<1x6400xbf16> to vector<1x800xbf16>
      %dot_general3A_36 = arith.constant dense<0.000000e+00> : vector<1x800xf32>
      %dot_general3A_37 = tpu.matmul %slice3A_35, %get3A_24, %dot_general3A_36 {dimension_numbers = #tpu.dot_dimension_numbers<[1], [0], [0], [1], [0, 0, 1, 1], [], []>, transpose_lhs_hint = false} : vector<1x800xbf16>, vector<800x800xbf16>, vector<1x800xf32> -> vector<1x800xf32>
      %slice3A_38 = vector.extract_strided_slice %convert_element_type3A_21 {offsets = [0, 4000], sizes = [1, 800], strides = [1, 1]} : vector<1x6400xbf16> to vector<1x800xbf16>
      %dot_general3A_39 = arith.constant dense<0.000000e+00> : vector<1x800xf32>
      %dot_general3A_40 = tpu.matmul %slice3A_38, %get3A_24, %dot_general3A_39 {dimension_numbers = #tpu.dot_dimension_numbers<[1], [0], [0], [1], [0, 0, 1, 1], [], []>, transpose_lhs_hint = false} : vector<1x800xbf16>, vector<800x800xbf16>, vector<1x800xf32> -> vector<1x800xf32>
      %slice3A_41 = vector.extract_strided_slice %convert_element_type3A_21 {offsets = [0, 4800], sizes = [1, 800], strides = [1, 1]} : vector<1x6400xbf16> to vector<1x800xbf16>
      %dot_general3A_42 = arith.constant dense<0.000000e+00> : vector<1x800xf32>
      %dot_general3A_43 = tpu.matmul %slice3A_41, %get3A_24, %dot_general3A_42 {dimension_numbers = #tpu.dot_dimension_numbers<[1], [0], [0], [1], [0, 0, 1, 1], [], []>, transpose_lhs_hint = false} : vector<1x800xbf16>, vector<800x800xbf16>, vector<1x800xf32> -> vector<1x800xf32>
      %slice3A_44 = vector.extract_strided_slice %convert_element_type3A_21 {offsets = [0, 5600], sizes = [1, 800], strides = [1, 1]} : vector<1x6400xbf16> to vector<1x800xbf16>
      %dot_general3A_45 = arith.constant dense<0.000000e+00> : vector<1x800xf32>
      %dot_general3A_46 = tpu.matmul %slice3A_44, %get3A_24, %dot_general3A_45 {dimension_numbers = #tpu.dot_dimension_numbers<[1], [0], [0], [1], [0, 0, 1, 1], [], []>, transpose_lhs_hint = false} : vector<1x800xbf16>, vector<800x800xbf16>, vector<1x800xf32> -> vector<1x800xf32>
      %concatenate3A = tpu.concatenate %dot_general3A_25, %dot_general3A_28, %dot_general3A_31, %dot_general3A_34, %dot_general3A_37, %dot_general3A_40, %dot_general3A_43, %dot_general3A_46 in 1 : vector<1x800xf32>, vector<1x800xf32>, vector<1x800xf32>, vector<1x800xf32>, vector<1x800xf32>, vector<1x800xf32>, vector<1x800xf32>, vector<1x800xf32> -> vector<1x6400xf32>
      %convert_element_type3A_47 = arith.fptosi %concatenate3A : vector<1x6400xf32> to vector<1x6400xi32>
      %convert_element_type3A_48 = arith.extui %ne3A_18 : vector<1x6400xi1> to vector<1x6400xi32>
      %mul3A = arith.muli %convert_element_type3A_47, %convert_element_type3A_48 : vector<1x6400xi32>
      %iota3A = tpu.iota {dimensions = array<i32: 0>} : vector<1024x1xi32>
      %iota3A_49 = tpu.iota {dimensions = array<i32: 0>} : vector<256x1xi32>
      %eq3A_50 = vector.broadcast %iota3A : vector<1024x1xi32> to vector<1024x6400xi32>
      %eq3A_51 = vector.broadcast %get3A_16 : vector<1x6400xi32> to vector<1024x6400xi32>
      %eq3A_52 = arith.cmpi eq, %eq3A_50, %eq3A_51 : vector<1024x6400xi32>
      %convert_element_type3A_53 = arith.extui %eq3A_52 : vector<1024x6400xi1> to vector<1024x6400xi32>
      %convert_element_type3A_54 = arith.sitofp %convert_element_type3A_53 : vector<1024x6400xi32> to vector<1024x6400xf32>
      %convert_element_type3A_55 = arith.truncf %convert_element_type3A_54 : vector<1024x6400xf32> to vector<1024x6400xbf16>
      %eq3A_56 = vector.broadcast %iota3A_49 : vector<256x1xi32> to vector<256x6400xi32>
      %eq3A_57 = vector.broadcast %mul3A : vector<1x6400xi32> to vector<256x6400xi32>
      %eq3A_58 = arith.cmpi eq, %eq3A_56, %eq3A_57 : vector<256x6400xi32>
      %convert_element_type3A_59 = arith.extui %eq3A_58 : vector<256x6400xi1> to vector<256x6400xi32>
      %convert_element_type3A_60 = arith.sitofp %convert_element_type3A_59 : vector<256x6400xi32> to vector<256x6400xf32>
      %convert_element_type3A_61 = arith.truncf %convert_element_type3A_60 : vector<256x6400xf32> to vector<256x6400xbf16>
      %get3A_62 = arith.constant 0 : index
      %get3A_63 = arith.constant 0 : index
      %get3A_64 = vector.load %arg5[%get3A_62, %get3A_63] : memref<128x1024xbf16, #tpu.memory_space<vmem>>, vector<128x1024xbf16>
      %dot_general3A_65 = arith.constant dense<0.000000e+00> : vector<128x6400xf32>
      %dot_general3A_66 = tpu.matmul %get3A_64, %convert_element_type3A_55, %dot_general3A_65 {dimension_numbers = #tpu.dot_dimension_numbers<[1], [0], [0], [1], [0, 0, 1, 1], [], []>, transpose_lhs_hint = false} : vector<128x1024xbf16>, vector<1024x6400xbf16>, vector<128x6400xf32> -> vector<128x6400xf32>
      %get3A_67 = arith.constant 0 : index
      %get3A_68 = arith.constant 0 : index
      %get3A_69 = vector.load %arg6[%get3A_67, %get3A_68] : memref<128x256xbf16, #tpu.memory_space<vmem>>, vector<128x256xbf16>
      %dot_general3A_70 = arith.constant dense<0.000000e+00> : vector<128x6400xf32>
      %dot_general3A_71 = tpu.matmul %get3A_69, %convert_element_type3A_61, %dot_general3A_70 {dimension_numbers = #tpu.dot_dimension_numbers<[1], [0], [0], [1], [0, 0, 1, 1], [], []>, transpose_lhs_hint = false} : vector<128x256xbf16>, vector<256x6400xbf16>, vector<128x6400xf32> -> vector<128x6400xf32>
      %add3A = arith.addf %dot_general3A_66, %dot_general3A_71 : vector<128x6400xf32>
      %get3A_72 = arith.constant 0 : index
      %get3A_73 = arith.constant 0 : index
      %get3A_74 = vector.load %arg3[%get3A_72, %get3A_73] : memref<6400x128xf32, #tpu.memory_space<vmem>>, vector<6400x128xf32>
      %transpose3A = tpu.transpose %add3A, [1, 0] : vector<128x6400xf32> -> vector<6400x128xf32>
      %add3A_75 = arith.addf %get3A_74, %transpose3A : vector<6400x128xf32>
      %swap3A = arith.constant 0 : index
      %swap3A_76 = arith.constant 0 : index
      %swap3A_77 = vector.load %arg11[%swap3A, %swap3A_76] : memref<6400x128xf32, #tpu.memory_space<vmem>>, vector<6400x128xf32>
      tpu.vector_store %arg11[%swap3A, %swap3A_76], %add3A_75 {strides = array<i32>} : memref<6400x128xf32, #tpu.memory_space<vmem>>, vector<6400x128xf32>,
      %get3A_78 = arith.constant 0 : index
      %get3A_79 = arith.constant 0 : index
      %get3A_80 = vector.load %arg12[%get3A_78, %get3A_79] : memref<6400x128xf32, #tpu.memory_space<vmem>>, vector<6400x128xf32>
      %reduce_sum3A = arith.constant dense<0.000000e+00> : vector<6400xf32>
      %reduce_sum3A_81 = vector.multi_reduction <add>, %get3A_80, %reduce_sum3A [1] : vector<6400x128xf32> to vector<6400xf32>
      %broadcast_in_dim3A = vector.shape_cast %reduce_sum3A_81 : vector<6400xf32> to vector<6400x1xf32>
      %div3A = arith.constant 1.280000e+02 : f32
      %div3A_82 = vector.broadcast %div3A : f32 to vector<6400x1xf32>
      %div3A_83 = arith.divf %broadcast_in_dim3A, %div3A_82 : vector<6400x1xf32>
      %sub3A = vector.broadcast %div3A_83 : vector<6400x1xf32> to vector<6400x128xf32>
      %sub3A_84 = arith.subf %get3A_80, %sub3A : vector<6400x128xf32>
      %mul3A_85 = arith.mulf %sub3A_84, %sub3A_84 : vector<6400x128xf32>
      %reduce_sum3A_86 = arith.constant dense<0.000000e+00> : vector<6400xf32>
      %reduce_sum3A_87 = vector.multi_reduction <add>, %mul3A_85, %reduce_sum3A_86 [1] : vector<6400x128xf32> to vector<6400xf32>
      %broadcast_in_dim3A_88 = vector.shape_cast %reduce_sum3A_87 : vector<6400xf32> to vector<6400x1xf32>
      %div3A_89 = arith.constant 1.280000e+02 : f32
      %div3A_90 = vector.broadcast %div3A_89 : f32 to vector<6400x1xf32>
      %div3A_91 = arith.divf %broadcast_in_dim3A_88, %div3A_90 : vector<6400x1xf32>
      %add3A_92 = arith.constant 9.99999996E-13 : f32
      %add3A_93 = vector.broadcast %add3A_92 : f32 to vector<6400x1xf32>
      %add3A_94 = arith.addf %div3A_91, %add3A_93 : vector<6400x1xf32>
      %rsqrt3A = math.rsqrt %add3A_94 : vector<6400x1xf32>
      %mul3A_95 = vector.broadcast %rsqrt3A : vector<6400x1xf32> to vector<6400x128xf32>
      %mul3A_96 = arith.mulf %sub3A_84, %mul3A_95 : vector<6400x128xf32>
      %get3A_97 = arith.constant 0 : index
      %get3A_98 = arith.constant 0 : index
      %get3A_99 = vector.load %arg7[%get3A_97, %get3A_98] : memref<1x128xf32, #tpu.memory_space<vmem>>, vector<1x128xf32>
      %mul3A_100 = vector.broadcast %get3A_99 : vector<1x128xf32> to vector<6400x128xf32>
      %mul3A_101 = arith.mulf %mul3A_96, %mul3A_100 : vector<6400x128xf32>
      %get3A_102 = arith.constant 0 : index
      %get3A_103 = arith.constant 0 : index
      %get3A_104 = vector.load %arg8[%get3A_102, %get3A_103] : memref<1x128xf32, #tpu.memory_space<vmem>>, vector<1x128xf32>
      %add3A_105 = vector.broadcast %get3A_104 : vector<1x128xf32> to vector<6400x128xf32>
      %add3A_106 = arith.addf %mul3A_101, %add3A_105 : vector<6400x128xf32>
      %swap3A_107 = arith.constant 0 : index
      %swap3A_108 = arith.constant 0 : index
      %swap3A_109 = vector.load %arg10[%swap3A_107, %swap3A_108] : memref<6400x128xf32, #tpu.memory_space<vmem>>, vector<6400x128xf32>
      tpu.vector_store %arg10[%swap3A_107, %swap3A_108], %add3A_106 {strides = array<i32>} : memref<6400x128xf32, #tpu.memory_space<vmem>>, vector<6400x128xf32>,
    } else {
    }
    %eq3A_3 = arith.constant 1 : i32
    %eq3A_4 = arith.cmpi eq, %rem3A_0, %eq3A_3 : i32
    %convert_element_type3A_5 = arith.extui %eq3A_4 : i1 to i32
    %cond3A_6 = arith.constant 0 : i32
    %cond3A_7 = arith.cmpi ne, %convert_element_type3A_5, %cond3A_6 : i32
    scf.if %cond3A_7 {
      %get3A = arith.constant 0 : index
      %get3A_8 = arith.constant 0 : index
      %get3A_9 = arith.constant 0 : index
      %get3A_10 = vector.load %arg1[%get3A, %get3A_8, %get3A_9] : memref<1x1x6400xi32, #tpu.memory_space<vmem>>, vector<1x1x6400xi32>
      %get3A_11 = vector.shape_cast %get3A_10 : vector<1x1x6400xi32> to vector<1x6400xi32>
      %get3A_12 = arith.constant 0 : index
      %get3A_13 = arith.constant 0 : index
      %get3A_14 = arith.constant 0 : index
      %get3A_15 = vector.load %arg2[%get3A_12, %get3A_13, %get3A_14] : memref<1x1x6400xi32, #tpu.memory_space<vmem>>, vector<1x1x6400xi32>
      %get3A_16 = vector.shape_cast %get3A_15 : vector<1x1x6400xi32> to vector<1x6400xi32>
      %ne3A = arith.constant 0 : i32
      %ne3A_17 = vector.broadcast %ne3A : i32 to vector<1x6400xi32>
      %ne3A_18 = arith.cmpi ne, %get3A_11, %ne3A_17 : vector<1x6400xi32>
      %convert_element_type3A_19 = arith.extui %ne3A_18 : vector<1x6400xi1> to vector<1x6400xi32>
      %convert_element_type3A_20 = arith.sitofp %convert_element_type3A_19 : vector<1x6400xi32> to vector<1x6400xf32>
      %convert_element_type3A_21 = arith.truncf %convert_element_type3A_20 : vector<1x6400xf32> to vector<1x6400xbf16>
      %get3A_22 = arith.constant 0 : index
      %get3A_23 = arith.constant 0 : index
      %get3A_24 = vector.load %arg4[%get3A_22, %get3A_23] : memref<800x800xbf16, #tpu.memory_space<vmem>>, vector<800x800xbf16>
      %slice3A = vector.extract_strided_slice %convert_element_type3A_21 {offsets = [0, 0], sizes = [1, 800], strides = [1, 1]} : vector<1x6400xbf16> to vector<1x800xbf16>
      %dot_general3A = arith.constant dense<0.000000e+00> : vector<1x800xf32>
      %dot_general3A_25 = tpu.matmul %slice3A, %get3A_24, %dot_general3A {dimension_numbers = #tpu.dot_dimension_numbers<[1], [0], [0], [1], [0, 0, 1, 1], [], []>, transpose_lhs_hint = false} : vector<1x800xbf16>, vector<800x800xbf16>, vector<1x800xf32> -> vector<1x800xf32>
      %slice3A_26 = vector.extract_strided_slice %convert_element_type3A_21 {offsets = [0, 800], sizes = [1, 800], strides = [1, 1]} : vector<1x6400xbf16> to vector<1x800xbf16>
      %dot_general3A_27 = arith.constant dense<0.000000e+00> : vector<1x800xf32>
      %dot_general3A_28 = tpu.matmul %slice3A_26, %get3A_24, %dot_general3A_27 {dimension_numbers = #tpu.dot_dimension_numbers<[1], [0], [0], [1], [0, 0, 1, 1], [], []>, transpose_lhs_hint = false} : vector<1x800xbf16>, vector<800x800xbf16>, vector<1x800xf32> -> vector<1x800xf32>
      %slice3A_29 = vector.extract_strided_slice %convert_element_type3A_21 {offsets = [0, 1600], sizes = [1, 800], strides = [1, 1]} : vector<1x6400xbf16> to vector<1x800xbf16>
      %dot_general3A_30 = arith.constant dense<0.000000e+00> : vector<1x800xf32>
      %dot_general3A_31 = tpu.matmul %slice3A_29, %get3A_24, %dot_general3A_30 {dimension_numbers = #tpu.dot_dimension_numbers<[1], [0], [0], [1], [0, 0, 1, 1], [], []>, transpose_lhs_hint = false} : vector<1x800xbf16>, vector<800x800xbf16>, vector<1x800xf32> -> vector<1x800xf32>
      %slice3A_32 = vector.extract_strided_slice %convert_element_type3A_21 {offsets = [0, 2400], sizes = [1, 800], strides = [1, 1]} : vector<1x6400xbf16> to vector<1x800xbf16>
      %dot_general3A_33 = arith.constant dense<0.000000e+00> : vector<1x800xf32>
      %dot_general3A_34 = tpu.matmul %slice3A_32, %get3A_24, %dot_general3A_33 {dimension_numbers = #tpu.dot_dimension_numbers<[1], [0], [0], [1], [0, 0, 1, 1], [], []>, transpose_lhs_hint = false} : vector<1x800xbf16>, vector<800x800xbf16>, vector<1x800xf32> -> vector<1x800xf32>
      %slice3A_35 = vector.extract_strided_slice %convert_element_type3A_21 {offsets = [0, 3200], sizes = [1, 800], strides = [1, 1]} : vector<1x6400xbf16> to vector<1x800xbf16>
      %dot_general3A_36 = arith.constant dense<0.000000e+00> : vector<1x800xf32>
      %dot_general3A_37 = tpu.matmul %slice3A_35, %get3A_24, %dot_general3A_36 {dimension_numbers = #tpu.dot_dimension_numbers<[1], [0], [0], [1], [0, 0, 1, 1], [], []>, transpose_lhs_hint = false} : vector<1x800xbf16>, vector<800x800xbf16>, vector<1x800xf32> -> vector<1x800xf32>
      %slice3A_38 = vector.extract_strided_slice %convert_element_type3A_21 {offsets = [0, 4000], sizes = [1, 800], strides = [1, 1]} : vector<1x6400xbf16> to vector<1x800xbf16>
      %dot_general3A_39 = arith.constant dense<0.000000e+00> : vector<1x800xf32>
      %dot_general3A_40 = tpu.matmul %slice3A_38, %get3A_24, %dot_general3A_39 {dimension_numbers = #tpu.dot_dimension_numbers<[1], [0], [0], [1], [0, 0, 1, 1], [], []>, transpose_lhs_hint = false} : vector<1x800xbf16>, vector<800x800xbf16>, vector<1x800xf32> -> vector<1x800xf32>
      %slice3A_41 = vector.extract_strided_slice %convert_element_type3A_21 {offsets = [0, 4800], sizes = [1, 800], strides = [1, 1]} : vector<1x6400xbf16> to vector<1x800xbf16>
      %dot_general3A_42 = arith.constant dense<0.000000e+00> : vector<1x800xf32>
      %dot_general3A_43 = tpu.matmul %slice3A_41, %get3A_24, %dot_general3A_42 {dimension_numbers = #tpu.dot_dimension_numbers<[1], [0], [0], [1], [0, 0, 1, 1], [], []>, transpose_lhs_hint = false} : vector<1x800xbf16>, vector<800x800xbf16>, vector<1x800xf32> -> vector<1x800xf32>
      %slice3A_44 = vector.extract_strided_slice %convert_element_type3A_21 {offsets = [0, 5600], sizes = [1, 800], strides = [1, 1]} : vector<1x6400xbf16> to vector<1x800xbf16>
      %dot_general3A_45 = arith.constant dense<0.000000e+00> : vector<1x800xf32>
      %dot_general3A_46 = tpu.matmul %slice3A_44, %get3A_24, %dot_general3A_45 {dimension_numbers = #tpu.dot_dimension_numbers<[1], [0], [0], [1], [0, 0, 1, 1], [], []>, transpose_lhs_hint = false} : vector<1x800xbf16>, vector<800x800xbf16>, vector<1x800xf32> -> vector<1x800xf32>
      %concatenate3A = tpu.concatenate %dot_general3A_25, %dot_general3A_28, %dot_general3A_31, %dot_general3A_34, %dot_general3A_37, %dot_general3A_40, %dot_general3A_43, %dot_general3A_46 in 1 : vector<1x800xf32>, vector<1x800xf32>, vector<1x800xf32>, vector<1x800xf32>, vector<1x800xf32>, vector<1x800xf32>, vector<1x800xf32>, vector<1x800xf32> -> vector<1x6400xf32>
      %convert_element_type3A_47 = arith.fptosi %concatenate3A : vector<1x6400xf32> to vector<1x6400xi32>
      %convert_element_type3A_48 = arith.extui %ne3A_18 : vector<1x6400xi1> to vector<1x6400xi32>
      %mul3A = arith.muli %convert_element_type3A_47, %convert_element_type3A_48 : vector<1x6400xi32>
      %iota3A = tpu.iota {dimensions = array<i32: 0>} : vector<1024x1xi32>
      %iota3A_49 = tpu.iota {dimensions = array<i32: 0>} : vector<256x1xi32>
      %eq3A_50 = vector.broadcast %iota3A : vector<1024x1xi32> to vector<1024x6400xi32>
      %eq3A_51 = vector.broadcast %get3A_16 : vector<1x6400xi32> to vector<1024x6400xi32>
      %eq3A_52 = arith.cmpi eq, %eq3A_50, %eq3A_51 : vector<1024x6400xi32>
      %convert_element_type3A_53 = arith.extui %eq3A_52 : vector<1024x6400xi1> to vector<1024x6400xi32>
      %convert_element_type3A_54 = arith.sitofp %convert_element_type3A_53 : vector<1024x6400xi32> to vector<1024x6400xf32>
      %convert_element_type3A_55 = arith.truncf %convert_element_type3A_54 : vector<1024x6400xf32> to vector<1024x6400xbf16>
      %eq3A_56 = vector.broadcast %iota3A_49 : vector<256x1xi32> to vector<256x6400xi32>
      %eq3A_57 = vector.broadcast %mul3A : vector<1x6400xi32> to vector<256x6400xi32>
      %eq3A_58 = arith.cmpi eq, %eq3A_56, %eq3A_57 : vector<256x6400xi32>
      %convert_element_type3A_59 = arith.extui %eq3A_58 : vector<256x6400xi1> to vector<256x6400xi32>
      %convert_element_type3A_60 = arith.sitofp %convert_element_type3A_59 : vector<256x6400xi32> to vector<256x6400xf32>
      %convert_element_type3A_61 = arith.truncf %convert_element_type3A_60 : vector<256x6400xf32> to vector<256x6400xbf16>
      %get3A_62 = arith.constant 0 : index
      %get3A_63 = arith.constant 0 : index
      %get3A_64 = vector.load %arg5[%get3A_62, %get3A_63] : memref<128x1024xbf16, #tpu.memory_space<vmem>>, vector<128x1024xbf16>
      %dot_general3A_65 = arith.constant dense<0.000000e+00> : vector<128x6400xf32>
      %dot_general3A_66 = tpu.matmul %get3A_64, %convert_element_type3A_55, %dot_general3A_65 {dimension_numbers = #tpu.dot_dimension_numbers<[1], [0], [0], [1], [0, 0, 1, 1], [], []>, transpose_lhs_hint = false} : vector<128x1024xbf16>, vector<1024x6400xbf16>, vector<128x6400xf32> -> vector<128x6400xf32>
      %get3A_67 = arith.constant 0 : index
      %get3A_68 = arith.constant 0 : index
      %get3A_69 = vector.load %arg6[%get3A_67, %get3A_68] : memref<128x256xbf16, #tpu.memory_space<vmem>>, vector<128x256xbf16>
      %dot_general3A_70 = arith.constant dense<0.000000e+00> : vector<128x6400xf32>
      %dot_general3A_71 = tpu.matmul %get3A_69, %convert_element_type3A_61, %dot_general3A_70 {dimension_numbers = #tpu.dot_dimension_numbers<[1], [0], [0], [1], [0, 0, 1, 1], [], []>, transpose_lhs_hint = false} : vector<128x256xbf16>, vector<256x6400xbf16>, vector<128x6400xf32> -> vector<128x6400xf32>
      %add3A = arith.addf %dot_general3A_66, %dot_general3A_71 : vector<128x6400xf32>
      %get3A_72 = arith.constant 0 : index
      %get3A_73 = arith.constant 0 : index
      %get3A_74 = vector.load %arg3[%get3A_72, %get3A_73] : memref<6400x128xf32, #tpu.memory_space<vmem>>, vector<6400x128xf32>
      %transpose3A = tpu.transpose %add3A, [1, 0] : vector<128x6400xf32> -> vector<6400x128xf32>
      %add3A_75 = arith.addf %get3A_74, %transpose3A : vector<6400x128xf32>
      %swap3A = arith.constant 0 : index
      %swap3A_76 = arith.constant 0 : index
      %swap3A_77 = vector.load %arg12[%swap3A, %swap3A_76] : memref<6400x128xf32, #tpu.memory_space<vmem>>, vector<6400x128xf32>
      tpu.vector_store %arg12[%swap3A, %swap3A_76], %add3A_75 {strides = array<i32>} : memref<6400x128xf32, #tpu.memory_space<vmem>>, vector<6400x128xf32>,
      %get3A_78 = arith.constant 0 : index
      %get3A_79 = arith.constant 0 : index
      %get3A_80 = vector.load %arg11[%get3A_78, %get3A_79] : memref<6400x128xf32, #tpu.memory_space<vmem>>, vector<6400x128xf32>
      %reduce_sum3A = arith.constant dense<0.000000e+00> : vector<6400xf32>
      %reduce_sum3A_81 = vector.multi_reduction <add>, %get3A_80, %reduce_sum3A [1] : vector<6400x128xf32> to vector<6400xf32>
      %broadcast_in_dim3A = vector.shape_cast %reduce_sum3A_81 : vector<6400xf32> to vector<6400x1xf32>
      %div3A = arith.constant 1.280000e+02 : f32
      %div3A_82 = vector.broadcast %div3A : f32 to vector<6400x1xf32>
      %div3A_83 = arith.divf %broadcast_in_dim3A, %div3A_82 : vector<6400x1xf32>
      %sub3A = vector.broadcast %div3A_83 : vector<6400x1xf32> to vector<6400x128xf32>
      %sub3A_84 = arith.subf %get3A_80, %sub3A : vector<6400x128xf32>
      %mul3A_85 = arith.mulf %sub3A_84, %sub3A_84 : vector<6400x128xf32>
      %reduce_sum3A_86 = arith.constant dense<0.000000e+00> : vector<6400xf32>
      %reduce_sum3A_87 = vector.multi_reduction <add>, %mul3A_85, %reduce_sum3A_86 [1] : vector<6400x128xf32> to vector<6400xf32>
      %broadcast_in_dim3A_88 = vector.shape_cast %reduce_sum3A_87 : vector<6400xf32> to vector<6400x1xf32>
      %div3A_89 = arith.constant 1.280000e+02 : f32
      %div3A_90 = vector.broadcast %div3A_89 : f32 to vector<6400x1xf32>
      %div3A_91 = arith.divf %broadcast_in_dim3A_88, %div3A_90 : vector<6400x1xf32>
      %add3A_92 = arith.constant 9.99999996E-13 : f32
      %add3A_93 = vector.broadcast %add3A_92 : f32 to vector<6400x1xf32>
      %add3A_94 = arith.addf %div3A_91, %add3A_93 : vector<6400x1xf32>
      %rsqrt3A = math.rsqrt %add3A_94 : vector<6400x1xf32>
      %mul3A_95 = vector.broadcast %rsqrt3A : vector<6400x1xf32> to vector<6400x128xf32>
      %mul3A_96 = arith.mulf %sub3A_84, %mul3A_95 : vector<6400x128xf32>
      %get3A_97 = arith.constant 0 : index
      %get3A_98 = arith.constant 0 : index
      %get3A_99 = vector.load %arg7[%get3A_97, %get3A_98] : memref<1x128xf32, #tpu.memory_space<vmem>>, vector<1x128xf32>
      %mul3A_100 = vector.broadcast %get3A_99 : vector<1x128xf32> to vector<6400x128xf32>
      %mul3A_101 = arith.mulf %mul3A_96, %mul3A_100 : vector<6400x128xf32>
      %get3A_102 = arith.constant 0 : index
      %get3A_103 = arith.constant 0 : index
      %get3A_104 = vector.load %arg8[%get3A_102, %get3A_103] : memref<1x128xf32, #tpu.memory_space<vmem>>, vector<1x128xf32>
      %add3A_105 = vector.broadcast %get3A_104 : vector<1x128xf32> to vector<6400x128xf32>
      %add3A_106 = arith.addf %mul3A_101, %add3A_105 : vector<6400x128xf32>
      %swap3A_107 = arith.constant 0 : index
      %swap3A_108 = arith.constant 0 : index
      %swap3A_109 = vector.load %arg10[%swap3A_107, %swap3A_108] : memref<6400x128xf32, #tpu.memory_space<vmem>>, vector<6400x128xf32>
      tpu.vector_store %arg10[%swap3A_107, %swap3A_108], %add3A_106 {strides = array<i32>} : memref<6400x128xf32, #tpu.memory_space<vmem>>, vector<6400x128xf32>,
    } else {
    }
    return
  }
  func.func @transform_0(%arg0: i32) -> (i32, i32, i32) {
    %min3A = arith.constant 31 : i32
    %min3A_0 = arith.minsi %arg0, %min3A : i32
    %add3A = arith.constant 64 : i32
    %add3A_1 = arith.addi %add3A, %min3A_0 : i32
    %c0_i32 = arith.constant 0 : i32
    %c0_i32_2 = arith.constant 0 : i32
    %c0_i32_3 = arith.constant 0 : i32
    return %add3A_1, %c0_i32, %c0_i32_2 : i32, i32, i32
  }
  func.func @transform_1(%arg0: i32) -> (i32, i32, i32) {
    %min3A = arith.constant 31 : i32
    %min3A_0 = arith.minsi %arg0, %min3A : i32
    %add3A = arith.constant 64 : i32
    %add3A_1 = arith.addi %add3A, %min3A_0 : i32
    %c0_i32 = arith.constant 0 : i32
    %c0_i32_2 = arith.constant 0 : i32
    %c0_i32_3 = arith.constant 0 : i32
    return %add3A_1, %c0_i32, %c0_i32_2 : i32, i32, i32
  }
  func.func @transform_2(%arg0: i32) -> (i32, i32) {
    %min3A = arith.constant 31 : i32
    %min3A_0 = arith.minsi %arg0, %min3A : i32
    %c0_i32 = arith.constant 0 : i32
    %c0_i32_1 = arith.constant 0 : i32
    return %min3A_0, %c0_i32 : i32, i32
  }
  func.func @transform_3(%arg0: i32) -> (i32, i32) {
    %c0_i32 = arith.constant 0 : i32
    %c0_i32_0 = arith.constant 0 : i32
    %c0_i32_1 = arith.constant 0 : i32
    return %c0_i32, %c0_i32_0 : i32, i32
  }
  func.func @transform_4(%arg0: i32) -> (i32, i32) {
    %c0_i32 = arith.constant 0 : i32
    %c0_i32_0 = arith.constant 0 : i32
    %c0_i32_1 = arith.constant 0 : i32
    return %c0_i32, %c0_i32_0 : i32, i32
  }
  func.func @transform_5(%arg0: i32) -> (i32, i32) {
    %c0_i32 = arith.constant 0 : i32
    %c0_i32_0 = arith.constant 0 : i32
    %c0_i32_1 = arith.constant 0 : i32
    return %c0_i32, %c0_i32_0 : i32, i32
  }
  func.func @transform_6(%arg0: i32) -> (i32, i32) {
    %c0_i32 = arith.constant 0 : i32
    %c0_i32_0 = arith.constant 0 : i32
    %c0_i32_1 = arith.constant 0 : i32
    return %c0_i32, %c0_i32_0 : i32, i32
  }
  func.func @transform_7(%arg0: i32) -> (i32, i32) {
    %c0_i32 = arith.constant 0 : i32
    %c0_i32_0 = arith.constant 0 : i32
    %c0_i32_1 = arith.constant 0 : i32
    return %c0_i32, %c0_i32_0 : i32, i32
  }
  func.func @transform_9(%arg0: i32) -> (i32, i32) {
    %sub3A = arith.constant 1 : i32
    %sub3A_0 = arith.subi %arg0, %sub3A : i32
    %max3A = arith.constant 0 : i32
    %max3A_1 = arith.maxsi %sub3A_0, %max3A : i32
    %add3A = arith.constant 64 : i32
    %add3A_2 = arith.addi %add3A, %max3A_1 : i32
    %c0_i32 = arith.constant 0 : i32
    %c0_i32_3 = arith.constant 0 : i32
    return %add3A_2, %c0_i32 : i32, i32
  }
}

module attributes {stable_mosaic.version = 14 : i64} {
  func.func @_tc_body_acc(%arg0: i32, %arg1: memref<1x1x6400xi32, #tpu.memory_space<vmem>>, %arg2: memref<1x1x6400xi32, #tpu.memory_space<vmem>>, %arg3: memref<6400x128xf32, #tpu.memory_space<vmem>>, %arg4: memref<800x800xbf16, #tpu.memory_space<vmem>>, %arg5: memref<128x1024xbf16, #tpu.memory_space<vmem>>, %arg6: memref<128x256xbf16, #tpu.memory_space<vmem>>, %arg7: memref<1x128xf32, #tpu.memory_space<vmem>>, %arg8: memref<1x128xf32, #tpu.memory_space<vmem>>, %arg9: memref<819200x128xf32, #tpu.memory_space<any>>, %arg10: memref<6400x128xf32, #tpu.memory_space<vmem>>, %arg11: memref<6400x128xf32, #tpu.memory_space<vmem>>, %arg12: memref<6400x128xf32, #tpu.memory_space<vmem>>) attributes {dimension_semantics = [#tpu.dimension_semantics<arbitrary>], iteration_bounds = array<i64: 33>, scalar_prefetch = 0 : i64, scratch_operands = 2 : i64, tpu.core_type = #tpu.core_type<tc>, window_params = [{transform_indices = @transform_0, window_bounds = array<i64: 1, 1, 6400>}, {transform_indices = @transform_1, window_bounds = array<i64: 1, 1, 6400>}, {transform_indices = @transform_2, window_bounds = array<i64: 6400, 128>}, {pipeline_mode = #tpu.pipeline_mode<synchronous>, transform_indices = @transform_3, window_bounds = array<i64: 800, 800>}, {pipeline_mode = #tpu.pipeline_mode<synchronous>, transform_indices = @transform_4, window_bounds = array<i64: 128, 1024>}, {pipeline_mode = #tpu.pipeline_mode<synchronous>, transform_indices = @transform_5, window_bounds = array<i64: 128, 256>}, {pipeline_mode = #tpu.pipeline_mode<synchronous>, transform_indices = @transform_6, window_bounds = array<i64: 1, 128>}, {pipeline_mode = #tpu.pipeline_mode<synchronous>, transform_indices = @transform_7, window_bounds = array<i64: 1, 128>}, {}, {transform_indices = @transform_9, window_bounds = array<i64: 6400, 128>}]} {
    %rem3A = arith.constant 2 : i32
    %rem3A_0 = arith.remsi %arg0, %rem3A : i32
    %eq3A = arith.constant 0 : i32
    %eq3A_1 = arith.cmpi eq, %rem3A_0, %eq3A : i32
    %convert_element_type3A = arith.extui %eq3A_1 : i1 to i32
    %cond3A = arith.constant 0 : i32
    %cond3A_2 = arith.cmpi ne, %convert_element_type3A, %cond3A : i32
    scf.if %cond3A_2 {
      %get3A = arith.constant 0 : index
      %get3A_8 = arith.constant 0 : index
      %get3A_9 = arith.constant 0 : index
      %get3A_10 = vector.load %arg1[%get3A, %get3A_8, %get3A_9] : memref<1x1x6400xi32, #tpu.memory_space<vmem>>, vector<1x1x6400xi32>
      %get3A_11 = vector.shape_cast %get3A_10 : vector<1x1x6400xi32> to vector<1x6400xi32>
      %get3A_12 = arith.constant 0 : index
      %get3A_13 = arith.constant 0 : index
      %get3A_14 = arith.constant 0 : index
      %get3A_15 = vector.load %arg2[%get3A_12, %get3A_13, %get3A_14] : memref<1x1x6400xi32, #tpu.memory_space<vmem>>, vector<1x1x6400xi32>
      %get3A_16 = vector.shape_cast %get3A_15 : vector<1x1x6400xi32> to vector<1x6400xi32>
      %ne3A = arith.constant 0 : i32
      %ne3A_17 = vector.broadcast %ne3A : i32 to vector<1x6400xi32>
      %ne3A_18 = arith.cmpi ne, %get3A_11, %ne3A_17 : vector<1x6400xi32>
      %convert_element_type3A_19 = arith.extui %ne3A_18 : vector<1x6400xi1> to vector<1x6400xi32>
      %convert_element_type3A_20 = arith.sitofp %convert_element_type3A_19 : vector<1x6400xi32> to vector<1x6400xf32>
      %convert_element_type3A_21 = arith.truncf %convert_element_type3A_20 : vector<1x6400xf32> to vector<1x6400xbf16>
      %get3A_22 = arith.constant 0 : index
      %get3A_23 = arith.constant 0 : index
      %get3A_24 = vector.load %arg4[%get3A_22, %get3A_23] : memref<800x800xbf16, #tpu.memory_space<vmem>>, vector<800x800xbf16>
      %slice3A = vector.extract_strided_slice %convert_element_type3A_21 {offsets = [0, 0], sizes = [1, 800], strides = [1, 1]} : vector<1x6400xbf16> to vector<1x800xbf16>
      %dot_general3A = arith.constant dense<0.000000e+00> : vector<1x800xf32>
      %dot_general3A_25 = tpu.matmul %slice3A, %get3A_24, %dot_general3A {dimension_numbers = #tpu.dot_dimension_numbers<[1], [0], [0], [1], [0, 0, 1, 1], [], []>, transpose_lhs_hint = false} : vector<1x800xbf16>, vector<800x800xbf16>, vector<1x800xf32> -> vector<1x800xf32>
      %slice3A_26 = vector.extract_strided_slice %convert_element_type3A_21 {offsets = [0, 800], sizes = [1, 800], strides = [1, 1]} : vector<1x6400xbf16> to vector<1x800xbf16>
      %dot_general3A_27 = arith.constant dense<0.000000e+00> : vector<1x800xf32>
      %dot_general3A_28 = tpu.matmul %slice3A_26, %get3A_24, %dot_general3A_27 {dimension_numbers = #tpu.dot_dimension_numbers<[1], [0], [0], [1], [0, 0, 1, 1], [], []>, transpose_lhs_hint = false} : vector<1x800xbf16>, vector<800x800xbf16>, vector<1x800xf32> -> vector<1x800xf32>
      %slice3A_29 = vector.extract_strided_slice %convert_element_type3A_21 {offsets = [0, 1600], sizes = [1, 800], strides = [1, 1]} : vector<1x6400xbf16> to vector<1x800xbf16>
      %dot_general3A_30 = arith.constant dense<0.000000e+00> : vector<1x800xf32>
      %dot_general3A_31 = tpu.matmul %slice3A_29, %get3A_24, %dot_general3A_30 {dimension_numbers = #tpu.dot_dimension_numbers<[1], [0], [0], [1], [0, 0, 1, 1], [], []>, transpose_lhs_hint = false} : vector<1x800xbf16>, vector<800x800xbf16>, vector<1x800xf32> -> vector<1x800xf32>
      %slice3A_32 = vector.extract_strided_slice %convert_element_type3A_21 {offsets = [0, 2400], sizes = [1, 800], strides = [1, 1]} : vector<1x6400xbf16> to vector<1x800xbf16>
      %dot_general3A_33 = arith.constant dense<0.000000e+00> : vector<1x800xf32>
      %dot_general3A_34 = tpu.matmul %slice3A_32, %get3A_24, %dot_general3A_33 {dimension_numbers = #tpu.dot_dimension_numbers<[1], [0], [0], [1], [0, 0, 1, 1], [], []>, transpose_lhs_hint = false} : vector<1x800xbf16>, vector<800x800xbf16>, vector<1x800xf32> -> vector<1x800xf32>
      %slice3A_35 = vector.extract_strided_slice %convert_element_type3A_21 {offsets = [0, 3200], sizes = [1, 800], strides = [1, 1]} : vector<1x6400xbf16> to vector<1x800xbf16>
      %dot_general3A_36 = arith.constant dense<0.000000e+00> : vector<1x800xf32>
      %dot_general3A_37 = tpu.matmul %slice3A_35, %get3A_24, %dot_general3A_36 {dimension_numbers = #tpu.dot_dimension_numbers<[1], [0], [0], [1], [0, 0, 1, 1], [], []>, transpose_lhs_hint = false} : vector<1x800xbf16>, vector<800x800xbf16>, vector<1x800xf32> -> vector<1x800xf32>
      %slice3A_38 = vector.extract_strided_slice %convert_element_type3A_21 {offsets = [0, 4000], sizes = [1, 800], strides = [1, 1]} : vector<1x6400xbf16> to vector<1x800xbf16>
      %dot_general3A_39 = arith.constant dense<0.000000e+00> : vector<1x800xf32>
      %dot_general3A_40 = tpu.matmul %slice3A_38, %get3A_24, %dot_general3A_39 {dimension_numbers = #tpu.dot_dimension_numbers<[1], [0], [0], [1], [0, 0, 1, 1], [], []>, transpose_lhs_hint = false} : vector<1x800xbf16>, vector<800x800xbf16>, vector<1x800xf32> -> vector<1x800xf32>
      %slice3A_41 = vector.extract_strided_slice %convert_element_type3A_21 {offsets = [0, 4800], sizes = [1, 800], strides = [1, 1]} : vector<1x6400xbf16> to vector<1x800xbf16>
      %dot_general3A_42 = arith.constant dense<0.000000e+00> : vector<1x800xf32>
      %dot_general3A_43 = tpu.matmul %slice3A_41, %get3A_24, %dot_general3A_42 {dimension_numbers = #tpu.dot_dimension_numbers<[1], [0], [0], [1], [0, 0, 1, 1], [], []>, transpose_lhs_hint = false} : vector<1x800xbf16>, vector<800x800xbf16>, vector<1x800xf32> -> vector<1x800xf32>
      %slice3A_44 = vector.extract_strided_slice %convert_element_type3A_21 {offsets = [0, 5600], sizes = [1, 800], strides = [1, 1]} : vector<1x6400xbf16> to vector<1x800xbf16>
      %dot_general3A_45 = arith.constant dense<0.000000e+00> : vector<1x800xf32>
      %dot_general3A_46 = tpu.matmul %slice3A_44, %get3A_24, %dot_general3A_45 {dimension_numbers = #tpu.dot_dimension_numbers<[1], [0], [0], [1], [0, 0, 1, 1], [], []>, transpose_lhs_hint = false} : vector<1x800xbf16>, vector<800x800xbf16>, vector<1x800xf32> -> vector<1x800xf32>
      %concatenate3A = tpu.concatenate %dot_general3A_25, %dot_general3A_28, %dot_general3A_31, %dot_general3A_34, %dot_general3A_37, %dot_general3A_40, %dot_general3A_43, %dot_general3A_46 in 1 : vector<1x800xf32>, vector<1x800xf32>, vector<1x800xf32>, vector<1x800xf32>, vector<1x800xf32>, vector<1x800xf32>, vector<1x800xf32>, vector<1x800xf32> -> vector<1x6400xf32>
      %convert_element_type3A_47 = arith.fptosi %concatenate3A : vector<1x6400xf32> to vector<1x6400xi32>
      %convert_element_type3A_48 = arith.extui %ne3A_18 : vector<1x6400xi1> to vector<1x6400xi32>
      %mul3A = arith.muli %convert_element_type3A_47, %convert_element_type3A_48 : vector<1x6400xi32>
      %iota3A = tpu.iota {dimensions = array<i32: 0>} : vector<1024x1xi32>
      %iota3A_49 = tpu.iota {dimensions = array<i32: 0>} : vector<256x1xi32>
      %eq3A_50 = vector.broadcast %iota3A : vector<1024x1xi32> to vector<1024x6400xi32>
      %eq3A_51 = vector.broadcast %get3A_16 : vector<1x6400xi32> to vector<1024x6400xi32>
      %eq3A_52 = arith.cmpi eq, %eq3A_50, %eq3A_51 : vector<1024x6400xi32>
      %convert_element_type3A_53 = arith.extui %eq3A_52 : vector<1024x6400xi1> to vector<1024x6400xi32>
      %convert_element_type3A_54 = arith.sitofp %convert_element_type3A_53 : vector<1024x6400xi32> to vector<1024x6400xf32>
      %convert_element_type3A_55 = arith.truncf %convert_element_type3A_54 : vector<1024x6400xf32> to vector<1024x6400xbf16>
      %eq3A_56 = vector.broadcast %iota3A_49 : vector<256x1xi32> to vector<256x6400xi32>
      %eq3A_57 = vector.broadcast %mul3A : vector<1x6400xi32> to vector<256x6400xi32>
      %eq3A_58 = arith.cmpi eq, %eq3A_56, %eq3A_57 : vector<256x6400xi32>
      %convert_element_type3A_59 = arith.extui %eq3A_58 : vector<256x6400xi1> to vector<256x6400xi32>
      %convert_element_type3A_60 = arith.sitofp %convert_element_type3A_59 : vector<256x6400xi32> to vector<256x6400xf32>
      %convert_element_type3A_61 = arith.truncf %convert_element_type3A_60 : vector<256x6400xf32> to vector<256x6400xbf16>
      %get3A_62 = arith.constant 0 : index
      %get3A_63 = arith.constant 0 : index
      %get3A_64 = vector.load %arg5[%get3A_62, %get3A_63] : memref<128x1024xbf16, #tpu.memory_space<vmem>>, vector<128x1024xbf16>
      %dot_general3A_65 = arith.constant dense<0.000000e+00> : vector<128x6400xf32>
      %dot_general3A_66 = tpu.matmul %get3A_64, %convert_element_type3A_55, %dot_general3A_65 {dimension_numbers = #tpu.dot_dimension_numbers<[1], [0], [0], [1], [0, 0, 1, 1], [], []>, transpose_lhs_hint = false} : vector<128x1024xbf16>, vector<1024x6400xbf16>, vector<128x6400xf32> -> vector<128x6400xf32>
      %get3A_67 = arith.constant 0 : index
      %get3A_68 = arith.constant 0 : index
      %get3A_69 = vector.load %arg6[%get3A_67, %get3A_68] : memref<128x256xbf16, #tpu.memory_space<vmem>>, vector<128x256xbf16>
      %dot_general3A_70 = arith.constant dense<0.000000e+00> : vector<128x6400xf32>
      %dot_general3A_71 = tpu.matmul %get3A_69, %convert_element_type3A_61, %dot_general3A_70 {dimension_numbers = #tpu.dot_dimension_numbers<[1], [0], [0], [1], [0, 0, 1, 1], [], []>, transpose_lhs_hint = false} : vector<128x256xbf16>, vector<256x6400xbf16>, vector<128x6400xf32> -> vector<128x6400xf32>
      %add3A = arith.addf %dot_general3A_66, %dot_general3A_71 : vector<128x6400xf32>
      %get3A_72 = arith.constant 0 : index
      %get3A_73 = arith.constant 0 : index
      %get3A_74 = vector.load %arg3[%get3A_72, %get3A_73] : memref<6400x128xf32, #tpu.memory_space<vmem>>, vector<6400x128xf32>
      %transpose3A = tpu.transpose %add3A, [1, 0] : vector<128x6400xf32> -> vector<6400x128xf32>
      %add3A_75 = arith.addf %get3A_74, %transpose3A : vector<6400x128xf32>
      %swap3A = arith.constant 0 : index
      %swap3A_76 = arith.constant 0 : index
      %swap3A_77 = vector.load %arg11[%swap3A, %swap3A_76] : memref<6400x128xf32, #tpu.memory_space<vmem>>, vector<6400x128xf32>
      tpu.vector_store %arg11[%swap3A, %swap3A_76], %add3A_75 {strides = array<i32>} : memref<6400x128xf32, #tpu.memory_space<vmem>>, vector<6400x128xf32>,
      %get3A_78 = arith.constant 0 : index
      %get3A_79 = arith.constant 0 : index
      %get3A_80 = vector.load %arg12[%get3A_78, %get3A_79] : memref<6400x128xf32, #tpu.memory_space<vmem>>, vector<6400x128xf32>
      %reduce_sum3A = arith.constant dense<0.000000e+00> : vector<6400xf32>
      %reduce_sum3A_81 = vector.multi_reduction <add>, %get3A_80, %reduce_sum3A [1] : vector<6400x128xf32> to vector<6400xf32>
      %broadcast_in_dim3A = vector.shape_cast %reduce_sum3A_81 : vector<6400xf32> to vector<6400x1xf32>
      %div3A = arith.constant 1.280000e+02 : f32
      %div3A_82 = vector.broadcast %div3A : f32 to vector<6400x1xf32>
      %div3A_83 = arith.divf %broadcast_in_dim3A, %div3A_82 : vector<6400x1xf32>
      %sub3A = vector.broadcast %div3A_83 : vector<6400x1xf32> to vector<6400x128xf32>
      %sub3A_84 = arith.subf %get3A_80, %sub3A : vector<6400x128xf32>
      %mul3A_85 = arith.mulf %sub3A_84, %sub3A_84 : vector<6400x128xf32>
      %reduce_sum3A_86 = arith.constant dense<0.000000e+00> : vector<6400xf32>
      %reduce_sum3A_87 = vector.multi_reduction <add>, %mul3A_85, %reduce_sum3A_86 [1] : vector<6400x128xf32> to vector<6400xf32>
      %broadcast_in_dim3A_88 = vector.shape_cast %reduce_sum3A_87 : vector<6400xf32> to vector<6400x1xf32>
      %div3A_89 = arith.constant 1.280000e+02 : f32
      %div3A_90 = vector.broadcast %div3A_89 : f32 to vector<6400x1xf32>
      %div3A_91 = arith.divf %broadcast_in_dim3A_88, %div3A_90 : vector<6400x1xf32>
      %add3A_92 = arith.constant 9.99999996E-13 : f32
      %add3A_93 = vector.broadcast %add3A_92 : f32 to vector<6400x1xf32>
      %add3A_94 = arith.addf %div3A_91, %add3A_93 : vector<6400x1xf32>
      %rsqrt3A = math.rsqrt %add3A_94 : vector<6400x1xf32>
      %mul3A_95 = vector.broadcast %rsqrt3A : vector<6400x1xf32> to vector<6400x128xf32>
      %mul3A_96 = arith.mulf %sub3A_84, %mul3A_95 : vector<6400x128xf32>
      %get3A_97 = arith.constant 0 : index
      %get3A_98 = arith.constant 0 : index
      %get3A_99 = vector.load %arg7[%get3A_97, %get3A_98] : memref<1x128xf32, #tpu.memory_space<vmem>>, vector<1x128xf32>
      %mul3A_100 = vector.broadcast %get3A_99 : vector<1x128xf32> to vector<6400x128xf32>
      %mul3A_101 = arith.mulf %mul3A_96, %mul3A_100 : vector<6400x128xf32>
      %get3A_102 = arith.constant 0 : index
      %get3A_103 = arith.constant 0 : index
      %get3A_104 = vector.load %arg8[%get3A_102, %get3A_103] : memref<1x128xf32, #tpu.memory_space<vmem>>, vector<1x128xf32>
      %add3A_105 = vector.broadcast %get3A_104 : vector<1x128xf32> to vector<6400x128xf32>
      %add3A_106 = arith.addf %mul3A_101, %add3A_105 : vector<6400x128xf32>
      %swap3A_107 = arith.constant 0 : index
      %swap3A_108 = arith.constant 0 : index
      %swap3A_109 = vector.load %arg10[%swap3A_107, %swap3A_108] : memref<6400x128xf32, #tpu.memory_space<vmem>>, vector<6400x128xf32>
      tpu.vector_store %arg10[%swap3A_107, %swap3A_108], %add3A_106 {strides = array<i32>} : memref<6400x128xf32, #tpu.memory_space<vmem>>, vector<6400x128xf32>,
    } else {
    }
    %eq3A_3 = arith.constant 1 : i32
    %eq3A_4 = arith.cmpi eq, %rem3A_0, %eq3A_3 : i32
    %convert_element_type3A_5 = arith.extui %eq3A_4 : i1 to i32
    %cond3A_6 = arith.constant 0 : i32
    %cond3A_7 = arith.cmpi ne, %convert_element_type3A_5, %cond3A_6 : i32
    scf.if %cond3A_7 {
      %get3A = arith.constant 0 : index
      %get3A_8 = arith.constant 0 : index
      %get3A_9 = arith.constant 0 : index
      %get3A_10 = vector.load %arg1[%get3A, %get3A_8, %get3A_9] : memref<1x1x6400xi32, #tpu.memory_space<vmem>>, vector<1x1x6400xi32>
      %get3A_11 = vector.shape_cast %get3A_10 : vector<1x1x6400xi32> to vector<1x6400xi32>
      %get3A_12 = arith.constant 0 : index
      %get3A_13 = arith.constant 0 : index
      %get3A_14 = arith.constant 0 : index
      %get3A_15 = vector.load %arg2[%get3A_12, %get3A_13, %get3A_14] : memref<1x1x6400xi32, #tpu.memory_space<vmem>>, vector<1x1x6400xi32>
      %get3A_16 = vector.shape_cast %get3A_15 : vector<1x1x6400xi32> to vector<1x6400xi32>
      %ne3A = arith.constant 0 : i32
      %ne3A_17 = vector.broadcast %ne3A : i32 to vector<1x6400xi32>
      %ne3A_18 = arith.cmpi ne, %get3A_11, %ne3A_17 : vector<1x6400xi32>
      %convert_element_type3A_19 = arith.extui %ne3A_18 : vector<1x6400xi1> to vector<1x6400xi32>
      %convert_element_type3A_20 = arith.sitofp %convert_element_type3A_19 : vector<1x6400xi32> to vector<1x6400xf32>
      %convert_element_type3A_21 = arith.truncf %convert_element_type3A_20 : vector<1x6400xf32> to vector<1x6400xbf16>
      %get3A_22 = arith.constant 0 : index
      %get3A_23 = arith.constant 0 : index
      %get3A_24 = vector.load %arg4[%get3A_22, %get3A_23] : memref<800x800xbf16, #tpu.memory_space<vmem>>, vector<800x800xbf16>
      %slice3A = vector.extract_strided_slice %convert_element_type3A_21 {offsets = [0, 0], sizes = [1, 800], strides = [1, 1]} : vector<1x6400xbf16> to vector<1x800xbf16>
      %dot_general3A = arith.constant dense<0.000000e+00> : vector<1x800xf32>
      %dot_general3A_25 = tpu.matmul %slice3A, %get3A_24, %dot_general3A {dimension_numbers = #tpu.dot_dimension_numbers<[1], [0], [0], [1], [0, 0, 1, 1], [], []>, transpose_lhs_hint = false} : vector<1x800xbf16>, vector<800x800xbf16>, vector<1x800xf32> -> vector<1x800xf32>
      %slice3A_26 = vector.extract_strided_slice %convert_element_type3A_21 {offsets = [0, 800], sizes = [1, 800], strides = [1, 1]} : vector<1x6400xbf16> to vector<1x800xbf16>
      %dot_general3A_27 = arith.constant dense<0.000000e+00> : vector<1x800xf32>
      %dot_general3A_28 = tpu.matmul %slice3A_26, %get3A_24, %dot_general3A_27 {dimension_numbers = #tpu.dot_dimension_numbers<[1], [0], [0], [1], [0, 0, 1, 1], [], []>, transpose_lhs_hint = false} : vector<1x800xbf16>, vector<800x800xbf16>, vector<1x800xf32> -> vector<1x800xf32>
      %slice3A_29 = vector.extract_strided_slice %convert_element_type3A_21 {offsets = [0, 1600], sizes = [1, 800], strides = [1, 1]} : vector<1x6400xbf16> to vector<1x800xbf16>
      %dot_general3A_30 = arith.constant dense<0.000000e+00> : vector<1x800xf32>
      %dot_general3A_31 = tpu.matmul %slice3A_29, %get3A_24, %dot_general3A_30 {dimension_numbers = #tpu.dot_dimension_numbers<[1], [0], [0], [1], [0, 0, 1, 1], [], []>, transpose_lhs_hint = false} : vector<1x800xbf16>, vector<800x800xbf16>, vector<1x800xf32> -> vector<1x800xf32>
      %slice3A_32 = vector.extract_strided_slice %convert_element_type3A_21 {offsets = [0, 2400], sizes = [1, 800], strides = [1, 1]} : vector<1x6400xbf16> to vector<1x800xbf16>
      %dot_general3A_33 = arith.constant dense<0.000000e+00> : vector<1x800xf32>
      %dot_general3A_34 = tpu.matmul %slice3A_32, %get3A_24, %dot_general3A_33 {dimension_numbers = #tpu.dot_dimension_numbers<[1], [0], [0], [1], [0, 0, 1, 1], [], []>, transpose_lhs_hint = false} : vector<1x800xbf16>, vector<800x800xbf16>, vector<1x800xf32> -> vector<1x800xf32>
      %slice3A_35 = vector.extract_strided_slice %convert_element_type3A_21 {offsets = [0, 3200], sizes = [1, 800], strides = [1, 1]} : vector<1x6400xbf16> to vector<1x800xbf16>
      %dot_general3A_36 = arith.constant dense<0.000000e+00> : vector<1x800xf32>
      %dot_general3A_37 = tpu.matmul %slice3A_35, %get3A_24, %dot_general3A_36 {dimension_numbers = #tpu.dot_dimension_numbers<[1], [0], [0], [1], [0, 0, 1, 1], [], []>, transpose_lhs_hint = false} : vector<1x800xbf16>, vector<800x800xbf16>, vector<1x800xf32> -> vector<1x800xf32>
      %slice3A_38 = vector.extract_strided_slice %convert_element_type3A_21 {offsets = [0, 4000], sizes = [1, 800], strides = [1, 1]} : vector<1x6400xbf16> to vector<1x800xbf16>
      %dot_general3A_39 = arith.constant dense<0.000000e+00> : vector<1x800xf32>
      %dot_general3A_40 = tpu.matmul %slice3A_38, %get3A_24, %dot_general3A_39 {dimension_numbers = #tpu.dot_dimension_numbers<[1], [0], [0], [1], [0, 0, 1, 1], [], []>, transpose_lhs_hint = false} : vector<1x800xbf16>, vector<800x800xbf16>, vector<1x800xf32> -> vector<1x800xf32>
      %slice3A_41 = vector.extract_strided_slice %convert_element_type3A_21 {offsets = [0, 4800], sizes = [1, 800], strides = [1, 1]} : vector<1x6400xbf16> to vector<1x800xbf16>
      %dot_general3A_42 = arith.constant dense<0.000000e+00> : vector<1x800xf32>
      %dot_general3A_43 = tpu.matmul %slice3A_41, %get3A_24, %dot_general3A_42 {dimension_numbers = #tpu.dot_dimension_numbers<[1], [0], [0], [1], [0, 0, 1, 1], [], []>, transpose_lhs_hint = false} : vector<1x800xbf16>, vector<800x800xbf16>, vector<1x800xf32> -> vector<1x800xf32>
      %slice3A_44 = vector.extract_strided_slice %convert_element_type3A_21 {offsets = [0, 5600], sizes = [1, 800], strides = [1, 1]} : vector<1x6400xbf16> to vector<1x800xbf16>
      %dot_general3A_45 = arith.constant dense<0.000000e+00> : vector<1x800xf32>
      %dot_general3A_46 = tpu.matmul %slice3A_44, %get3A_24, %dot_general3A_45 {dimension_numbers = #tpu.dot_dimension_numbers<[1], [0], [0], [1], [0, 0, 1, 1], [], []>, transpose_lhs_hint = false} : vector<1x800xbf16>, vector<800x800xbf16>, vector<1x800xf32> -> vector<1x800xf32>
      %concatenate3A = tpu.concatenate %dot_general3A_25, %dot_general3A_28, %dot_general3A_31, %dot_general3A_34, %dot_general3A_37, %dot_general3A_40, %dot_general3A_43, %dot_general3A_46 in 1 : vector<1x800xf32>, vector<1x800xf32>, vector<1x800xf32>, vector<1x800xf32>, vector<1x800xf32>, vector<1x800xf32>, vector<1x800xf32>, vector<1x800xf32> -> vector<1x6400xf32>
      %convert_element_type3A_47 = arith.fptosi %concatenate3A : vector<1x6400xf32> to vector<1x6400xi32>
      %convert_element_type3A_48 = arith.extui %ne3A_18 : vector<1x6400xi1> to vector<1x6400xi32>
      %mul3A = arith.muli %convert_element_type3A_47, %convert_element_type3A_48 : vector<1x6400xi32>
      %iota3A = tpu.iota {dimensions = array<i32: 0>} : vector<1024x1xi32>
      %iota3A_49 = tpu.iota {dimensions = array<i32: 0>} : vector<256x1xi32>
      %eq3A_50 = vector.broadcast %iota3A : vector<1024x1xi32> to vector<1024x6400xi32>
      %eq3A_51 = vector.broadcast %get3A_16 : vector<1x6400xi32> to vector<1024x6400xi32>
      %eq3A_52 = arith.cmpi eq, %eq3A_50, %eq3A_51 : vector<1024x6400xi32>
      %convert_element_type3A_53 = arith.extui %eq3A_52 : vector<1024x6400xi1> to vector<1024x6400xi32>
      %convert_element_type3A_54 = arith.sitofp %convert_element_type3A_53 : vector<1024x6400xi32> to vector<1024x6400xf32>
      %convert_element_type3A_55 = arith.truncf %convert_element_type3A_54 : vector<1024x6400xf32> to vector<1024x6400xbf16>
      %eq3A_56 = vector.broadcast %iota3A_49 : vector<256x1xi32> to vector<256x6400xi32>
      %eq3A_57 = vector.broadcast %mul3A : vector<1x6400xi32> to vector<256x6400xi32>
      %eq3A_58 = arith.cmpi eq, %eq3A_56, %eq3A_57 : vector<256x6400xi32>
      %convert_element_type3A_59 = arith.extui %eq3A_58 : vector<256x6400xi1> to vector<256x6400xi32>
      %convert_element_type3A_60 = arith.sitofp %convert_element_type3A_59 : vector<256x6400xi32> to vector<256x6400xf32>
      %convert_element_type3A_61 = arith.truncf %convert_element_type3A_60 : vector<256x6400xf32> to vector<256x6400xbf16>
      %get3A_62 = arith.constant 0 : index
      %get3A_63 = arith.constant 0 : index
      %get3A_64 = vector.load %arg5[%get3A_62, %get3A_63] : memref<128x1024xbf16, #tpu.memory_space<vmem>>, vector<128x1024xbf16>
      %dot_general3A_65 = arith.constant dense<0.000000e+00> : vector<128x6400xf32>
      %dot_general3A_66 = tpu.matmul %get3A_64, %convert_element_type3A_55, %dot_general3A_65 {dimension_numbers = #tpu.dot_dimension_numbers<[1], [0], [0], [1], [0, 0, 1, 1], [], []>, transpose_lhs_hint = false} : vector<128x1024xbf16>, vector<1024x6400xbf16>, vector<128x6400xf32> -> vector<128x6400xf32>
      %get3A_67 = arith.constant 0 : index
      %get3A_68 = arith.constant 0 : index
      %get3A_69 = vector.load %arg6[%get3A_67, %get3A_68] : memref<128x256xbf16, #tpu.memory_space<vmem>>, vector<128x256xbf16>
      %dot_general3A_70 = arith.constant dense<0.000000e+00> : vector<128x6400xf32>
      %dot_general3A_71 = tpu.matmul %get3A_69, %convert_element_type3A_61, %dot_general3A_70 {dimension_numbers = #tpu.dot_dimension_numbers<[1], [0], [0], [1], [0, 0, 1, 1], [], []>, transpose_lhs_hint = false} : vector<128x256xbf16>, vector<256x6400xbf16>, vector<128x6400xf32> -> vector<128x6400xf32>
      %add3A = arith.addf %dot_general3A_66, %dot_general3A_71 : vector<128x6400xf32>
      %get3A_72 = arith.constant 0 : index
      %get3A_73 = arith.constant 0 : index
      %get3A_74 = vector.load %arg3[%get3A_72, %get3A_73] : memref<6400x128xf32, #tpu.memory_space<vmem>>, vector<6400x128xf32>
      %transpose3A = tpu.transpose %add3A, [1, 0] : vector<128x6400xf32> -> vector<6400x128xf32>
      %add3A_75 = arith.addf %get3A_74, %transpose3A : vector<6400x128xf32>
      %swap3A = arith.constant 0 : index
      %swap3A_76 = arith.constant 0 : index
      %swap3A_77 = vector.load %arg12[%swap3A, %swap3A_76] : memref<6400x128xf32, #tpu.memory_space<vmem>>, vector<6400x128xf32>
      tpu.vector_store %arg12[%swap3A, %swap3A_76], %add3A_75 {strides = array<i32>} : memref<6400x128xf32, #tpu.memory_space<vmem>>, vector<6400x128xf32>,
      %get3A_78 = arith.constant 0 : index
      %get3A_79 = arith.constant 0 : index
      %get3A_80 = vector.load %arg11[%get3A_78, %get3A_79] : memref<6400x128xf32, #tpu.memory_space<vmem>>, vector<6400x128xf32>
      %reduce_sum3A = arith.constant dense<0.000000e+00> : vector<6400xf32>
      %reduce_sum3A_81 = vector.multi_reduction <add>, %get3A_80, %reduce_sum3A [1] : vector<6400x128xf32> to vector<6400xf32>
      %broadcast_in_dim3A = vector.shape_cast %reduce_sum3A_81 : vector<6400xf32> to vector<6400x1xf32>
      %div3A = arith.constant 1.280000e+02 : f32
      %div3A_82 = vector.broadcast %div3A : f32 to vector<6400x1xf32>
      %div3A_83 = arith.divf %broadcast_in_dim3A, %div3A_82 : vector<6400x1xf32>
      %sub3A = vector.broadcast %div3A_83 : vector<6400x1xf32> to vector<6400x128xf32>
      %sub3A_84 = arith.subf %get3A_80, %sub3A : vector<6400x128xf32>
      %mul3A_85 = arith.mulf %sub3A_84, %sub3A_84 : vector<6400x128xf32>
      %reduce_sum3A_86 = arith.constant dense<0.000000e+00> : vector<6400xf32>
      %reduce_sum3A_87 = vector.multi_reduction <add>, %mul3A_85, %reduce_sum3A_86 [1] : vector<6400x128xf32> to vector<6400xf32>
      %broadcast_in_dim3A_88 = vector.shape_cast %reduce_sum3A_87 : vector<6400xf32> to vector<6400x1xf32>
      %div3A_89 = arith.constant 1.280000e+02 : f32
      %div3A_90 = vector.broadcast %div3A_89 : f32 to vector<6400x1xf32>
      %div3A_91 = arith.divf %broadcast_in_dim3A_88, %div3A_90 : vector<6400x1xf32>
      %add3A_92 = arith.constant 9.99999996E-13 : f32
      %add3A_93 = vector.broadcast %add3A_92 : f32 to vector<6400x1xf32>
      %add3A_94 = arith.addf %div3A_91, %add3A_93 : vector<6400x1xf32>
      %rsqrt3A = math.rsqrt %add3A_94 : vector<6400x1xf32>
      %mul3A_95 = vector.broadcast %rsqrt3A : vector<6400x1xf32> to vector<6400x128xf32>
      %mul3A_96 = arith.mulf %sub3A_84, %mul3A_95 : vector<6400x128xf32>
      %get3A_97 = arith.constant 0 : index
      %get3A_98 = arith.constant 0 : index
      %get3A_99 = vector.load %arg7[%get3A_97, %get3A_98] : memref<1x128xf32, #tpu.memory_space<vmem>>, vector<1x128xf32>
      %mul3A_100 = vector.broadcast %get3A_99 : vector<1x128xf32> to vector<6400x128xf32>
      %mul3A_101 = arith.mulf %mul3A_96, %mul3A_100 : vector<6400x128xf32>
      %get3A_102 = arith.constant 0 : index
      %get3A_103 = arith.constant 0 : index
      %get3A_104 = vector.load %arg8[%get3A_102, %get3A_103] : memref<1x128xf32, #tpu.memory_space<vmem>>, vector<1x128xf32>
      %add3A_105 = vector.broadcast %get3A_104 : vector<1x128xf32> to vector<6400x128xf32>
      %add3A_106 = arith.addf %mul3A_101, %add3A_105 : vector<6400x128xf32>
      %swap3A_107 = arith.constant 0 : index
      %swap3A_108 = arith.constant 0 : index
      %swap3A_109 = vector.load %arg10[%swap3A_107, %swap3A_108] : memref<6400x128xf32, #tpu.memory_space<vmem>>, vector<6400x128xf32>
      tpu.vector_store %arg10[%swap3A_107, %swap3A_108], %add3A_106 {strides = array<i32>} : memref<6400x128xf32, #tpu.memory_space<vmem>>, vector<6400x128xf32>,
    } else {
    }
    return
  }
  func.func @transform_0(%arg0: i32) -> (i32, i32, i32) {
    %min3A = arith.constant 31 : i32
    %min3A_0 = arith.minsi %arg0, %min3A : i32
    %add3A = arith.constant 96 : i32
    %add3A_1 = arith.addi %add3A, %min3A_0 : i32
    %c0_i32 = arith.constant 0 : i32
    %c0_i32_2 = arith.constant 0 : i32
    %c0_i32_3 = arith.constant 0 : i32
    return %add3A_1, %c0_i32, %c0_i32_2 : i32, i32, i32
  }
  func.func @transform_1(%arg0: i32) -> (i32, i32, i32) {
    %min3A = arith.constant 31 : i32
    %min3A_0 = arith.minsi %arg0, %min3A : i32
    %add3A = arith.constant 96 : i32
    %add3A_1 = arith.addi %add3A, %min3A_0 : i32
    %c0_i32 = arith.constant 0 : i32
    %c0_i32_2 = arith.constant 0 : i32
    %c0_i32_3 = arith.constant 0 : i32
    return %add3A_1, %c0_i32, %c0_i32_2 : i32, i32, i32
  }
  func.func @transform_2(%arg0: i32) -> (i32, i32) {
    %min3A = arith.constant 31 : i32
    %min3A_0 = arith.minsi %arg0, %min3A : i32
    %c0_i32 = arith.constant 0 : i32
    %c0_i32_1 = arith.constant 0 : i32
    return %min3A_0, %c0_i32 : i32, i32
  }
  func.func @transform_3(%arg0: i32) -> (i32, i32) {
    %c0_i32 = arith.constant 0 : i32
    %c0_i32_0 = arith.constant 0 : i32
    %c0_i32_1 = arith.constant 0 : i32
    return %c0_i32, %c0_i32_0 : i32, i32
  }
  func.func @transform_4(%arg0: i32) -> (i32, i32) {
    %c0_i32 = arith.constant 0 : i32
    %c0_i32_0 = arith.constant 0 : i32
    %c0_i32_1 = arith.constant 0 : i32
    return %c0_i32, %c0_i32_0 : i32, i32
  }
  func.func @transform_5(%arg0: i32) -> (i32, i32) {
    %c0_i32 = arith.constant 0 : i32
    %c0_i32_0 = arith.constant 0 : i32
    %c0_i32_1 = arith.constant 0 : i32
    return %c0_i32, %c0_i32_0 : i32, i32
  }
  func.func @transform_6(%arg0: i32) -> (i32, i32) {
    %c0_i32 = arith.constant 0 : i32
    %c0_i32_0 = arith.constant 0 : i32
    %c0_i32_1 = arith.constant 0 : i32
    return %c0_i32, %c0_i32_0 : i32, i32
  }
  func.func @transform_7(%arg0: i32) -> (i32, i32) {
    %c0_i32 = arith.constant 0 : i32
    %c0_i32_0 = arith.constant 0 : i32
    %c0_i32_1 = arith.constant 0 : i32
    return %c0_i32, %c0_i32_0 : i32, i32
  }
  func.func @transform_9(%arg0: i32) -> (i32, i32) {
    %sub3A = arith.constant 1 : i32
    %sub3A_0 = arith.subi %arg0, %sub3A : i32
    %max3A = arith.constant 0 : i32
    %max3A_1 = arith.maxsi %sub3A_0, %max3A : i32
    %add3A = arith.constant 96 : i32
    %add3A_2 = arith.addi %add3A, %max3A_1 : i32
    %c0_i32 = arith.constant 0 : i32
    %c0_i32_3 = arith.constant 0 : i32
    return %add3A_2, %c0_i32 : i32, i32
  }
}

</mosaic_0001>

<sc_bundles>
// kernel: kernel.10.cloned.1.call-start
scs
__scs_entry_jumppad:
0x0: {  	(pc) =	sbr.rel $0x88, $3  }
0x1: {  	(tag) =	ssettag $0x0;
	lr =	simm.s32 $0x1  }
0x2: {  	[smem:$0x3F9A] =	sst lr;
	_ =	strace $0xD0000000  }
0x3: {  	_ = 	snop  }
0x4: {  	_ = 	snop  }
0x5: {  	_ = 	snop  }
0x6: {  	_ = 	snop  }
0x7: {  	_ = 	snop  }
__scs_overlays_trampoline_lowered:
0x8: {  	[smem:$0x3FA9] =	sst s0  }
0x9: {  	[smem:$0x3FAA] =	sst s1  }
0xa: {  	[smem:$0x3FAB] =	sst s2  }
0xb: {  	[smem:$0x3FAC] =	sst s3  }
0xc: {  	[smem:$0x3FAD] =	sst s4  }
0xd: {  	[smem:$0x3FAE] =	sst s5  }
0xe: {  	[smem:$0x3FAF] =	sst s6  }
0xf: {  	[smem:$0x3FB0] =	sst s7  }
0x10: {  	[smem:$0x3FB1] =	sst s8  }
0x11: {  	[smem:$0x3FB2] =	sst s9;
	s0 =	simm.s32 @!p0 $0x0  }
0x12: {  	s1 =	sld [smem:$0x3F98];
	s0 =	simm.s32 @p0 $0x1  }
0x13: {  	[smem:$0x3FB3] =	sst s0;
	s0 =	simm.s32 @!p1 $0x0  }
0x14: {  	s2 =	sld [smem:$0x3F97];
	s0 =	simm.s32 @p1 $0x1  }
0x15: {  	[smem:$0x3FB4] =	sst s0;
	s0 =	simm.s32 @!p2 $0x0  }
0x16: {  	s3 =	sld [smem:$0x3FDB];
	s0 =	simm.s32 @p2 $0x1  }
0x17: {  	s4 =	simm.s32 $0x1BF5;
	[smem:$0x3FB6] =	sst s0  }
0x18: {  	s0 =	sld [smem:$0x3F99];
	_ =	swait.ge [sflag:s4], $0x0  }
0x19: {  	s7 =	sld [smem:$0x3F9A]  }
0x1a: {  	s8 =	sadd.s32 $0xFFFFE003, lr  }
0x1b: {  	s9 =	sadd.s32 $0xFFFFFEF7, lr;
	s5 =	simm.s32 $0xFFFFFFFF;
	p2 =	slt.u32 s8, $0xFFFFF086  }
0x1c: {  	p1 =	slt.u32 s9, $0xF7A;
	s5 =	simm.s32 @!p2 $0x0  }
0x1d: {  	s5 =	simm.s32 @p1 $0x1;
	p0 =	seq.s32 s7, s2  }
0x1e: {  	s7 =	smul.u32 @!p0 $0xF7A, s2;
	p2 =	seq.s32 @!p0 s5, $0x0  }
0x1f: {  	s9 =	smul.u32 $0xF7A, s1;
	s8 =	simm.s32 @!p0 $0x1BF5;
	p2 =	por !p2, p0  }
0x20: {  	[sflag:s8] =	ssyncset.s32 @!p0 $0xFFFFF086;
	s6 =	sadd.s32 @!p0 s3, s7;
	s7 =	simm.s32 @!p0 $0x108  }
0x21: {  	s3 =	sadd.s32 s3, s9;
	s6 =	sadd.s32 @!p0 $0x88, s6;
	s7 =	simm.s32 @p2 $0x1082  }
0x22: {  	[simem:s7], [sflag:s8] =	dma.local @!p0 [hbm:s6], $0xF7A  }
0x23: {  	s9 =	sor.u32 $0xD0000000, s2;
	s6 =	simm.s32 $0x108;
	_ =	swait.ge @!p0 [sflag:s8], $0x0  }
0x24: {  	s3 =	sadd.s32 $0x88, s3;
	s6 =	simm.s32 @!p1 $0x1082;
	[sflag:s4] =	ssyncset.s32 $0xFFFFF086  }
0x25: {  	[simem:s6], [sflag:s4] =	dma.local [hbm:s3], $0xF7A  }
0x26: {  	[smem:$0x3F9A] =	sst s1;
	(tag) =	ssettag s2;
	_ =	strace s9  }
0x27: {  	s1 =	sld [smem:$0x3FAA]  }
0x28: {  	s2 =	sld [smem:$0x3FAB]  }
0x29: {  	s4 =	sld [smem:$0x3FAD]  }
0x2a: {  	p0 =	seq.s32 s5, $0x0;
	s5 =	sld [smem:$0x3FAE]  }
0x2b: {  	s6 =	sld [smem:$0x3FAF]  }
0x2c: {  	s7 =	sld [smem:$0x3FB0]  }
0x2d: {  	s3 =	simm.s32 $0x108;
	s8 =	sld [smem:$0x3FB1]  }
0x2e: {  	s3 =	simm.s32 @!p0 $0x1082;
	s9 =	sld [smem:$0x3FB2]  }
0x2f: {  	lr =	sadd.s32 s0, s3;
	s0 =	sld [smem:$0x3FA9]  }
0x30: {  	s3 =	sld [smem:$0x3FAC]  }
0x31: {  	[smem:$0x3FB5] =	sst s10  }
0x32: {  	s10 =	sld [smem:$0x3FB3];
	_ =	sdelay $0x3  }
0x33: {  	p0 =	seq.s32 s10, $0x1;
	s10 =	sld [smem:$0x3FB5];
	_ =	sdelay $0x3  }
0x34: {  	[smem:$0x3FB5] =	sst s10  }
0x35: {  	s10 =	sld [smem:$0x3FB4];
	_ =	sdelay $0x3  }
0x36: {  	p1 =	seq.s32 s10, $0x1;
	s10 =	sld [smem:$0x3FB5];
	_ =	sdelay $0x3  }
0x37: {  	[smem:$0x3FB5] =	sst s10  }
0x38: {  	s10 =	sld [smem:$0x3FB6]  }
0x39: {  	_ = 	snop;
	(pc) =	sbr.ind lr, $3  }
0x3a: {  	_ = 	snop  }
0x3b: {  	_ = 	snop  }
0x3c: {  	p2 =	seq.s32 s10, $0x1;
	s10 =	sld [smem:$0x3FB5]  }
0x3d: {  	_ =	shalt  }
0x3e: {  	_ =	shalt  }
0x3f: {  	_ =	shalt  }
0x40: {  	_ =	shalt  }
0x41: {  	_ =	shalt  }
0x42: {  	_ =	shalt  }
0x43: {  	_ =	shalt  }
0x44: {  	_ =	shalt  }
0x45: {  	_ =	shalt  }
0x46: {  	_ =	shalt  }
0x47: {  	_ =	shalt  }
0x48: {  	_ =	shalt  }
0x49: {  	_ =	shalt  }
0x4a: {  	_ =	shalt  }
0x4b: {  	_ =	shalt  }
0x4c: {  	_ =	shalt  }
0x4d: {  	_ =	shalt  }
0x4e: {  	_ =	shalt  }
0x4f: {  	_ =	shalt  }
0x50: {  	_ =	shalt  }
0x51: {  	_ =	shalt  }
0x52: {  	_ =	shalt  }
0x53: {  	_ =	shalt  }
0x54: {  	_ =	shalt  }
0x55: {  	_ =	shalt  }
0x56: {  	_ =	shalt  }
0x57: {  	_ =	shalt  }
0x58: {  	_ =	shalt  }
0x59: {  	_ =	shalt  }
0x5a: {  	_ =	shalt  }
0x5b: {  	_ =	shalt  }
0x5c: {  	_ =	shalt  }
0x5d: {  	_ =	shalt  }
0x5e: {  	_ =	shalt  }
0x5f: {  	_ =	shalt  }
0x60: {  	_ =	shalt  }
0x61: {  	_ =	shalt  }
0x62: {  	_ =	shalt  }
0x63: {  	_ =	shalt  }
0x64: {  	_ =	shalt  }
0x65: {  	_ =	shalt  }
0x66: {  	_ =	shalt  }
0x67: {  	_ =	shalt  }
0x68: {  	_ =	shalt  }
0x69: {  	_ =	shalt  }
0x6a: {  	_ =	shalt  }
0x6b: {  	_ =	shalt  }
0x6c: {  	_ =	shalt  }
0x6d: {  	_ =	shalt  }
0x6e: {  	_ =	shalt  }
0x6f: {  	_ =	shalt  }
0x70: {  	_ =	shalt  }
0x71: {  	_ =	shalt  }
0x72: {  	_ =	shalt  }
0x73: {  	_ =	shalt  }
0x74: {  	_ =	shalt  }
0x75: {  	_ =	shalt  }
0x76: {  	_ =	shalt  }
0x77: {  	_ =	shalt  }
0x78: {  	_ =	shalt  }
0x79: {  	_ =	shalt  }
0x7a: {  	_ =	shalt  }
0x7b: {  	_ =	shalt  }
0x7c: {  	_ =	shalt  }
0x7d: {  	_ =	shalt  }
0x7e: {  	_ =	shalt  }
0x7f: {  	_ =	shalt  }
0x80: {  	_ =	shalt  }
0x81: {  	_ =	shalt  }
0x82: {  	_ =	shalt  }
0x83: {  	_ =	shalt  }
0x84: {  	_ =	shalt  }
0x85: {  	_ =	shalt  }
0x86: {  	_ =	shalt  }
0x87: {  	_ =	shalt  }
.Lfunc_end0:
.L_simem_size_0:
called_computation_lowered:
.L_overlay_start_0:
0x88: {  	s2 =	sld [smem:$0x3FD9]  }
0x89: {  	s3 =	sld [smem:$0x3FFE];
	_ =	sdelay $0x1  }
0x8a: {  	s1 =	srdreg.scid  }
0x8b: {  	s0 =	sand.u32 $0x1, s1  }
0x8c: {  	s17 =	sshll.u32 s0, $0xA;
	s2 =	sadd.s32 s3, s2  }
0x8d: {  	s2 =	sadd.s32 s2, s17  }
0x8e: {  	[smem:$0x3FC1] =	sst s2  }
0x8f: {  	_ = 	snop  }
0x90: {  	s2 =	sld [smem:$0x3FC7];
	(tm) =	ssettm $0x1  }
0x91: {  	s18 =	sld [smem:$0x3FFB];
	_ =	sdelay $0x3  }
0x92: {  	_ =	strace s18  }
0x93: {  	s3 =	sld [smem:$0x3FFC];
	_ =	sdelay $0x3  }
0x94: {  	_ =	strace s3  }
0x95: {  	s3 =	sld [smem:$0x3FFD];
	_ =	sdelay $0x3  }
0x96: {  	_ =	strace s3  }
0x97: {  	_ =	strace $0x8FFFFFFF  }
0x98: {  	s19 =	sld [smem:$0x3FDB];
	_ =	sdelay $0x1  }
0x99: {  	s4 =	simm.s32 $_scs_section_size  }
0x9a: {  	s5 =	simm.s32 $_size__tile_overlayer_lowered;
	s6 =	simm.s32 $_tile_overlayer_lowered  }
0x9b: {  	s22 =	simm.s32 $0x1BFF;
	s21 =	sshll.u32 s6, $0x1;
	s3 =	sadd.s32 s4, s19  }
0x9c: {  	s7 =	simm.s32 $0x0;
	s20 =	sshll.u32 s5, $0x1;
	s5 =	sadd.s32 s21, s3  }
0x9d: {  	[timem:s7], [sflag:s22] =	dma.local [hbm:s5], s20  }
0x9e: {  	_ =	swait.ge [sflag:s22], s20  }
0x9f: {  	s4 =	ssub.s32 $0x0, s20;
	[sflag:s22] =	ssyncset.done $0x0  }
0xa0: {  	[sflag:s22] =	ssyncadd.s32 s4;
	_ =	sdelay $0x1  }
0xa1: {  	s23 =	simm.s32 $0x1B8B  }
0xa2: {  	_ =	swait.ge [sflag:s23], $0x1  }
0xa3: {  	[sflag:s23] =	ssyncset.done $0x0  }
0xa4: {  	s25 =	simm.s32 $0x1B8E;
	s24 =	sld [smem:$0x3FFE];
	[sflag:s23] =	ssyncadd.s32 $0xFFFFFFFF  }
0xa5: {  	s26 =	simm.s32 $execute0_lowered;
	[smem:$0x3FD2] =	sst s25  }
0xa6: {  	s5 =	sshll.u32 s26, $0x1;
	_ =	strace $0x80000046;
	[dreg:$0x1] =	wrdreg $0xFFFFFFFF  }
0xa7: {  	s28 =	simm.s32 $_size_execute0_lowered;
	s3 =	sadd.s32 s3, s5;
	[dreg:$0x0] =	wrdreg $0x0  }
0xa8: {  	s5 =	sshll.u32 s28, $0x1;
	[dreg:$0x2] =	wrdreg s3  }
0xa9: {  	[dreg:$0x3] =	wrdreg s5  }
0xaa: {  	[dreg:$0x4] =	wrdreg $0xC0  }
0xab: {  	_ =	task [dreg:s7], $0x5FFFF  }
0xac: {  	[dreg:$0x1] =	wrdreg $0xFFFFFFFF  }
0xad: {  	[dreg:$0x0] =	wrdreg $0x60  }
0xae: {  	[dreg:$0x2] =	wrdreg s24  }
0xaf: {  	[dreg:$0x3] =	wrdreg s2  }
0xb0: {  	[dreg:$0x4] =	wrdreg $0x9  }
0xb1: {  	_ =	task.clear_ibuf [dreg:s7], $0x5FFFF;
	_ =	strace $0x90000046  }
0xb2: {  	s29 =	simm.s32 $0x9;
	_ =	strace $0x80000048  }
0xb3: {  	_ =	swait.ge [sflag:s29], $0x1  }
0xb4: {  	[sflag:s29] =	ssyncadd.s32 $0xFFFFFFFF  }
0xb5: {  	_ =	strace $0x90000048  }
0xb6: {  	_ =	sfence  }
0xb7: {  	s30 =	sld [smem:$0x0];
	_ =	sdelay $0x2  }
0xb8: {  	s31 =	sshll.u32 s1, $0xD;
	s1 =	sshrl.u32 s1, $0x2  }
0xb9: {  	s3 =	sand.u32 $0x4000, s31;
	s1 =	sadd.s32 s1, s30  }
0xba: {  	s0 =	sor.u32 s3, s0;
	s1 =	sshll.u32 s1, $0x11  }
0xbb: {  	s0 =	sor.u32 s1, s0  }
0xbc: {  	s0 =	sadd.s32 $0x8F2B, s0  }
0xbd: {  	[sflag:s0] =	ssyncadd.remote.s32 $0x1  }
0xbe: {  	_ =	sfence.sel $0xFFFF  }
0xbf: {  	[dreg:$0x0] =	wrdreg $0xFFFFFFFF;
	(pc) =	sbr.abs _section_cstart, $3  }
0xc0: {  	[dreg:$0x1] =	wrdreg $0xFFFFFFFF  }
0xc1: {  	_ =	task.clear_ibuf [dreg:s7], $0x2FFFF;
	_ =	strace $0x9FFFFFFF  }
0xc2: {  	(tm) =	ssettm $0x7FFFFFFF  }
0xc3: {  	_ =	shalt  }
tec
execute0_lowered:
.L_overlay_start_1:
0x0: {  	(tag) =	ssettag $0x1  }
0x1: {  	s1 =	srdreg.scid;
	s4 =	rddreg [dreg:$0x0]  }
0x2: {  	s0 =	stileid.u32;
	s2 =	rddreg [dreg:$0x1];
	s3 =	simm.s32 $0x0  }
0x3: {  	s11 =	simm.s32 $0x1C00;
	s12 =	simm.s32 $0x1;
	s13 =	simm.s32 $0x5C00  }
0x4: {  	s14 =	simm.s32 $0x2;
	s15 =	simm.s32 $0x1880;
	s16 =	simm.s32 $0x0  }
0x5: {  	s6 =	sand.u32 $0x1, s1;
	s25 =	sshll.u32 s0, $0x1;
	s1 =	rddreg [dreg:$0x2]  }
0x6: {  	[smem:$0x7FF] =	sst s3;
	s29 =	smul.u32 $0x32000, s0;
	s5 =	sor.u32 s6, s25  }
0x7: {  	s9 =	sadd.s32 $0x1DE00, s4;
	s8 =	ssub.s32 $0x2, s6;
	s7 =	smul.u32 $0x380, s5  }
0x8: {  	_ =	strace $0x80000047;
	s26 =	sshrl.u32 s8, $0x1;
	s10 =	smul.u32 $0x19000, s5  }
0x9: {  	s31 =	smul.u32 $0x19000, s6;
	s28 =	ssub.s32 s8, s26;
	s8 =	sadd.s32 s29, s9  }
0xa: {  	s7 =	sadd.s32 s7, s4;
	s5 =	smax.u32 s28, $0x1;
	s30 =	sadd.s32 s9, s10  }
0xb: {  	s8 =	sadd.s32 s31, s8;
	s9 =	simm.s32 $0x3;
	s10 =	simm.s32 $0x80  }
0xc: {  	s4 =	sadd.s32 $0x1E00, s7;
	s6 =	sadd.s32 $0x18000, s30;
	s7 =	sadd.s32 $0x18800, s30  }
.LBB2_1:
0xd: {  	[tilespmem:s3], [sflag:$0x3] =	stream.linear.gather [hbm4b:s4+s3], $0x1900, $0x38;
	[tilespmem:$0x9C00] =	vst v63  }
0xe: {  	_ =	swait.ge [sflag:s9], $0x1900  }
0xf: {  	[sflag:s9] =	ssyncset.done $0x0  }
0x10: {  	[sflag:s9] =	ssyncadd.s32 $0xFFFFE700  }
0x11: {  	[tilespmem:s11], [sflag:$0x1] =	stream.indirect.gather [hbm4b:s2+s10], $0x80, s3, s10, $0xb8;
	[tilespmem:$0x9C00] =	vst v63  }
0x12: {  	_ =	swait.ge [sflag:s12], $0x4000  }
0x13: {  	[sflag:s12] =	ssyncset.done $0x0  }
0x14: {  	s17 =	simm.s32 $0x80;
	[sflag:s12] =	ssyncadd.s32 $0xFFFFC000  }
0x15: {  	[tilespmem:s13], [sflag:$0x2] =	stream.indirect.gather [hbm4b:s2+s10], $0x80, s17, s10, $0xb8;
	[tilespmem:$0x9C00] =	vst v63  }
0x16: {  	s18 =	sadd.s32 $0x0, s8  }
0x17: {  	[hbm4b:s18+s3] =	stream.linear.scatter [tilespmem:s11], [sflag:$0x3], $0x4000, $0x38;
	[tilespmem:$0x9C00] =	vst v63  }
0x18: {  	_ =	swait.ge [sflag:s9], $0x4000  }
0x19: {  	[sflag:s9] =	ssyncset.done $0x0  }
0x1a: {  	[sflag:s9] =	ssyncadd.s32 $0xFFFFC000  }
0x1b: {  	_ =	swait.ge [sflag:s14], $0x4000  }
0x1c: {  	[sflag:s14] =	ssyncset.done $0x0  }
0x1d: {  	s17 =	simm.s32 $0x100;
	[sflag:s14] =	ssyncadd.s32 $0xFFFFC000  }
0x1e: {  	[tilespmem:s11], [sflag:$0x1] =	stream.indirect.gather [hbm4b:s2+s10], $0x80, s17, s10, $0xb8;
	[tilespmem:$0x9C00] =	vst v63  }
0x1f: {  	s18 =	sadd.s32 $0x800, s18  }
0x20: {  	[hbm4b:s18+s3] =	stream.linear.scatter [tilespmem:s13], [sflag:$0x3], $0x4000, $0x38;
	[tilespmem:$0x9C00] =	vst v63  }
0x21: {  	_ =	swait.ge [sflag:s9], $0x4000  }
0x22: {  	s18 =	simm.s32 $0x1000;
	[sflag:s9] =	ssyncset.done $0x0  }
.LBB2_2:
0x23: {  	p0 =	sne.s32 s18, $0x17000;
	[sflag:s9] =	ssyncadd.s32 $0xFFFFC000;
	s17 =	sadd.s32 $0x100, s17  }
0x24: {  	s19 =	smov.u32 s18;
	s18 =	sadd.s32 $0x1000, s18  }
0x25: {  	_ =	swait.ge [sflag:s12], $0x4000  }
0x26: {  	[sflag:s12] =	ssyncset.done $0x0  }
0x27: {  	s20 =	sadd.s32 $0xFFFFFF80, s17;
	[sflag:s12] =	ssyncadd.s32 $0xFFFFC000  }
0x28: {  	[tilespmem:s13], [sflag:$0x2] =	stream.indirect.gather [hbm4b:s2+s10], $0x80, s20, s10, $0xb8;
	[tilespmem:$0x9C00] =	vst v63  }
0x29: {  	s19 =	sadd.s32 s19, s8  }
0x2a: {  	[hbm4b:s19+s3] =	stream.linear.scatter [tilespmem:s11], [sflag:$0x3], $0x4000, $0x38;
	[tilespmem:$0x9C00] =	vst v63  }
0x2b: {  	_ =	swait.ge [sflag:s9], $0x4000  }
0x2c: {  	[sflag:s9] =	ssyncset.done $0x0  }
0x2d: {  	[sflag:s9] =	ssyncadd.s32 $0xFFFFC000  }
0x2e: {  	_ =	swait.ge [sflag:s14], $0x4000  }
0x2f: {  	[sflag:s14] =	ssyncset.done $0x0  }
0x30: {  	[sflag:s14] =	ssyncadd.s32 $0xFFFFC000  }
0x31: {  	[tilespmem:s11], [sflag:$0x1] =	stream.indirect.gather [hbm4b:s2+s10], $0x80, s17, s10, $0xb8;
	[tilespmem:$0x9C00] =	vst v63  }
.Ltmp0:
0x32: {  	_ = 	snop;
	(pc) =	sbr.rel @p0 .LBB2_2-.Ltmp0, $4  }
0x33: {  	s19 =	sadd.s32 $0x800, s19  }
0x34: {  	[hbm4b:s19+s3] =	stream.linear.scatter [tilespmem:s13], [sflag:$0x3], $0x4000, $0x38;
	[tilespmem:$0x9C00] =	vst v63  }
0x35: {  	_ =	swait.ge [sflag:s9], $0x4000  }
0x36: {  	[sflag:s9] =	ssyncset.done $0x0  }
0x37: {  	[sflag:s9] =	ssyncadd.s32 $0xFFFFC000  }
0x38: {  	_ =	swait.ge [sflag:s12], $0x4000  }
0x39: {  	[sflag:s12] =	ssyncset.done $0x0  }
0x3a: {  	[sflag:s12] =	ssyncadd.s32 $0xFFFFC000  }
0x3b: {  	[tilespmem:s13], [sflag:$0x2] =	stream.indirect.gather [hbm4b:s2+s10], $0x80, s15, s10, $0xb8;
	[tilespmem:$0x9C00] =	vst v63  }
0x3c: {  	_ = 	snop  }
0x3d: {  	[hbm4b:s6+s3] =	stream.linear.scatter [tilespmem:s11], [sflag:$0x3], $0x4000, $0x38;
	[tilespmem:$0x9C00] =	vst v63  }
0x3e: {  	_ =	swait.ge [sflag:s9], $0x4000  }
0x3f: {  	[sflag:s9] =	ssyncset.done $0x0  }
0x40: {  	[sflag:s9] =	ssyncadd.s32 $0xFFFFC000  }
0x41: {  	s16 =	sadd.s32 $0x1, s16;
	_ =	swait.ge [sflag:s14], $0x4000  }
0x42: {  	p0 =	sne.s32 s16, s5;
	[sflag:s14] =	ssyncset.done $0x0  }
.Ltmp1:
0x43: {  	[sflag:s14] =	ssyncadd.s32 $0xFFFFC000;
	(pc) =	sbr.rel @p0 .LBB2_1-.Ltmp1, $4  }
0x44: {  	[hbm4b:s7+s3] =	stream.linear.scatter [tilespmem:s13], [sflag:$0x3], $0x4000, $0x38;
	[tilespmem:$0x9C00] =	vst v63  }
0x45: {  	_ =	swait.ge [sflag:s9], $0x4000  }
0x46: {  	[sflag:s9] =	ssyncset.done $0x0  }
0x47: {  	[sflag:s9] =	ssyncadd.s32 $0xFFFFC000  }
0x48: {  	_ =	sfence.sel $0x180000  }
0x49: {  	[bflag:$0x0] =	sbarrier.arrive $0xFFFF  }
0x4a: {  	p0 =	sne.s32 s0, $0x0;
	_ =	strace $0x90000047  }
0x4b: {  	s0 =	sadd.s32 @!p0 $0x100000, s1;
	[bflag:$0x2] =	sbarrier.arrive $0xFFFF  }
0x4c: {  	[sflag:s0] =	ssyncadd.tile.s32 @!p0 $0x1;
	_ =	shalt  }
.Lfunc_end2:
_tile_overlayer_lowered:
.L_overlay_start_2:
0x4d: {  	(tag) =	ssettag $0x2  }
0x4e: {  	s0 =	rddreg [dreg:$0x0];
	s2 =	stileid.u32  }
0x4f: {  	s1 =	rddreg [dreg:$0x1];
	p0 =	sne.s32 s2, $0x0  }
0x50: {  	s3 =	rddreg [dreg:$0x2];
	[bflag:$0x3] =	sbarrier.arrive $0xFFFF;
	s2 =	simm.s32 @!p0 $0x1C03  }
0x51: {  	[timem:s3], [sflag:s2] =	dma.local @!p0 [hbm:s0], s1  }
0x52: {  	s0 =	simm.s32 @!p0 $0x3  }
0x53: {  	_ =	swait.ge @!p0 [sflag:s0], s1  }
0x54: {  	s1 =	ssub.s32 @!p0 $0x0, s1;
	[sflag:s0] =	ssyncset.done @!p0 $0x0  }
0x55: {  	[sflag:s0] =	ssyncadd.s32 @!p0 s1  }
0x56: {  	[bflag:$0x3] =	sbarrier.arrive $0xFFFF  }
0x57: {  	_ =	shalt  }

// kernel: kernel.13.cloned.1.call-start
scs
__scs_entry_jumppad:
0x0: {  	(pc) =	sbr.rel $0x88, $3  }
0x1: {  	(tag) =	ssettag $0x0;
	lr =	simm.s32 $0x1  }
0x2: {  	[smem:$0x3F9A] =	sst lr;
	_ =	strace $0xD0000000  }
0x3: {  	_ = 	snop  }
0x4: {  	_ = 	snop  }
0x5: {  	_ = 	snop  }
0x6: {  	_ = 	snop  }
0x7: {  	_ = 	snop  }
__scs_overlays_trampoline_lowered:
0x8: {  	[smem:$0x3FA9] =	sst s0  }
0x9: {  	[smem:$0x3FAA] =	sst s1  }
0xa: {  	[smem:$0x3FAB] =	sst s2  }
0xb: {  	[smem:$0x3FAC] =	sst s3  }
0xc: {  	[smem:$0x3FAD] =	sst s4  }
0xd: {  	[smem:$0x3FAE] =	sst s5  }
0xe: {  	[smem:$0x3FAF] =	sst s6  }
0xf: {  	[smem:$0x3FB0] =	sst s7  }
0x10: {  	[smem:$0x3FB1] =	sst s8  }
0x11: {  	[smem:$0x3FB2] =	sst s9;
	s0 =	simm.s32 @!p0 $0x0  }
0x12: {  	s1 =	sld [smem:$0x3F98];
	s0 =	simm.s32 @p0 $0x1  }
0x13: {  	[smem:$0x3FB3] =	sst s0;
	s0 =	simm.s32 @!p1 $0x0  }
0x14: {  	s2 =	sld [smem:$0x3F97];
	s0 =	simm.s32 @p1 $0x1  }
0x15: {  	[smem:$0x3FB4] =	sst s0;
	s0 =	simm.s32 @!p2 $0x0  }
0x16: {  	s3 =	sld [smem:$0x3FDB];
	s0 =	simm.s32 @p2 $0x1  }
0x17: {  	s4 =	simm.s32 $0x1BF5;
	[smem:$0x3FB6] =	sst s0  }
0x18: {  	s0 =	sld [smem:$0x3F99];
	_ =	swait.ge [sflag:s4], $0x0  }
0x19: {  	s7 =	sld [smem:$0x3F9A]  }
0x1a: {  	s8 =	sadd.s32 $0xFFFFE003, lr  }
0x1b: {  	s9 =	sadd.s32 $0xFFFFFEF7, lr;
	s5 =	simm.s32 $0xFFFFFFFF;
	p2 =	slt.u32 s8, $0xFFFFF086  }
0x1c: {  	p1 =	slt.u32 s9, $0xF7A;
	s5 =	simm.s32 @!p2 $0x0  }
0x1d: {  	s5 =	simm.s32 @p1 $0x1;
	p0 =	seq.s32 s7, s2  }
0x1e: {  	s7 =	smul.u32 @!p0 $0xF7A, s2;
	p2 =	seq.s32 @!p0 s5, $0x0  }
0x1f: {  	s9 =	smul.u32 $0xF7A, s1;
	s8 =	simm.s32 @!p0 $0x1BF5;
	p2 =	por !p2, p0  }
0x20: {  	[sflag:s8] =	ssyncset.s32 @!p0 $0xFFFFF086;
	s6 =	sadd.s32 @!p0 s3, s7;
	s7 =	simm.s32 @!p0 $0x108  }
0x21: {  	s3 =	sadd.s32 s3, s9;
	s6 =	sadd.s32 @!p0 $0x88, s6;
	s7 =	simm.s32 @p2 $0x1082  }
0x22: {  	[simem:s7], [sflag:s8] =	dma.local @!p0 [hbm:s6], $0xF7A  }
0x23: {  	s9 =	sor.u32 $0xD0000000, s2;
	s6 =	simm.s32 $0x108;
	_ =	swait.ge @!p0 [sflag:s8], $0x0  }
0x24: {  	s3 =	sadd.s32 $0x88, s3;
	s6 =	simm.s32 @!p1 $0x1082;
	[sflag:s4] =	ssyncset.s32 $0xFFFFF086  }
0x25: {  	[simem:s6], [sflag:s4] =	dma.local [hbm:s3], $0xF7A  }
0x26: {  	[smem:$0x3F9A] =	sst s1;
	(tag) =	ssettag s2;
	_ =	strace s9  }
0x27: {  	s1 =	sld [smem:$0x3FAA]  }
0x28: {  	s2 =	sld [smem:$0x3FAB]  }
0x29: {  	s4 =	sld [smem:$0x3FAD]  }
0x2a: {  	p0 =	seq.s32 s5, $0x0;
	s5 =	sld [smem:$0x3FAE]  }
0x2b: {  	s6 =	sld [smem:$0x3FAF]  }
0x2c: {  	s7 =	sld [smem:$0x3FB0]  }
0x2d: {  	s3 =	simm.s32 $0x108;
	s8 =	sld [smem:$0x3FB1]  }
0x2e: {  	s3 =	simm.s32 @!p0 $0x1082;
	s9 =	sld [smem:$0x3FB2]  }
0x2f: {  	lr =	sadd.s32 s0, s3;
	s0 =	sld [smem:$0x3FA9]  }
0x30: {  	s3 =	sld [smem:$0x3FAC]  }
0x31: {  	[smem:$0x3FB5] =	sst s10  }
0x32: {  	s10 =	sld [smem:$0x3FB3];
	_ =	sdelay $0x3  }
0x33: {  	p0 =	seq.s32 s10, $0x1;
	s10 =	sld [smem:$0x3FB5];
	_ =	sdelay $0x3  }
0x34: {  	[smem:$0x3FB5] =	sst s10  }
0x35: {  	s10 =	sld [smem:$0x3FB4];
	_ =	sdelay $0x3  }
0x36: {  	p1 =	seq.s32 s10, $0x1;
	s10 =	sld [smem:$0x3FB5];
	_ =	sdelay $0x3  }
0x37: {  	[smem:$0x3FB5] =	sst s10  }
0x38: {  	s10 =	sld [smem:$0x3FB6]  }
0x39: {  	_ = 	snop;
	(pc) =	sbr.ind lr, $3  }
0x3a: {  	_ = 	snop  }
0x3b: {  	_ = 	snop  }
0x3c: {  	p2 =	seq.s32 s10, $0x1;
	s10 =	sld [smem:$0x3FB5]  }
0x3d: {  	_ =	shalt  }
0x3e: {  	_ =	shalt  }
0x3f: {  	_ =	shalt  }
0x40: {  	_ =	shalt  }
0x41: {  	_ =	shalt  }
0x42: {  	_ =	shalt  }
0x43: {  	_ =	shalt  }
0x44: {  	_ =	shalt  }
0x45: {  	_ =	shalt  }
0x46: {  	_ =	shalt  }
0x47: {  	_ =	shalt  }
0x48: {  	_ =	shalt  }
0x49: {  	_ =	shalt  }
0x4a: {  	_ =	shalt  }
0x4b: {  	_ =	shalt  }
0x4c: {  	_ =	shalt  }
0x4d: {  	_ =	shalt  }
0x4e: {  	_ =	shalt  }
0x4f: {  	_ =	shalt  }
0x50: {  	_ =	shalt  }
0x51: {  	_ =	shalt  }
0x52: {  	_ =	shalt  }
0x53: {  	_ =	shalt  }
0x54: {  	_ =	shalt  }
0x55: {  	_ =	shalt  }
0x56: {  	_ =	shalt  }
0x57: {  	_ =	shalt  }
0x58: {  	_ =	shalt  }
0x59: {  	_ =	shalt  }
0x5a: {  	_ =	shalt  }
0x5b: {  	_ =	shalt  }
0x5c: {  	_ =	shalt  }
0x5d: {  	_ =	shalt  }
0x5e: {  	_ =	shalt  }
0x5f: {  	_ =	shalt  }
0x60: {  	_ =	shalt  }
0x61: {  	_ =	shalt  }
0x62: {  	_ =	shalt  }
0x63: {  	_ =	shalt  }
0x64: {  	_ =	shalt  }
0x65: {  	_ =	shalt  }
0x66: {  	_ =	shalt  }
0x67: {  	_ =	shalt  }
0x68: {  	_ =	shalt  }
0x69: {  	_ =	shalt  }
0x6a: {  	_ =	shalt  }
0x6b: {  	_ =	shalt  }
0x6c: {  	_ =	shalt  }
0x6d: {  	_ =	shalt  }
0x6e: {  	_ =	shalt  }
0x6f: {  	_ =	shalt  }
0x70: {  	_ =	shalt  }
0x71: {  	_ =	shalt  }
0x72: {  	_ =	shalt  }
0x73: {  	_ =	shalt  }
0x74: {  	_ =	shalt  }
0x75: {  	_ =	shalt  }
0x76: {  	_ =	shalt  }
0x77: {  	_ =	shalt  }
0x78: {  	_ =	shalt  }
0x79: {  	_ =	shalt  }
0x7a: {  	_ =	shalt  }
0x7b: {  	_ =	shalt  }
0x7c: {  	_ =	shalt  }
0x7d: {  	_ =	shalt  }
0x7e: {  	_ =	shalt  }
0x7f: {  	_ =	shalt  }
0x80: {  	_ =	shalt  }
0x81: {  	_ =	shalt  }
0x82: {  	_ =	shalt  }
0x83: {  	_ =	shalt  }
0x84: {  	_ =	shalt  }
0x85: {  	_ =	shalt  }
0x86: {  	_ =	shalt  }
0x87: {  	_ =	shalt  }
.Lfunc_end0:
.L_simem_size_0:
called_computation.1_lowered:
.L_overlay_start_0:
0x88: {  	s2 =	sld [smem:$0x3FD9]  }
0x89: {  	s3 =	sld [smem:$0x3FFE];
	_ =	sdelay $0x1  }
0x8a: {  	s1 =	srdreg.scid  }
0x8b: {  	s0 =	sand.u32 $0x1, s1  }
0x8c: {  	s17 =	sshll.u32 s0, $0xA;
	s2 =	sadd.s32 s3, s2  }
0x8d: {  	s2 =	sadd.s32 s2, s17  }
0x8e: {  	[smem:$0x3FC1] =	sst s2  }
0x8f: {  	_ = 	snop  }
0x90: {  	s18 =	sld [smem:$0x3FC7];
	(tm) =	ssettm $0x1  }
0x91: {  	s19 =	sld [smem:$0x3FFB];
	_ =	sdelay $0x3  }
0x92: {  	_ =	strace s19  }
0x93: {  	s2 =	sld [smem:$0x3FFC];
	_ =	sdelay $0x3  }
0x94: {  	_ =	strace s2  }
0x95: {  	s2 =	sld [smem:$0x3FFD];
	_ =	sdelay $0x3  }
0x96: {  	_ =	strace s2  }
0x97: {  	_ =	strace $0x8FFFFFFF  }
0x98: {  	s20 =	sld [smem:$0x3FDB];
	_ =	sdelay $0x1  }
0x99: {  	s4 =	simm.s32 $_scs_section_size  }
0x9a: {  	s5 =	simm.s32 $_size__tile_overlayer_lowered;
	s6 =	simm.s32 $_tile_overlayer_lowered  }
0x9b: {  	s7 =	simm.s32 $0x1BFF;
	s21 =	sshll.u32 s6, $0x1;
	s4 =	sadd.s32 s4, s20  }
0x9c: {  	s22 =	simm.s32 $0x0;
	s5 =	sshll.u32 s5, $0x1;
	s6 =	sadd.s32 s21, s4  }
0x9d: {  	[timem:s22], [sflag:s7] =	dma.local [hbm:s6], s5  }
0x9e: {  	_ =	swait.ge [sflag:s7], s5  }
0x9f: {  	s5 =	ssub.s32 $0x0, s5;
	[sflag:s7] =	ssyncset.done $0x0  }
0xa0: {  	[sflag:s7] =	ssyncadd.s32 s5;
	_ =	sdelay $0x1  }
0xa1: {  	s23 =	simm.s32 $0x1B8B  }
0xa2: {  	_ =	swait.ge [sflag:s23], $0x1  }
0xa3: {  	[sflag:s23] =	ssyncset.done $0x0  }
0xa4: {  	[sflag:s23] =	ssyncadd.s32 $0xFFFFFFFF  }
0xa5: {  	s5 =	sld [smem:$0x0]  }
0xa6: {  	s6 =	sand.u32 $0xFFFFFFFE, s1  }
0xa7: {  	p0 =	sne.s32 s1, s6  }
0xa8: {  	s6 =	sshll.u32 @p0 s6, $0xE  }
0xa9: {  	s6 =	sadd.s32 @p0 $0x11B8D, s6;
	s7 =	sshll.u32 @p0 s5, $0x11  }
0xaa: {  	s6 =	sor.u32 @p0 s7, s6  }
0xab: {  	[sflag:s6] =	ssyncadd.remote.s32 @p0 $0x1;
	_ =	sdelay $0x1  }
0xac: {  	s6 =	simm.s32 @p0 $0x1B8D  }
0xad: {  	_ =	swait.eq @p0 [sflag:s6], $0x1  }
0xae: {  	[sflag:s6] =	ssyncadd.s32 @p0 $0xFFFFFFFF  }
0xaf: {  	s7 =	sshll.u32 @!p0 s1, $0xE  }
0xb0: {  	s7 =	sor.u32 @!p0 $0x4000, s7;
	s6 =	simm.s32 @!p0 $0x1B8D  }
0xb1: {  	s5 =	sshll.u32 @!p0 s5, $0x11;
	s7 =	sadd.s32 @!p0 $0x11B8D, s7;
	_ =	swait.eq @!p0 [sflag:s6], $0x1  }
0xb2: {  	s5 =	sor.u32 @!p0 s5, s7;
	[sflag:s6] =	ssyncadd.s32 @!p0 $0xFFFFFFFF  }
0xb3: {  	s25 =	simm.s32 $0x1B8E;
	s24 =	sld [smem:$0x3FFE];
	[sflag:s5] =	ssyncadd.remote.s32 @!p0 $0x1  }
0xb4: {  	s26 =	simm.s32 $execute0_lowered;
	[smem:$0x3FD2] =	sst s25  }
0xb5: {  	s6 =	sshll.u32 s26, $0x1;
	_ =	strace $0x80000049;
	[dreg:$0x1] =	wrdreg $0xFFFFFFFF  }
0xb6: {  	s28 =	simm.s32 $_size_execute0_lowered;
	s4 =	sadd.s32 s4, s6;
	[dreg:$0x0] =	wrdreg $0x0  }
0xb7: {  	s6 =	sshll.u32 s28, $0x1;
	[dreg:$0x2] =	wrdreg s4  }
0xb8: {  	[dreg:$0x3] =	wrdreg s6  }
0xb9: {  	[dreg:$0x4] =	wrdreg $0xC0  }
0xba: {  	_ =	task [dreg:s22], $0x5FFFF  }
0xbb: {  	[dreg:$0x1] =	wrdreg $0xFFFFFFFF  }
0xbc: {  	[dreg:$0x0] =	wrdreg $0x60  }
0xbd: {  	[dreg:$0x2] =	wrdreg s24  }
0xbe: {  	[dreg:$0x3] =	wrdreg s18  }
0xbf: {  	[dreg:$0x4] =	wrdreg $0xA  }
0xc0: {  	_ =	task.clear_ibuf [dreg:s22], $0x5FFFF;
	_ =	strace $0x90000049  }
0xc1: {  	s29 =	simm.s32 $0xA;
	_ =	strace $0x8000004B  }
0xc2: {  	_ =	swait.ge [sflag:s29], $0x1  }
0xc3: {  	[sflag:s29] =	ssyncadd.s32 $0xFFFFFFFF  }
0xc4: {  	_ =	strace $0x9000004B  }
0xc5: {  	_ =	sfence  }
0xc6: {  	s30 =	sld [smem:$0x0];
	_ =	sdelay $0x2  }
0xc7: {  	s31 =	sshll.u32 s1, $0xD;
	s1 =	sshrl.u32 s1, $0x2  }
0xc8: {  	s4 =	sand.u32 $0x4000, s31;
	s1 =	sadd.s32 s1, s30  }
0xc9: {  	s0 =	sor.u32 s4, s0;
	s1 =	sshll.u32 s1, $0x11  }
0xca: {  	s0 =	sor.u32 s1, s0  }
0xcb: {  	s0 =	sadd.s32 $0x8F2B, s0  }
0xcc: {  	[sflag:s0] =	ssyncadd.remote.s32 $0x1  }
0xcd: {  	_ =	sfence.sel $0xFFFF  }
0xce: {  	[dreg:$0x0] =	wrdreg $0xFFFFFFFF;
	(pc) =	sbr.abs _section_cstart, $3  }
0xcf: {  	[dreg:$0x1] =	wrdreg $0xFFFFFFFF  }
0xd0: {  	_ =	task.clear_ibuf [dreg:s22], $0x2FFFF;
	_ =	strace $0x9FFFFFFF  }
0xd1: {  	(tm) =	ssettm $0x7FFFFFFF  }
tec
execute0_lowered:
.L_overlay_start_1:
0x0: {  	(tag) =	ssettag $0x1  }
0x1: {  	s4 =	rddreg [dreg:$0x0]  }
0x2: {  	s1 =	srdreg.scid;
	s0 =	stileid.u32  }
0x3: {  	s2 =	rddreg [dreg:$0x1];
	s3 =	simm.s32 $0x0;
	s11 =	simm.s32 $0x1C00  }
0x4: {  	s12 =	simm.s32 $0x1;
	s13 =	simm.s32 $0x5C00;
	s14 =	simm.s32 $0x2  }
0x5: {  	s15 =	simm.s32 $0x1880;
	s16 =	simm.s32 $0x0;
	s6 =	sand.u32 $0x1, s1  }
0x6: {  	s5 =	sshll.u32 s0, $0x1;
	s1 =	rddreg [dreg:$0x2];
	s30 =	smul.u32 $0x32000, s0  }
0x7: {  	[smem:$0x7FF] =	sst s3;
	s5 =	sor.u32 s6, s5;
	s31 =	smul.u32 $0x19000, s6  }
0x8: {  	s8 =	sadd.s32 $0x33DE00, s4;
	s9 =	ssub.s32 $0x2, s6;
	s7 =	smul.u32 $0x1C00, s5  }
0x9: {  	_ =	strace $0x8000004A;
	s10 =	sshrl.u32 s9, $0x1;
	s28 =	smul.u32 $0x19000, s5  }
0xa: {  	s29 =	ssub.s32 s9, s10;
	s9 =	simm.s32 $0x3;
	s7 =	sshrl.u32 s7, $0x3  }
0xb: {  	s10 =	simm.s32 $0x80;
	s5 =	smax.u32 s29, $0x1;
	s4 =	sadd.s32 s4, s7  }
0xc: {  	s7 =	sadd.s32 s8, s28;
	s8 =	sadd.s32 s30, s8;
	s4 =	sadd.s32 $0x8E00, s4  }
0xd: {  	s6 =	sadd.s32 $0x18000, s7;
	s7 =	sadd.s32 $0x18800, s7;
	s8 =	sadd.s32 s31, s8  }
.LBB2_1:
0xe: {  	[tilespmem:s3], [sflag:$0x3] =	stream.linear.gather [hbm4b:s4+s3], $0x1900, $0x38;
	[tilespmem:$0x9C00] =	vst v63  }
0xf: {  	_ =	swait.ge [sflag:s9], $0x1900  }
0x10: {  	[sflag:s9] =	ssyncset.done $0x0  }
0x11: {  	[sflag:s9] =	ssyncadd.s32 $0xFFFFE700  }
0x12: {  	[tilespmem:s11], [sflag:$0x1] =	stream.indirect.gather [hbm4b:s2+s10], $0x80, s3, s10, $0xb8;
	[tilespmem:$0x9C00] =	vst v63  }
0x13: {  	_ =	swait.ge [sflag:s12], $0x4000  }
0x14: {  	[sflag:s12] =	ssyncset.done $0x0  }
0x15: {  	s17 =	simm.s32 $0x80;
	[sflag:s12] =	ssyncadd.s32 $0xFFFFC000  }
0x16: {  	[tilespmem:s13], [sflag:$0x2] =	stream.indirect.gather [hbm4b:s2+s10], $0x80, s17, s10, $0xb8;
	[tilespmem:$0x9C00] =	vst v63  }
0x17: {  	s18 =	sadd.s32 $0x0, s8  }
0x18: {  	[hbm4b:s18+s3] =	stream.linear.scatter [tilespmem:s11], [sflag:$0x3], $0x4000, $0x38;
	[tilespmem:$0x9C00] =	vst v63  }
0x19: {  	_ =	swait.ge [sflag:s9], $0x4000  }
0x1a: {  	[sflag:s9] =	ssyncset.done $0x0  }
0x1b: {  	[sflag:s9] =	ssyncadd.s32 $0xFFFFC000  }
0x1c: {  	_ =	swait.ge [sflag:s14], $0x4000  }
0x1d: {  	[sflag:s14] =	ssyncset.done $0x0  }
0x1e: {  	s17 =	simm.s32 $0x100;
	[sflag:s14] =	ssyncadd.s32 $0xFFFFC000  }
0x1f: {  	[tilespmem:s11], [sflag:$0x1] =	stream.indirect.gather [hbm4b:s2+s10], $0x80, s17, s10, $0xb8;
	[tilespmem:$0x9C00] =	vst v63  }
0x20: {  	s18 =	sadd.s32 $0x800, s18  }
0x21: {  	[hbm4b:s18+s3] =	stream.linear.scatter [tilespmem:s13], [sflag:$0x3], $0x4000, $0x38;
	[tilespmem:$0x9C00] =	vst v63  }
0x22: {  	_ =	swait.ge [sflag:s9], $0x4000  }
0x23: {  	s18 =	simm.s32 $0x1000;
	[sflag:s9] =	ssyncset.done $0x0  }
.LBB2_2:
0x24: {  	p0 =	sne.s32 s18, $0x17000;
	[sflag:s9] =	ssyncadd.s32 $0xFFFFC000;
	s17 =	sadd.s32 $0x100, s17  }
0x25: {  	s19 =	smov.u32 s18;
	s18 =	sadd.s32 $0x1000, s18  }
0x26: {  	_ =	swait.ge [sflag:s12], $0x4000  }
0x27: {  	[sflag:s12] =	ssyncset.done $0x0  }
0x28: {  	s20 =	sadd.s32 $0xFFFFFF80, s17;
	[sflag:s12] =	ssyncadd.s32 $0xFFFFC000  }
0x29: {  	[tilespmem:s13], [sflag:$0x2] =	stream.indirect.gather [hbm4b:s2+s10], $0x80, s20, s10, $0xb8;
	[tilespmem:$0x9C00] =	vst v63  }
0x2a: {  	s19 =	sadd.s32 s19, s8  }
0x2b: {  	[hbm4b:s19+s3] =	stream.linear.scatter [tilespmem:s11], [sflag:$0x3], $0x4000, $0x38;
	[tilespmem:$0x9C00] =	vst v63  }
0x2c: {  	_ =	swait.ge [sflag:s9], $0x4000  }
0x2d: {  	[sflag:s9] =	ssyncset.done $0x0  }
0x2e: {  	[sflag:s9] =	ssyncadd.s32 $0xFFFFC000  }
0x2f: {  	_ =	swait.ge [sflag:s14], $0x4000  }
0x30: {  	[sflag:s14] =	ssyncset.done $0x0  }
0x31: {  	[sflag:s14] =	ssyncadd.s32 $0xFFFFC000  }
0x32: {  	[tilespmem:s11], [sflag:$0x1] =	stream.indirect.gather [hbm4b:s2+s10], $0x80, s17, s10, $0xb8;
	[tilespmem:$0x9C00] =	vst v63  }
.Ltmp0:
0x33: {  	_ = 	snop;
	(pc) =	sbr.rel @p0 .LBB2_2-.Ltmp0, $4  }
0x34: {  	s19 =	sadd.s32 $0x800, s19  }
0x35: {  	[hbm4b:s19+s3] =	stream.linear.scatter [tilespmem:s13], [sflag:$0x3], $0x4000, $0x38;
	[tilespmem:$0x9C00] =	vst v63  }
0x36: {  	_ =	swait.ge [sflag:s9], $0x4000  }
0x37: {  	[sflag:s9] =	ssyncset.done $0x0  }
0x38: {  	[sflag:s9] =	ssyncadd.s32 $0xFFFFC000  }
0x39: {  	_ =	swait.ge [sflag:s12], $0x4000  }
0x3a: {  	[sflag:s12] =	ssyncset.done $0x0  }
0x3b: {  	[sflag:s12] =	ssyncadd.s32 $0xFFFFC000  }
0x3c: {  	[tilespmem:s13], [sflag:$0x2] =	stream.indirect.gather [hbm4b:s2+s10], $0x80, s15, s10, $0xb8;
	[tilespmem:$0x9C00] =	vst v63  }
0x3d: {  	_ = 	snop  }
0x3e: {  	[hbm4b:s6+s3] =	stream.linear.scatter [tilespmem:s11], [sflag:$0x3], $0x4000, $0x38;
	[tilespmem:$0x9C00] =	vst v63  }
0x3f: {  	_ =	swait.ge [sflag:s9], $0x4000  }
0x40: {  	[sflag:s9] =	ssyncset.done $0x0  }
0x41: {  	[sflag:s9] =	ssyncadd.s32 $0xFFFFC000  }
0x42: {  	s16 =	sadd.s32 $0x1, s16;
	_ =	swait.ge [sflag:s14], $0x4000  }
0x43: {  	p0 =	sne.s32 s16, s5;
	[sflag:s14] =	ssyncset.done $0x0  }
.Ltmp1:
0x44: {  	[sflag:s14] =	ssyncadd.s32 $0xFFFFC000;
	(pc) =	sbr.rel @p0 .LBB2_1-.Ltmp1, $4  }
0x45: {  	[hbm4b:s7+s3] =	stream.linear.scatter [tilespmem:s13], [sflag:$0x3], $0x4000, $0x38;
	[tilespmem:$0x9C00] =	vst v63  }
0x46: {  	_ =	swait.ge [sflag:s9], $0x4000  }
0x47: {  	[sflag:s9] =	ssyncset.done $0x0  }
0x48: {  	[sflag:s9] =	ssyncadd.s32 $0xFFFFC000  }
0x49: {  	_ =	sfence.sel $0x180000  }
0x4a: {  	[bflag:$0x0] =	sbarrier.arrive $0xFFFF  }
0x4b: {  	p0 =	sne.s32 s0, $0x0;
	_ =	strace $0x9000004A  }
0x4c: {  	s0 =	sadd.s32 @!p0 $0x100000, s1;
	[bflag:$0x2] =	sbarrier.arrive $0xFFFF  }
0x4d: {  	[sflag:s0] =	ssyncadd.tile.s32 @!p0 $0x1;
	_ =	shalt  }
.Lfunc_end2:
_tile_overlayer_lowered:
.L_overlay_start_2:
0x4e: {  	(tag) =	ssettag $0x2  }
0x4f: {  	s0 =	rddreg [dreg:$0x0];
	s2 =	stileid.u32  }
0x50: {  	s1 =	rddreg [dreg:$0x1];
	p0 =	sne.s32 s2, $0x0  }
0x51: {  	s3 =	rddreg [dreg:$0x2];
	[bflag:$0x3] =	sbarrier.arrive $0xFFFF;
	s2 =	simm.s32 @!p0 $0x1C03  }
0x52: {  	[timem:s3], [sflag:s2] =	dma.local @!p0 [hbm:s0], s1  }
0x53: {  	s0 =	simm.s32 @!p0 $0x3  }
0x54: {  	_ =	swait.ge @!p0 [sflag:s0], s1  }
0x55: {  	s1 =	ssub.s32 @!p0 $0x0, s1;
	[sflag:s0] =	ssyncset.done @!p0 $0x0  }
0x56: {  	[sflag:s0] =	ssyncadd.s32 @!p0 s1  }
0x57: {  	[bflag:$0x3] =	sbarrier.arrive $0xFFFF  }
0x58: {  	_ =	shalt  }

// kernel: kernel.16.cloned.1.call-start
scs
__scs_entry_jumppad:
0x0: {  	(pc) =	sbr.rel $0x88, $3  }
0x1: {  	(tag) =	ssettag $0x0;
	lr =	simm.s32 $0x1  }
0x2: {  	[smem:$0x3F9A] =	sst lr;
	_ =	strace $0xD0000000  }
0x3: {  	_ = 	snop  }
0x4: {  	_ = 	snop  }
0x5: {  	_ = 	snop  }
0x6: {  	_ = 	snop  }
0x7: {  	_ = 	snop  }
__scs_overlays_trampoline_lowered:
0x8: {  	[smem:$0x3FA9] =	sst s0  }
0x9: {  	[smem:$0x3FAA] =	sst s1  }
0xa: {  	[smem:$0x3FAB] =	sst s2  }
0xb: {  	[smem:$0x3FAC] =	sst s3  }
0xc: {  	[smem:$0x3FAD] =	sst s4  }
0xd: {  	[smem:$0x3FAE] =	sst s5  }
0xe: {  	[smem:$0x3FAF] =	sst s6  }
0xf: {  	[smem:$0x3FB0] =	sst s7  }
0x10: {  	[smem:$0x3FB1] =	sst s8  }
0x11: {  	[smem:$0x3FB2] =	sst s9;
	s0 =	simm.s32 @!p0 $0x0  }
0x12: {  	s1 =	sld [smem:$0x3F98];
	s0 =	simm.s32 @p0 $0x1  }
0x13: {  	[smem:$0x3FB3] =	sst s0;
	s0 =	simm.s32 @!p1 $0x0  }
0x14: {  	s2 =	sld [smem:$0x3F97];
	s0 =	simm.s32 @p1 $0x1  }
0x15: {  	[smem:$0x3FB4] =	sst s0;
	s0 =	simm.s32 @!p2 $0x0  }
0x16: {  	s3 =	sld [smem:$0x3FDB];
	s0 =	simm.s32 @p2 $0x1  }
0x17: {  	s4 =	simm.s32 $0x1BF5;
	[smem:$0x3FB6] =	sst s0  }
0x18: {  	s0 =	sld [smem:$0x3F99];
	_ =	swait.ge [sflag:s4], $0x0  }
0x19: {  	s7 =	sld [smem:$0x3F9A]  }
0x1a: {  	s8 =	sadd.s32 $0xFFFFE003, lr  }
0x1b: {  	s9 =	sadd.s32 $0xFFFFFEF7, lr;
	s5 =	simm.s32 $0xFFFFFFFF;
	p2 =	slt.u32 s8, $0xFFFFF086  }
0x1c: {  	p1 =	slt.u32 s9, $0xF7A;
	s5 =	simm.s32 @!p2 $0x0  }
0x1d: {  	s5 =	simm.s32 @p1 $0x1;
	p0 =	seq.s32 s7, s2  }
0x1e: {  	s7 =	smul.u32 @!p0 $0xF7A, s2;
	p2 =	seq.s32 @!p0 s5, $0x0  }
0x1f: {  	s9 =	smul.u32 $0xF7A, s1;
	s8 =	simm.s32 @!p0 $0x1BF5;
	p2 =	por !p2, p0  }
0x20: {  	[sflag:s8] =	ssyncset.s32 @!p0 $0xFFFFF086;
	s6 =	sadd.s32 @!p0 s3, s7;
	s7 =	simm.s32 @!p0 $0x108  }
0x21: {  	s3 =	sadd.s32 s3, s9;
	s6 =	sadd.s32 @!p0 $0x88, s6;
	s7 =	simm.s32 @p2 $0x1082  }
0x22: {  	[simem:s7], [sflag:s8] =	dma.local @!p0 [hbm:s6], $0xF7A  }
0x23: {  	s9 =	sor.u32 $0xD0000000, s2;
	s6 =	simm.s32 $0x108;
	_ =	swait.ge @!p0 [sflag:s8], $0x0  }
0x24: {  	s3 =	sadd.s32 $0x88, s3;
	s6 =	simm.s32 @!p1 $0x1082;
	[sflag:s4] =	ssyncset.s32 $0xFFFFF086  }
0x25: {  	[simem:s6], [sflag:s4] =	dma.local [hbm:s3], $0xF7A  }
0x26: {  	[smem:$0x3F9A] =	sst s1;
	(tag) =	ssettag s2;
	_ =	strace s9  }
0x27: {  	s1 =	sld [smem:$0x3FAA]  }
0x28: {  	s2 =	sld [smem:$0x3FAB]  }
0x29: {  	s4 =	sld [smem:$0x3FAD]  }
0x2a: {  	p0 =	seq.s32 s5, $0x0;
	s5 =	sld [smem:$0x3FAE]  }
0x2b: {  	s6 =	sld [smem:$0x3FAF]  }
0x2c: {  	s7 =	sld [smem:$0x3FB0]  }
0x2d: {  	s3 =	simm.s32 $0x108;
	s8 =	sld [smem:$0x3FB1]  }
0x2e: {  	s3 =	simm.s32 @!p0 $0x1082;
	s9 =	sld [smem:$0x3FB2]  }
0x2f: {  	lr =	sadd.s32 s0, s3;
	s0 =	sld [smem:$0x3FA9]  }
0x30: {  	s3 =	sld [smem:$0x3FAC]  }
0x31: {  	[smem:$0x3FB5] =	sst s10  }
0x32: {  	s10 =	sld [smem:$0x3FB3];
	_ =	sdelay $0x3  }
0x33: {  	p0 =	seq.s32 s10, $0x1;
	s10 =	sld [smem:$0x3FB5];
	_ =	sdelay $0x3  }
0x34: {  	[smem:$0x3FB5] =	sst s10  }
0x35: {  	s10 =	sld [smem:$0x3FB4];
	_ =	sdelay $0x3  }
0x36: {  	p1 =	seq.s32 s10, $0x1;
	s10 =	sld [smem:$0x3FB5];
	_ =	sdelay $0x3  }
0x37: {  	[smem:$0x3FB5] =	sst s10  }
0x38: {  	s10 =	sld [smem:$0x3FB6]  }
0x39: {  	_ = 	snop;
	(pc) =	sbr.ind lr, $3  }
0x3a: {  	_ = 	snop  }
0x3b: {  	_ = 	snop  }
0x3c: {  	p2 =	seq.s32 s10, $0x1;
	s10 =	sld [smem:$0x3FB5]  }
0x3d: {  	_ =	shalt  }
0x3e: {  	_ =	shalt  }
0x3f: {  	_ =	shalt  }
0x40: {  	_ =	shalt  }
0x41: {  	_ =	shalt  }
0x42: {  	_ =	shalt  }
0x43: {  	_ =	shalt  }
0x44: {  	_ =	shalt  }
0x45: {  	_ =	shalt  }
0x46: {  	_ =	shalt  }
0x47: {  	_ =	shalt  }
0x48: {  	_ =	shalt  }
0x49: {  	_ =	shalt  }
0x4a: {  	_ =	shalt  }
0x4b: {  	_ =	shalt  }
0x4c: {  	_ =	shalt  }
0x4d: {  	_ =	shalt  }
0x4e: {  	_ =	shalt  }
0x4f: {  	_ =	shalt  }
0x50: {  	_ =	shalt  }
0x51: {  	_ =	shalt  }
0x52: {  	_ =	shalt  }
0x53: {  	_ =	shalt  }
0x54: {  	_ =	shalt  }
0x55: {  	_ =	shalt  }
0x56: {  	_ =	shalt  }
0x57: {  	_ =	shalt  }
0x58: {  	_ =	shalt  }
0x59: {  	_ =	shalt  }
0x5a: {  	_ =	shalt  }
0x5b: {  	_ =	shalt  }
0x5c: {  	_ =	shalt  }
0x5d: {  	_ =	shalt  }
0x5e: {  	_ =	shalt  }
0x5f: {  	_ =	shalt  }
0x60: {  	_ =	shalt  }
0x61: {  	_ =	shalt  }
0x62: {  	_ =	shalt  }
0x63: {  	_ =	shalt  }
0x64: {  	_ =	shalt  }
0x65: {  	_ =	shalt  }
0x66: {  	_ =	shalt  }
0x67: {  	_ =	shalt  }
0x68: {  	_ =	shalt  }
0x69: {  	_ =	shalt  }
0x6a: {  	_ =	shalt  }
0x6b: {  	_ =	shalt  }
0x6c: {  	_ =	shalt  }
0x6d: {  	_ =	shalt  }
0x6e: {  	_ =	shalt  }
0x6f: {  	_ =	shalt  }
0x70: {  	_ =	shalt  }
0x71: {  	_ =	shalt  }
0x72: {  	_ =	shalt  }
0x73: {  	_ =	shalt  }
0x74: {  	_ =	shalt  }
0x75: {  	_ =	shalt  }
0x76: {  	_ =	shalt  }
0x77: {  	_ =	shalt  }
0x78: {  	_ =	shalt  }
0x79: {  	_ =	shalt  }
0x7a: {  	_ =	shalt  }
0x7b: {  	_ =	shalt  }
0x7c: {  	_ =	shalt  }
0x7d: {  	_ =	shalt  }
0x7e: {  	_ =	shalt  }
0x7f: {  	_ =	shalt  }
0x80: {  	_ =	shalt  }
0x81: {  	_ =	shalt  }
0x82: {  	_ =	shalt  }
0x83: {  	_ =	shalt  }
0x84: {  	_ =	shalt  }
0x85: {  	_ =	shalt  }
0x86: {  	_ =	shalt  }
0x87: {  	_ =	shalt  }
.Lfunc_end0:
.L_simem_size_0:
called_computation.2_lowered:
.L_overlay_start_0:
0x88: {  	s2 =	sld [smem:$0x3FD9]  }
0x89: {  	s3 =	sld [smem:$0x3FFE];
	_ =	sdelay $0x1  }
0x8a: {  	s1 =	srdreg.scid  }
0x8b: {  	s0 =	sand.u32 $0x1, s1  }
0x8c: {  	s17 =	sshll.u32 s0, $0xA;
	s2 =	sadd.s32 s3, s2  }
0x8d: {  	s2 =	sadd.s32 s2, s17  }
0x8e: {  	[smem:$0x3FC1] =	sst s2  }
0x8f: {  	_ = 	snop  }
0x90: {  	s18 =	sld [smem:$0x3FC7];
	(tm) =	ssettm $0x1  }
0x91: {  	s19 =	sld [smem:$0x3FFB];
	_ =	sdelay $0x3  }
0x92: {  	_ =	strace s19  }
0x93: {  	s2 =	sld [smem:$0x3FFC];
	_ =	sdelay $0x3  }
0x94: {  	_ =	strace s2  }
0x95: {  	s2 =	sld [smem:$0x3FFD];
	_ =	sdelay $0x3  }
0x96: {  	_ =	strace s2  }
0x97: {  	_ =	strace $0x8FFFFFFF  }
0x98: {  	s20 =	sld [smem:$0x3FDB];
	_ =	sdelay $0x1  }
0x99: {  	s4 =	simm.s32 $_scs_section_size  }
0x9a: {  	s5 =	simm.s32 $_size__tile_overlayer_lowered;
	s6 =	simm.s32 $_tile_overlayer_lowered  }
0x9b: {  	s7 =	simm.s32 $0x1BFF;
	s21 =	sshll.u32 s6, $0x1;
	s4 =	sadd.s32 s4, s20  }
0x9c: {  	s22 =	simm.s32 $0x0;
	s5 =	sshll.u32 s5, $0x1;
	s6 =	sadd.s32 s21, s4  }
0x9d: {  	[timem:s22], [sflag:s7] =	dma.local [hbm:s6], s5  }
0x9e: {  	_ =	swait.ge [sflag:s7], s5  }
0x9f: {  	s5 =	ssub.s32 $0x0, s5;
	[sflag:s7] =	ssyncset.done $0x0  }
0xa0: {  	[sflag:s7] =	ssyncadd.s32 s5;
	_ =	sdelay $0x1  }
0xa1: {  	s23 =	simm.s32 $0x1B8B  }
0xa2: {  	_ =	swait.ge [sflag:s23], $0x1  }
0xa3: {  	[sflag:s23] =	ssyncset.done $0x0  }
0xa4: {  	[sflag:s23] =	ssyncadd.s32 $0xFFFFFFFF  }
0xa5: {  	s5 =	sld [smem:$0x0]  }
0xa6: {  	s6 =	sand.u32 $0xFFFFFFFE, s1  }
0xa7: {  	p0 =	sne.s32 s1, s6  }
0xa8: {  	s6 =	sshll.u32 @p0 s6, $0xE  }
0xa9: {  	s6 =	sadd.s32 @p0 $0x11B8D, s6;
	s7 =	sshll.u32 @p0 s5, $0x11  }
0xaa: {  	s6 =	sor.u32 @p0 s7, s6  }
0xab: {  	[sflag:s6] =	ssyncadd.remote.s32 @p0 $0x1;
	_ =	sdelay $0x1  }
0xac: {  	s6 =	simm.s32 @p0 $0x1B8D  }
0xad: {  	_ =	swait.eq @p0 [sflag:s6], $0x1  }
0xae: {  	[sflag:s6] =	ssyncadd.s32 @p0 $0xFFFFFFFF  }
0xaf: {  	s7 =	sshll.u32 @!p0 s1, $0xE  }
0xb0: {  	s7 =	sor.u32 @!p0 $0x4000, s7;
	s6 =	simm.s32 @!p0 $0x1B8D  }
0xb1: {  	s5 =	sshll.u32 @!p0 s5, $0x11;
	s7 =	sadd.s32 @!p0 $0x11B8D, s7;
	_ =	swait.eq @!p0 [sflag:s6], $0x1  }
0xb2: {  	s5 =	sor.u32 @!p0 s5, s7;
	[sflag:s6] =	ssyncadd.s32 @!p0 $0xFFFFFFFF  }
0xb3: {  	s25 =	simm.s32 $0x1B8E;
	s24 =	sld [smem:$0x3FFE];
	[sflag:s5] =	ssyncadd.remote.s32 @!p0 $0x1  }
0xb4: {  	s26 =	simm.s32 $execute0_lowered;
	[smem:$0x3FD2] =	sst s25  }
0xb5: {  	s6 =	sshll.u32 s26, $0x1;
	_ =	strace $0x8000004C;
	[dreg:$0x1] =	wrdreg $0xFFFFFFFF  }
0xb6: {  	s28 =	simm.s32 $_size_execute0_lowered;
	s4 =	sadd.s32 s4, s6;
	[dreg:$0x0] =	wrdreg $0x0  }
0xb7: {  	s6 =	sshll.u32 s28, $0x1;
	[dreg:$0x2] =	wrdreg s4  }
0xb8: {  	[dreg:$0x3] =	wrdreg s6  }
0xb9: {  	[dreg:$0x4] =	wrdreg $0xC0  }
0xba: {  	_ =	task [dreg:s22], $0x5FFFF  }
0xbb: {  	[dreg:$0x1] =	wrdreg $0xFFFFFFFF  }
0xbc: {  	[dreg:$0x0] =	wrdreg $0x60  }
0xbd: {  	[dreg:$0x2] =	wrdreg s24  }
0xbe: {  	[dreg:$0x3] =	wrdreg s18  }
0xbf: {  	[dreg:$0x4] =	wrdreg $0xB  }
0xc0: {  	_ =	task.clear_ibuf [dreg:s22], $0x5FFFF;
	_ =	strace $0x9000004C  }
0xc1: {  	s29 =	simm.s32 $0xB;
	_ =	strace $0x8000004E  }
0xc2: {  	_ =	swait.ge [sflag:s29], $0x1  }
0xc3: {  	[sflag:s29] =	ssyncadd.s32 $0xFFFFFFFF  }
0xc4: {  	_ =	strace $0x9000004E  }
0xc5: {  	_ =	sfence  }
0xc6: {  	s30 =	sld [smem:$0x0];
	_ =	sdelay $0x2  }
0xc7: {  	s31 =	sshll.u32 s1, $0xD;
	s1 =	sshrl.u32 s1, $0x2  }
0xc8: {  	s4 =	sand.u32 $0x4000, s31;
	s1 =	sadd.s32 s1, s30  }
0xc9: {  	s0 =	sor.u32 s4, s0;
	s1 =	sshll.u32 s1, $0x11  }
0xca: {  	s0 =	sor.u32 s1, s0  }
0xcb: {  	s0 =	sadd.s32 $0x8F2B, s0  }
0xcc: {  	[sflag:s0] =	ssyncadd.remote.s32 $0x1  }
0xcd: {  	_ =	sfence.sel $0xFFFF  }
0xce: {  	[dreg:$0x0] =	wrdreg $0xFFFFFFFF;
	(pc) =	sbr.abs _section_cstart, $3  }
0xcf: {  	[dreg:$0x1] =	wrdreg $0xFFFFFFFF  }
0xd0: {  	_ =	task.clear_ibuf [dreg:s22], $0x2FFFF;
	_ =	strace $0x9FFFFFFF  }
0xd1: {  	(tm) =	ssettm $0x7FFFFFFF  }
tec
execute0_lowered:
.L_overlay_start_1:
0x0: {  	(tag) =	ssettag $0x1  }
0x1: {  	s4 =	rddreg [dreg:$0x0]  }
0x2: {  	s1 =	srdreg.scid;
	s0 =	stileid.u32  }
0x3: {  	s2 =	rddreg [dreg:$0x1];
	s3 =	simm.s32 $0x0;
	s11 =	simm.s32 $0x1C00  }
0x4: {  	s12 =	simm.s32 $0x1;
	s13 =	simm.s32 $0x5C00;
	s14 =	simm.s32 $0x2  }
0x5: {  	s15 =	simm.s32 $0x1880;
	s16 =	simm.s32 $0x0;
	s6 =	sand.u32 $0x1, s1  }
0x6: {  	s5 =	sshll.u32 s0, $0x1;
	s1 =	rddreg [dreg:$0x2];
	s30 =	smul.u32 $0x32000, s0  }
0x7: {  	[smem:$0x7FF] =	sst s3;
	s5 =	sor.u32 s6, s5;
	s31 =	smul.u32 $0x19000, s6  }
0x8: {  	s8 =	sadd.s32 $0x65DE00, s4;
	s9 =	ssub.s32 $0x2, s6;
	s7 =	smul.u32 $0x1C00, s5  }
0x9: {  	_ =	strace $0x8000004D;
	s10 =	sshrl.u32 s9, $0x1;
	s28 =	smul.u32 $0x19000, s5  }
0xa: {  	s29 =	ssub.s32 s9, s10;
	s9 =	simm.s32 $0x3;
	s7 =	sshrl.u32 s7, $0x3  }
0xb: {  	s10 =	simm.s32 $0x80;
	s5 =	smax.u32 s29, $0x1;
	s4 =	sadd.s32 s4, s7  }
0xc: {  	s7 =	sadd.s32 s8, s28;
	s8 =	sadd.s32 s30, s8;
	s4 =	sadd.s32 $0xFE00, s4  }
0xd: {  	s6 =	sadd.s32 $0x18000, s7;
	s7 =	sadd.s32 $0x18800, s7;
	s8 =	sadd.s32 s31, s8  }
.LBB2_1:
0xe: {  	[tilespmem:s3], [sflag:$0x3] =	stream.linear.gather [hbm4b:s4+s3], $0x1900, $0x38;
	[tilespmem:$0x9C00] =	vst v63  }
0xf: {  	_ =	swait.ge [sflag:s9], $0x1900  }
0x10: {  	[sflag:s9] =	ssyncset.done $0x0  }
0x11: {  	[sflag:s9] =	ssyncadd.s32 $0xFFFFE700  }
0x12: {  	[tilespmem:s11], [sflag:$0x1] =	stream.indirect.gather [hbm4b:s2+s10], $0x80, s3, s10, $0xb8;
	[tilespmem:$0x9C00] =	vst v63  }
0x13: {  	_ =	swait.ge [sflag:s12], $0x4000  }
0x14: {  	[sflag:s12] =	ssyncset.done $0x0  }
0x15: {  	s17 =	simm.s32 $0x80;
	[sflag:s12] =	ssyncadd.s32 $0xFFFFC000  }
0x16: {  	[tilespmem:s13], [sflag:$0x2] =	stream.indirect.gather [hbm4b:s2+s10], $0x80, s17, s10, $0xb8;
	[tilespmem:$0x9C00] =	vst v63  }
0x17: {  	s18 =	sadd.s32 $0x0, s8  }
0x18: {  	[hbm4b:s18+s3] =	stream.linear.scatter [tilespmem:s11], [sflag:$0x3], $0x4000, $0x38;
	[tilespmem:$0x9C00] =	vst v63  }
0x19: {  	_ =	swait.ge [sflag:s9], $0x4000  }
0x1a: {  	[sflag:s9] =	ssyncset.done $0x0  }
0x1b: {  	[sflag:s9] =	ssyncadd.s32 $0xFFFFC000  }
0x1c: {  	_ =	swait.ge [sflag:s14], $0x4000  }
0x1d: {  	[sflag:s14] =	ssyncset.done $0x0  }
0x1e: {  	s17 =	simm.s32 $0x100;
	[sflag:s14] =	ssyncadd.s32 $0xFFFFC000  }
0x1f: {  	[tilespmem:s11], [sflag:$0x1] =	stream.indirect.gather [hbm4b:s2+s10], $0x80, s17, s10, $0xb8;
	[tilespmem:$0x9C00] =	vst v63  }
0x20: {  	s18 =	sadd.s32 $0x800, s18  }
0x21: {  	[hbm4b:s18+s3] =	stream.linear.scatter [tilespmem:s13], [sflag:$0x3], $0x4000, $0x38;
	[tilespmem:$0x9C00] =	vst v63  }
0x22: {  	_ =	swait.ge [sflag:s9], $0x4000  }
0x23: {  	s18 =	simm.s32 $0x1000;
	[sflag:s9] =	ssyncset.done $0x0  }
.LBB2_2:
0x24: {  	p0 =	sne.s32 s18, $0x17000;
	[sflag:s9] =	ssyncadd.s32 $0xFFFFC000;
	s17 =	sadd.s32 $0x100, s17  }
0x25: {  	s19 =	smov.u32 s18;
	s18 =	sadd.s32 $0x1000, s18  }
0x26: {  	_ =	swait.ge [sflag:s12], $0x4000  }
0x27: {  	[sflag:s12] =	ssyncset.done $0x0  }
0x28: {  	s20 =	sadd.s32 $0xFFFFFF80, s17;
	[sflag:s12] =	ssyncadd.s32 $0xFFFFC000  }
0x29: {  	[tilespmem:s13], [sflag:$0x2] =	stream.indirect.gather [hbm4b:s2+s10], $0x80, s20, s10, $0xb8;
	[tilespmem:$0x9C00] =	vst v63  }
0x2a: {  	s19 =	sadd.s32 s19, s8  }
0x2b: {  	[hbm4b:s19+s3] =	stream.linear.scatter [tilespmem:s11], [sflag:$0x3], $0x4000, $0x38;
	[tilespmem:$0x9C00] =	vst v63  }
0x2c: {  	_ =	swait.ge [sflag:s9], $0x4000  }
0x2d: {  	[sflag:s9] =	ssyncset.done $0x0  }
0x2e: {  	[sflag:s9] =	ssyncadd.s32 $0xFFFFC000  }
0x2f: {  	_ =	swait.ge [sflag:s14], $0x4000  }
0x30: {  	[sflag:s14] =	ssyncset.done $0x0  }
0x31: {  	[sflag:s14] =	ssyncadd.s32 $0xFFFFC000  }
0x32: {  	[tilespmem:s11], [sflag:$0x1] =	stream.indirect.gather [hbm4b:s2+s10], $0x80, s17, s10, $0xb8;
	[tilespmem:$0x9C00] =	vst v63  }
.Ltmp0:
0x33: {  	_ = 	snop;
	(pc) =	sbr.rel @p0 .LBB2_2-.Ltmp0, $4  }
0x34: {  	s19 =	sadd.s32 $0x800, s19  }
0x35: {  	[hbm4b:s19+s3] =	stream.linear.scatter [tilespmem:s13], [sflag:$0x3], $0x4000, $0x38;
	[tilespmem:$0x9C00] =	vst v63  }
0x36: {  	_ =	swait.ge [sflag:s9], $0x4000  }
0x37: {  	[sflag:s9] =	ssyncset.done $0x0  }
0x38: {  	[sflag:s9] =	ssyncadd.s32 $0xFFFFC000  }
0x39: {  	_ =	swait.ge [sflag:s12], $0x4000  }
0x3a: {  	[sflag:s12] =	ssyncset.done $0x0  }
0x3b: {  	[sflag:s12] =	ssyncadd.s32 $0xFFFFC000  }
0x3c: {  	[tilespmem:s13], [sflag:$0x2] =	stream.indirect.gather [hbm4b:s2+s10], $0x80, s15, s10, $0xb8;
	[tilespmem:$0x9C00] =	vst v63  }
0x3d: {  	_ = 	snop  }
0x3e: {  	[hbm4b:s6+s3] =	stream.linear.scatter [tilespmem:s11], [sflag:$0x3], $0x4000, $0x38;
	[tilespmem:$0x9C00] =	vst v63  }
0x3f: {  	_ =	swait.ge [sflag:s9], $0x4000  }
0x40: {  	[sflag:s9] =	ssyncset.done $0x0  }
0x41: {  	[sflag:s9] =	ssyncadd.s32 $0xFFFFC000  }
0x42: {  	s16 =	sadd.s32 $0x1, s16;
	_ =	swait.ge [sflag:s14], $0x4000  }
0x43: {  	p0 =	sne.s32 s16, s5;
	[sflag:s14] =	ssyncset.done $0x0  }
.Ltmp1:
0x44: {  	[sflag:s14] =	ssyncadd.s32 $0xFFFFC000;
	(pc) =	sbr.rel @p0 .LBB2_1-.Ltmp1, $4  }
0x45: {  	[hbm4b:s7+s3] =	stream.linear.scatter [tilespmem:s13], [sflag:$0x3], $0x4000, $0x38;
	[tilespmem:$0x9C00] =	vst v63  }
0x46: {  	_ =	swait.ge [sflag:s9], $0x4000  }
0x47: {  	[sflag:s9] =	ssyncset.done $0x0  }
0x48: {  	[sflag:s9] =	ssyncadd.s32 $0xFFFFC000  }
0x49: {  	_ =	sfence.sel $0x180000  }
0x4a: {  	[bflag:$0x0] =	sbarrier.arrive $0xFFFF  }
0x4b: {  	p0 =	sne.s32 s0, $0x0;
	_ =	strace $0x9000004D  }
0x4c: {  	s0 =	sadd.s32 @!p0 $0x100000, s1;
	[bflag:$0x2] =	sbarrier.arrive $0xFFFF  }
0x4d: {  	[sflag:s0] =	ssyncadd.tile.s32 @!p0 $0x1;
	_ =	shalt  }
.Lfunc_end2:
_tile_overlayer_lowered:
.L_overlay_start_2:
0x4e: {  	(tag) =	ssettag $0x2  }
0x4f: {  	s0 =	rddreg [dreg:$0x0];
	s2 =	stileid.u32  }
0x50: {  	s1 =	rddreg [dreg:$0x1];
	p0 =	sne.s32 s2, $0x0  }
0x51: {  	s3 =	rddreg [dreg:$0x2];
	[bflag:$0x3] =	sbarrier.arrive $0xFFFF;
	s2 =	simm.s32 @!p0 $0x1C03  }
0x52: {  	[timem:s3], [sflag:s2] =	dma.local @!p0 [hbm:s0], s1  }
0x53: {  	s0 =	simm.s32 @!p0 $0x3  }
0x54: {  	_ =	swait.ge @!p0 [sflag:s0], s1  }
0x55: {  	s1 =	ssub.s32 @!p0 $0x0, s1;
	[sflag:s0] =	ssyncset.done @!p0 $0x0  }
0x56: {  	[sflag:s0] =	ssyncadd.s32 @!p0 s1  }
0x57: {  	[bflag:$0x3] =	sbarrier.arrive $0xFFFF  }
0x58: {  	_ =	shalt  }

// kernel: kernel.19.cloned.1.call-start
scs
__scs_entry_jumppad:
0x0: {  	(pc) =	sbr.rel $0x88, $3  }
0x1: {  	(tag) =	ssettag $0x0;
	lr =	simm.s32 $0x1  }
0x2: {  	[smem:$0x3F9A] =	sst lr;
	_ =	strace $0xD0000000  }
0x3: {  	_ = 	snop  }
0x4: {  	_ = 	snop  }
0x5: {  	_ = 	snop  }
0x6: {  	_ = 	snop  }
0x7: {  	_ = 	snop  }
__scs_overlays_trampoline_lowered:
0x8: {  	[smem:$0x3FA9] =	sst s0  }
0x9: {  	[smem:$0x3FAA] =	sst s1  }
0xa: {  	[smem:$0x3FAB] =	sst s2  }
0xb: {  	[smem:$0x3FAC] =	sst s3  }
0xc: {  	[smem:$0x3FAD] =	sst s4  }
0xd: {  	[smem:$0x3FAE] =	sst s5  }
0xe: {  	[smem:$0x3FAF] =	sst s6  }
0xf: {  	[smem:$0x3FB0] =	sst s7  }
0x10: {  	[smem:$0x3FB1] =	sst s8  }
0x11: {  	[smem:$0x3FB2] =	sst s9;
	s0 =	simm.s32 @!p0 $0x0  }
0x12: {  	s1 =	sld [smem:$0x3F98];
	s0 =	simm.s32 @p0 $0x1  }
0x13: {  	[smem:$0x3FB3] =	sst s0;
	s0 =	simm.s32 @!p1 $0x0  }
0x14: {  	s2 =	sld [smem:$0x3F97];
	s0 =	simm.s32 @p1 $0x1  }
0x15: {  	[smem:$0x3FB4] =	sst s0;
	s0 =	simm.s32 @!p2 $0x0  }
0x16: {  	s3 =	sld [smem:$0x3FDB];
	s0 =	simm.s32 @p2 $0x1  }
0x17: {  	s4 =	simm.s32 $0x1BF5;
	[smem:$0x3FB6] =	sst s0  }
0x18: {  	s0 =	sld [smem:$0x3F99];
	_ =	swait.ge [sflag:s4], $0x0  }
0x19: {  	s7 =	sld [smem:$0x3F9A]  }
0x1a: {  	s8 =	sadd.s32 $0xFFFFE003, lr  }
0x1b: {  	s9 =	sadd.s32 $0xFFFFFEF7, lr;
	s5 =	simm.s32 $0xFFFFFFFF;
	p2 =	slt.u32 s8, $0xFFFFF086  }
0x1c: {  	p1 =	slt.u32 s9, $0xF7A;
	s5 =	simm.s32 @!p2 $0x0  }
0x1d: {  	s5 =	simm.s32 @p1 $0x1;
	p0 =	seq.s32 s7, s2  }
0x1e: {  	s7 =	smul.u32 @!p0 $0xF7A, s2;
	p2 =	seq.s32 @!p0 s5, $0x0  }
0x1f: {  	s9 =	smul.u32 $0xF7A, s1;
	s8 =	simm.s32 @!p0 $0x1BF5;
	p2 =	por !p2, p0  }
0x20: {  	[sflag:s8] =	ssyncset.s32 @!p0 $0xFFFFF086;
	s6 =	sadd.s32 @!p0 s3, s7;
	s7 =	simm.s32 @!p0 $0x108  }
0x21: {  	s3 =	sadd.s32 s3, s9;
	s6 =	sadd.s32 @!p0 $0x88, s6;
	s7 =	simm.s32 @p2 $0x1082  }
0x22: {  	[simem:s7], [sflag:s8] =	dma.local @!p0 [hbm:s6], $0xF7A  }
0x23: {  	s9 =	sor.u32 $0xD0000000, s2;
	s6 =	simm.s32 $0x108;
	_ =	swait.ge @!p0 [sflag:s8], $0x0  }
0x24: {  	s3 =	sadd.s32 $0x88, s3;
	s6 =	simm.s32 @!p1 $0x1082;
	[sflag:s4] =	ssyncset.s32 $0xFFFFF086  }
0x25: {  	[simem:s6], [sflag:s4] =	dma.local [hbm:s3], $0xF7A  }
0x26: {  	[smem:$0x3F9A] =	sst s1;
	(tag) =	ssettag s2;
	_ =	strace s9  }
0x27: {  	s1 =	sld [smem:$0x3FAA]  }
0x28: {  	s2 =	sld [smem:$0x3FAB]  }
0x29: {  	s4 =	sld [smem:$0x3FAD]  }
0x2a: {  	p0 =	seq.s32 s5, $0x0;
	s5 =	sld [smem:$0x3FAE]  }
0x2b: {  	s6 =	sld [smem:$0x3FAF]  }
0x2c: {  	s7 =	sld [smem:$0x3FB0]  }
0x2d: {  	s3 =	simm.s32 $0x108;
	s8 =	sld [smem:$0x3FB1]  }
0x2e: {  	s3 =	simm.s32 @!p0 $0x1082;
	s9 =	sld [smem:$0x3FB2]  }
0x2f: {  	lr =	sadd.s32 s0, s3;
	s0 =	sld [smem:$0x3FA9]  }
0x30: {  	s3 =	sld [smem:$0x3FAC]  }
0x31: {  	[smem:$0x3FB5] =	sst s10  }
0x32: {  	s10 =	sld [smem:$0x3FB3];
	_ =	sdelay $0x3  }
0x33: {  	p0 =	seq.s32 s10, $0x1;
	s10 =	sld [smem:$0x3FB5];
	_ =	sdelay $0x3  }
0x34: {  	[smem:$0x3FB5] =	sst s10  }
0x35: {  	s10 =	sld [smem:$0x3FB4];
	_ =	sdelay $0x3  }
0x36: {  	p1 =	seq.s32 s10, $0x1;
	s10 =	sld [smem:$0x3FB5];
	_ =	sdelay $0x3  }
0x37: {  	[smem:$0x3FB5] =	sst s10  }
0x38: {  	s10 =	sld [smem:$0x3FB6]  }
0x39: {  	_ = 	snop;
	(pc) =	sbr.ind lr, $3  }
0x3a: {  	_ = 	snop  }
0x3b: {  	_ = 	snop  }
0x3c: {  	p2 =	seq.s32 s10, $0x1;
	s10 =	sld [smem:$0x3FB5]  }
0x3d: {  	_ =	shalt  }
0x3e: {  	_ =	shalt  }
0x3f: {  	_ =	shalt  }
0x40: {  	_ =	shalt  }
0x41: {  	_ =	shalt  }
0x42: {  	_ =	shalt  }
0x43: {  	_ =	shalt  }
0x44: {  	_ =	shalt  }
0x45: {  	_ =	shalt  }
0x46: {  	_ =	shalt  }
0x47: {  	_ =	shalt  }
0x48: {  	_ =	shalt  }
0x49: {  	_ =	shalt  }
0x4a: {  	_ =	shalt  }
0x4b: {  	_ =	shalt  }
0x4c: {  	_ =	shalt  }
0x4d: {  	_ =	shalt  }
0x4e: {  	_ =	shalt  }
0x4f: {  	_ =	shalt  }
0x50: {  	_ =	shalt  }
0x51: {  	_ =	shalt  }
0x52: {  	_ =	shalt  }
0x53: {  	_ =	shalt  }
0x54: {  	_ =	shalt  }
0x55: {  	_ =	shalt  }
0x56: {  	_ =	shalt  }
0x57: {  	_ =	shalt  }
0x58: {  	_ =	shalt  }
0x59: {  	_ =	shalt  }
0x5a: {  	_ =	shalt  }
0x5b: {  	_ =	shalt  }
0x5c: {  	_ =	shalt  }
0x5d: {  	_ =	shalt  }
0x5e: {  	_ =	shalt  }
0x5f: {  	_ =	shalt  }
0x60: {  	_ =	shalt  }
0x61: {  	_ =	shalt  }
0x62: {  	_ =	shalt  }
0x63: {  	_ =	shalt  }
0x64: {  	_ =	shalt  }
0x65: {  	_ =	shalt  }
0x66: {  	_ =	shalt  }
0x67: {  	_ =	shalt  }
0x68: {  	_ =	shalt  }
0x69: {  	_ =	shalt  }
0x6a: {  	_ =	shalt  }
0x6b: {  	_ =	shalt  }
0x6c: {  	_ =	shalt  }
0x6d: {  	_ =	shalt  }
0x6e: {  	_ =	shalt  }
0x6f: {  	_ =	shalt  }
0x70: {  	_ =	shalt  }
0x71: {  	_ =	shalt  }
0x72: {  	_ =	shalt  }
0x73: {  	_ =	shalt  }
0x74: {  	_ =	shalt  }
0x75: {  	_ =	shalt  }
0x76: {  	_ =	shalt  }
0x77: {  	_ =	shalt  }
0x78: {  	_ =	shalt  }
0x79: {  	_ =	shalt  }
0x7a: {  	_ =	shalt  }
0x7b: {  	_ =	shalt  }
0x7c: {  	_ =	shalt  }
0x7d: {  	_ =	shalt  }
0x7e: {  	_ =	shalt  }
0x7f: {  	_ =	shalt  }
0x80: {  	_ =	shalt  }
0x81: {  	_ =	shalt  }
0x82: {  	_ =	shalt  }
0x83: {  	_ =	shalt  }
0x84: {  	_ =	shalt  }
0x85: {  	_ =	shalt  }
0x86: {  	_ =	shalt  }
0x87: {  	_ =	shalt  }
.Lfunc_end0:
.L_simem_size_0:
called_computation.3_lowered:
.L_overlay_start_0:
0x88: {  	s2 =	sld [smem:$0x3FD9]  }
0x89: {  	s3 =	sld [smem:$0x3FFE];
	_ =	sdelay $0x1  }
0x8a: {  	s1 =	srdreg.scid  }
0x8b: {  	s0 =	sand.u32 $0x1, s1  }
0x8c: {  	s17 =	sshll.u32 s0, $0xA;
	s2 =	sadd.s32 s3, s2  }
0x8d: {  	s2 =	sadd.s32 s2, s17  }
0x8e: {  	[smem:$0x3FC1] =	sst s2  }
0x8f: {  	_ = 	snop  }
0x90: {  	s18 =	sld [smem:$0x3FC7];
	(tm) =	ssettm $0x1  }
0x91: {  	s19 =	sld [smem:$0x3FFB];
	_ =	sdelay $0x3  }
0x92: {  	_ =	strace s19  }
0x93: {  	s2 =	sld [smem:$0x3FFC];
	_ =	sdelay $0x3  }
0x94: {  	_ =	strace s2  }
0x95: {  	s2 =	sld [smem:$0x3FFD];
	_ =	sdelay $0x3  }
0x96: {  	_ =	strace s2  }
0x97: {  	_ =	strace $0x8FFFFFFF  }
0x98: {  	s20 =	sld [smem:$0x3FDB];
	_ =	sdelay $0x1  }
0x99: {  	s4 =	simm.s32 $_scs_section_size  }
0x9a: {  	s5 =	simm.s32 $_size__tile_overlayer_lowered;
	s6 =	simm.s32 $_tile_overlayer_lowered  }
0x9b: {  	s7 =	simm.s32 $0x1BFF;
	s21 =	sshll.u32 s6, $0x1;
	s4 =	sadd.s32 s4, s20  }
0x9c: {  	s22 =	simm.s32 $0x0;
	s5 =	sshll.u32 s5, $0x1;
	s6 =	sadd.s32 s21, s4  }
0x9d: {  	[timem:s22], [sflag:s7] =	dma.local [hbm:s6], s5  }
0x9e: {  	_ =	swait.ge [sflag:s7], s5  }
0x9f: {  	s5 =	ssub.s32 $0x0, s5;
	[sflag:s7] =	ssyncset.done $0x0  }
0xa0: {  	[sflag:s7] =	ssyncadd.s32 s5;
	_ =	sdelay $0x1  }
0xa1: {  	s23 =	simm.s32 $0x1B8B  }
0xa2: {  	_ =	swait.ge [sflag:s23], $0x1  }
0xa3: {  	[sflag:s23] =	ssyncset.done $0x0  }
0xa4: {  	[sflag:s23] =	ssyncadd.s32 $0xFFFFFFFF  }
0xa5: {  	s5 =	sld [smem:$0x0]  }
0xa6: {  	s6 =	sand.u32 $0xFFFFFFFE, s1  }
0xa7: {  	p0 =	sne.s32 s1, s6  }
0xa8: {  	s6 =	sshll.u32 @p0 s6, $0xE  }
0xa9: {  	s6 =	sadd.s32 @p0 $0x11B8D, s6;
	s7 =	sshll.u32 @p0 s5, $0x11  }
0xaa: {  	s6 =	sor.u32 @p0 s7, s6  }
0xab: {  	[sflag:s6] =	ssyncadd.remote.s32 @p0 $0x1;
	_ =	sdelay $0x1  }
0xac: {  	s6 =	simm.s32 @p0 $0x1B8D  }
0xad: {  	_ =	swait.eq @p0 [sflag:s6], $0x1  }
0xae: {  	[sflag:s6] =	ssyncadd.s32 @p0 $0xFFFFFFFF  }
0xaf: {  	s7 =	sshll.u32 @!p0 s1, $0xE  }
0xb0: {  	s7 =	sor.u32 @!p0 $0x4000, s7;
	s6 =	simm.s32 @!p0 $0x1B8D  }
0xb1: {  	s5 =	sshll.u32 @!p0 s5, $0x11;
	s7 =	sadd.s32 @!p0 $0x11B8D, s7;
	_ =	swait.eq @!p0 [sflag:s6], $0x1  }
0xb2: {  	s5 =	sor.u32 @!p0 s5, s7;
	[sflag:s6] =	ssyncadd.s32 @!p0 $0xFFFFFFFF  }
0xb3: {  	s25 =	simm.s32 $0x1B8E;
	s24 =	sld [smem:$0x3FFE];
	[sflag:s5] =	ssyncadd.remote.s32 @!p0 $0x1  }
0xb4: {  	s26 =	simm.s32 $execute0_lowered;
	[smem:$0x3FD2] =	sst s25  }
0xb5: {  	s6 =	sshll.u32 s26, $0x1;
	_ =	strace $0x8000004F;
	[dreg:$0x1] =	wrdreg $0xFFFFFFFF  }
0xb6: {  	s28 =	simm.s32 $_size_execute0_lowered;
	s4 =	sadd.s32 s4, s6;
	[dreg:$0x0] =	wrdreg $0x0  }
0xb7: {  	s6 =	sshll.u32 s28, $0x1;
	[dreg:$0x2] =	wrdreg s4  }
0xb8: {  	[dreg:$0x3] =	wrdreg s6  }
0xb9: {  	[dreg:$0x4] =	wrdreg $0xC0  }
0xba: {  	_ =	task [dreg:s22], $0x5FFFF  }
0xbb: {  	[dreg:$0x1] =	wrdreg $0xFFFFFFFF  }
0xbc: {  	[dreg:$0x0] =	wrdreg $0x60  }
0xbd: {  	[dreg:$0x2] =	wrdreg s24  }
0xbe: {  	[dreg:$0x3] =	wrdreg s18  }
0xbf: {  	[dreg:$0x4] =	wrdreg $0xC  }
0xc0: {  	_ =	task.clear_ibuf [dreg:s22], $0x5FFFF;
	_ =	strace $0x9000004F  }
0xc1: {  	s29 =	simm.s32 $0xC;
	_ =	strace $0x80000051  }
0xc2: {  	_ =	swait.ge [sflag:s29], $0x1  }
0xc3: {  	[sflag:s29] =	ssyncadd.s32 $0xFFFFFFFF  }
0xc4: {  	_ =	strace $0x90000051  }
0xc5: {  	_ =	sfence  }
0xc6: {  	s30 =	sld [smem:$0x0];
	_ =	sdelay $0x2  }
0xc7: {  	s31 =	sshll.u32 s1, $0xD;
	s1 =	sshrl.u32 s1, $0x2  }
0xc8: {  	s4 =	sand.u32 $0x4000, s31;
	s1 =	sadd.s32 s1, s30  }
0xc9: {  	s0 =	sor.u32 s4, s0;
	s1 =	sshll.u32 s1, $0x11  }
0xca: {  	s0 =	sor.u32 s1, s0  }
0xcb: {  	s0 =	sadd.s32 $0x8F2B, s0  }
0xcc: {  	[sflag:s0] =	ssyncadd.remote.s32 $0x1  }
0xcd: {  	_ =	sfence.sel $0xFFFF  }
0xce: {  	[dreg:$0x0] =	wrdreg $0xFFFFFFFF;
	(pc) =	sbr.abs _section_cstart, $3  }
0xcf: {  	[dreg:$0x1] =	wrdreg $0xFFFFFFFF  }
0xd0: {  	_ =	task.clear_ibuf [dreg:s22], $0x2FFFF;
	_ =	strace $0x9FFFFFFF  }
0xd1: {  	(tm) =	ssettm $0x7FFFFFFF  }
tec
execute0_lowered:
.L_overlay_start_1:
0x0: {  	(tag) =	ssettag $0x1  }
0x1: {  	s4 =	rddreg [dreg:$0x0]  }
0x2: {  	s1 =	srdreg.scid;
	s0 =	stileid.u32  }
0x3: {  	s2 =	rddreg [dreg:$0x1];
	s3 =	simm.s32 $0x0;
	s11 =	simm.s32 $0x1C00  }
0x4: {  	s12 =	simm.s32 $0x1;
	s13 =	simm.s32 $0x5C00;
	s14 =	simm.s32 $0x2  }
0x5: {  	s15 =	simm.s32 $0x1880;
	s16 =	simm.s32 $0x0;
	s6 =	sand.u32 $0x1, s1  }
0x6: {  	s5 =	sshll.u32 s0, $0x1;
	s1 =	rddreg [dreg:$0x2];
	s30 =	smul.u32 $0x32000, s0  }
0x7: {  	[smem:$0x7FF] =	sst s3;
	s5 =	sor.u32 s6, s5;
	s31 =	smul.u32 $0x19000, s6  }
0x8: {  	s8 =	sadd.s32 $0x97DE00, s4;
	s9 =	ssub.s32 $0x2, s6;
	s7 =	smul.u32 $0x1C00, s5  }
0x9: {  	_ =	strace $0x80000050;
	s10 =	sshrl.u32 s9, $0x1;
	s28 =	smul.u32 $0x19000, s5  }
0xa: {  	s29 =	ssub.s32 s9, s10;
	s9 =	simm.s32 $0x3;
	s7 =	sshrl.u32 s7, $0x3  }
0xb: {  	s10 =	simm.s32 $0x80;
	s5 =	smax.u32 s29, $0x1;
	s4 =	sadd.s32 s4, s7  }
0xc: {  	s7 =	sadd.s32 s8, s28;
	s8 =	sadd.s32 s30, s8;
	s4 =	sadd.s32 $0x16E00, s4  }
0xd: {  	s6 =	sadd.s32 $0x18000, s7;
	s7 =	sadd.s32 $0x18800, s7;
	s8 =	sadd.s32 s31, s8  }
.LBB2_1:
0xe: {  	[tilespmem:s3], [sflag:$0x3] =	stream.linear.gather [hbm4b:s4+s3], $0x1900, $0x38;
	[tilespmem:$0x9C00] =	vst v63  }
0xf: {  	_ =	swait.ge [sflag:s9], $0x1900  }
0x10: {  	[sflag:s9] =	ssyncset.done $0x0  }
0x11: {  	[sflag:s9] =	ssyncadd.s32 $0xFFFFE700  }
0x12: {  	[tilespmem:s11], [sflag:$0x1] =	stream.indirect.gather [hbm4b:s2+s10], $0x80, s3, s10, $0xb8;
	[tilespmem:$0x9C00] =	vst v63  }
0x13: {  	_ =	swait.ge [sflag:s12], $0x4000  }
0x14: {  	[sflag:s12] =	ssyncset.done $0x0  }
0x15: {  	s17 =	simm.s32 $0x80;
	[sflag:s12] =	ssyncadd.s32 $0xFFFFC000  }
0x16: {  	[tilespmem:s13], [sflag:$0x2] =	stream.indirect.gather [hbm4b:s2+s10], $0x80, s17, s10, $0xb8;
	[tilespmem:$0x9C00] =	vst v63  }
0x17: {  	s18 =	sadd.s32 $0x0, s8  }
0x18: {  	[hbm4b:s18+s3] =	stream.linear.scatter [tilespmem:s11], [sflag:$0x3], $0x4000, $0x38;
	[tilespmem:$0x9C00] =	vst v63  }
0x19: {  	_ =	swait.ge [sflag:s9], $0x4000  }
0x1a: {  	[sflag:s9] =	ssyncset.done $0x0  }
0x1b: {  	[sflag:s9] =	ssyncadd.s32 $0xFFFFC000  }
0x1c: {  	_ =	swait.ge [sflag:s14], $0x4000  }
0x1d: {  	[sflag:s14] =	ssyncset.done $0x0  }
0x1e: {  	s17 =	simm.s32 $0x100;
	[sflag:s14] =	ssyncadd.s32 $0xFFFFC000  }
0x1f: {  	[tilespmem:s11], [sflag:$0x1] =	stream.indirect.gather [hbm4b:s2+s10], $0x80, s17, s10, $0xb8;
	[tilespmem:$0x9C00] =	vst v63  }
0x20: {  	s18 =	sadd.s32 $0x800, s18  }
0x21: {  	[hbm4b:s18+s3] =	stream.linear.scatter [tilespmem:s13], [sflag:$0x3], $0x4000, $0x38;
	[tilespmem:$0x9C00] =	vst v63  }
0x22: {  	_ =	swait.ge [sflag:s9], $0x4000  }
0x23: {  	s18 =	simm.s32 $0x1000;
	[sflag:s9] =	ssyncset.done $0x0  }
.LBB2_2:
0x24: {  	p0 =	sne.s32 s18, $0x17000;
	[sflag:s9] =	ssyncadd.s32 $0xFFFFC000;
	s17 =	sadd.s32 $0x100, s17  }
0x25: {  	s19 =	smov.u32 s18;
	s18 =	sadd.s32 $0x1000, s18  }
0x26: {  	_ =	swait.ge [sflag:s12], $0x4000  }
0x27: {  	[sflag:s12] =	ssyncset.done $0x0  }
0x28: {  	s20 =	sadd.s32 $0xFFFFFF80, s17;
	[sflag:s12] =	ssyncadd.s32 $0xFFFFC000  }
0x29: {  	[tilespmem:s13], [sflag:$0x2] =	stream.indirect.gather [hbm4b:s2+s10], $0x80, s20, s10, $0xb8;
	[tilespmem:$0x9C00] =	vst v63  }
0x2a: {  	s19 =	sadd.s32 s19, s8  }
0x2b: {  	[hbm4b:s19+s3] =	stream.linear.scatter [tilespmem:s11], [sflag:$0x3], $0x4000, $0x38;
	[tilespmem:$0x9C00] =	vst v63  }
0x2c: {  	_ =	swait.ge [sflag:s9], $0x4000  }
0x2d: {  	[sflag:s9] =	ssyncset.done $0x0  }
0x2e: {  	[sflag:s9] =	ssyncadd.s32 $0xFFFFC000  }
0x2f: {  	_ =	swait.ge [sflag:s14], $0x4000  }
0x30: {  	[sflag:s14] =	ssyncset.done $0x0  }
0x31: {  	[sflag:s14] =	ssyncadd.s32 $0xFFFFC000  }
0x32: {  	[tilespmem:s11], [sflag:$0x1] =	stream.indirect.gather [hbm4b:s2+s10], $0x80, s17, s10, $0xb8;
	[tilespmem:$0x9C00] =	vst v63  }
.Ltmp0:
0x33: {  	_ = 	snop;
	(pc) =	sbr.rel @p0 .LBB2_2-.Ltmp0, $4  }
0x34: {  	s19 =	sadd.s32 $0x800, s19  }
0x35: {  	[hbm4b:s19+s3] =	stream.linear.scatter [tilespmem:s13], [sflag:$0x3], $0x4000, $0x38;
	[tilespmem:$0x9C00] =	vst v63  }
0x36: {  	_ =	swait.ge [sflag:s9], $0x4000  }
0x37: {  	[sflag:s9] =	ssyncset.done $0x0  }
0x38: {  	[sflag:s9] =	ssyncadd.s32 $0xFFFFC000  }
0x39: {  	_ =	swait.ge [sflag:s12], $0x4000  }
0x3a: {  	[sflag:s12] =	ssyncset.done $0x0  }
0x3b: {  	[sflag:s12] =	ssyncadd.s32 $0xFFFFC000  }
0x3c: {  	[tilespmem:s13], [sflag:$0x2] =	stream.indirect.gather [hbm4b:s2+s10], $0x80, s15, s10, $0xb8;
	[tilespmem:$0x9C00] =	vst v63  }
0x3d: {  	_ = 	snop  }
0x3e: {  	[hbm4b:s6+s3] =	stream.linear.scatter [tilespmem:s11], [sflag:$0x3], $0x4000, $0x38;
	[tilespmem:$0x9C00] =	vst v63  }
0x3f: {  	_ =	swait.ge [sflag:s9], $0x4000  }
0x40: {  	[sflag:s9] =	ssyncset.done $0x0  }
0x41: {  	[sflag:s9] =	ssyncadd.s32 $0xFFFFC000  }
0x42: {  	s16 =	sadd.s32 $0x1, s16;
	_ =	swait.ge [sflag:s14], $0x4000  }
0x43: {  	p0 =	sne.s32 s16, s5;
	[sflag:s14] =	ssyncset.done $0x0  }
.Ltmp1:
0x44: {  	[sflag:s14] =	ssyncadd.s32 $0xFFFFC000;
	(pc) =	sbr.rel @p0 .LBB2_1-.Ltmp1, $4  }
0x45: {  	[hbm4b:s7+s3] =	stream.linear.scatter [tilespmem:s13], [sflag:$0x3], $0x4000, $0x38;
	[tilespmem:$0x9C00] =	vst v63  }
0x46: {  	_ =	swait.ge [sflag:s9], $0x4000  }
0x47: {  	[sflag:s9] =	ssyncset.done $0x0  }
0x48: {  	[sflag:s9] =	ssyncadd.s32 $0xFFFFC000  }
0x49: {  	_ =	sfence.sel $0x180000  }
0x4a: {  	[bflag:$0x0] =	sbarrier.arrive $0xFFFF  }
0x4b: {  	p0 =	sne.s32 s0, $0x0;
	_ =	strace $0x90000050  }
0x4c: {  	s0 =	sadd.s32 @!p0 $0x100000, s1;
	[bflag:$0x2] =	sbarrier.arrive $0xFFFF  }
0x4d: {  	[sflag:s0] =	ssyncadd.tile.s32 @!p0 $0x1;
	_ =	shalt  }
.Lfunc_end2:
_tile_overlayer_lowered:
.L_overlay_start_2:
0x4e: {  	(tag) =	ssettag $0x2  }
0x4f: {  	s0 =	rddreg [dreg:$0x0];
	s2 =	stileid.u32  }
0x50: {  	s1 =	rddreg [dreg:$0x1];
	p0 =	sne.s32 s2, $0x0  }
0x51: {  	s3 =	rddreg [dreg:$0x2];
	[bflag:$0x3] =	sbarrier.arrive $0xFFFF;
	s2 =	simm.s32 @!p0 $0x1C03  }
0x52: {  	[timem:s3], [sflag:s2] =	dma.local @!p0 [hbm:s0], s1  }
0x53: {  	s0 =	simm.s32 @!p0 $0x3  }
0x54: {  	_ =	swait.ge @!p0 [sflag:s0], s1  }
0x55: {  	s1 =	ssub.s32 @!p0 $0x0, s1;
	[sflag:s0] =	ssyncset.done @!p0 $0x0  }
0x56: {  	[sflag:s0] =	ssyncadd.s32 @!p0 s1  }
0x57: {  	[bflag:$0x3] =	sbarrier.arrive $0xFFFF  }
0x58: {  	_ =	shalt  }

</sc_bundles>
